<compile_context>
chip_gen: v7x
topology: tpu7x:2x2x1
jax: 0.10.2.dev20260603
libtpu: 0.0.44.dev20260713+nightly
codegen_flags: <defaults>
</compile_context>

<pallas_src>
import functools

import jax
import jax.numpy as jnp
from jax import lax
from jax.experimental import pallas as pl
from jax.experimental.pallas import tpu as pltpu
from jax.experimental.pallas import tpu_sc as plsc

EMBED = 64
ROWS = 16384
COLS = 50
NC = 2
NS = 16
NW = NC * NS
NCALL = 2
CROWS = ROWS // NCALL
R_PER_W = CROWS // NW
CR = 8
NCHUNK = R_PER_W // CR
NPAIR = NCHUNK // 2

_mesh = plsc.VectorSubcoreMesh(core_axis_name="c", subcore_axis_name="s")


@functools.partial(
    pl.kernel,
    mesh=_mesh,
    out_type=jax.ShapeDtypeStruct((CROWS, COLS, EMBED), jnp.float32),
    scratch_types=[
        pltpu.VMEM((2, CR, COLS), jnp.int32),
        pltpu.VMEM((2, CR, COLS, EMBED), jnp.float32),
        pltpu.SemaphoreType.DMA,
        pltpu.SemaphoreType.DMA,
        pltpu.SemaphoreType.DMA,
        pltpu.SemaphoreType.DMA,
    ],
    compiler_params=pltpu.CompilerParams(use_tc_tiling_on_sc=False),
)
def _embed_sc(x_hbm, table_hbm, out_hbm, idx_v, rows_v, sem_g0, sem_g1,
              sem_w0, sem_w1):
    wid = lax.axis_index("s") * NC + lax.axis_index("c")
    base = wid * R_PER_W
    sem_g = (sem_g0, sem_g1)
    sem_w = (sem_w0, sem_w1)

    def load_idx(c, b):
        xr = pl.multiple_of(base + c * CR, CR)
        pltpu.sync_copy(x_hbm.at[pl.ds(xr, CR)], idx_v.at[b])

    def fire_gathers(b):
        for r in range(CR):
            pltpu.async_copy(
                table_hbm.at[idx_v.at[b, r]],
                rows_v.at[b, r],
                sem_g[b],
            )

    def wait_gathers(b):
        for r in range(CR):
            pltpu.make_async_copy(
                table_hbm.at[idx_v.at[b, r]],
                rows_v.at[b, r],
                sem_g[b],
            ).wait()

    def fire_writeback(c, b):
        xr = pl.multiple_of(base + c * CR, CR)
        pltpu.async_copy(rows_v.at[b], out_hbm.at[pl.ds(xr, CR)], sem_w[b])

    def wait_writeback(b):
        pltpu.make_async_copy(
            rows_v.at[b], out_hbm.at[pl.ds(0, CR)], sem_w[b]
        ).wait()

    load_idx(0, 0)
    fire_gathers(0)

    def body(g, carry):
        c0 = g * 2
        c1 = c0 + 1
        load_idx(c1, 1)

        @pl.when(g > 0)
        def _():
            wait_writeback(1)

        fire_gathers(1)
        wait_gathers(0)
        fire_writeback(c0, 0)

        @pl.when(g < NPAIR - 1)
        def _():
            load_idx(c0 + 2, 0)
            wait_writeback(0)
            fire_gathers(0)

        wait_gathers(1)
        fire_writeback(c1, 1)
        return carry

    lax.fori_loop(0, NPAIR, body, 0)
    wait_writeback(0)
    wait_writeback(1)


def kernel(x, table):
    xi = x.astype(jnp.int32)
    parts = [
        _embed_sc(lax.slice_in_dim(xi, k * CROWS, (k + 1) * CROWS, axis=0),
                  table)
        for k in range(NCALL)
    ]
    return jnp.concatenate(parts, axis=0)

# --- scband reference (transcript-rebuilt; emitter-appended) ---
"""Pipeline reference for scband-embedding-12541304504969 (READ-ONLY COPY).

The authoritative reference and input builder live on the scoring server;
editing this copy changes nothing except your own understanding.
"""

import jax, jax.numpy as jnp
import numpy as np

VOCAB = 1000000
EMBED = 64

def setup_inputs(seed: int = 0) -> dict:
    key = jax.random.key(seed)
    k1, k2 = jax.random.split(key)
    x = jax.random.randint(k1, (16384, 50), 0, VOCAB, dtype=jnp.int64 if jax.config.jax_enable_x64 else jnp.int32)
    table = jax.random.normal(k2, (VOCAB, EMBED), dtype=jnp.float32)
    return {"x": x, "table": table}

def reference(x, table):
    # Faithful translation: bounds check then embedding gather.
    # (In jax we perform the gather; bounds are guaranteed by setup_inputs.)
    return jnp.take(table, x, axis=0)

if __name__ == "__main__":
    import jax
    _d = setup_inputs()
    print(jax.jit(kernel)(*tuple(_d.values())))

</pallas_src>

<mosaic_0001>
#map = affine_map<(d0, d1) -> (0, 0)>
#map1 = affine_map<(d0, d1) -> (0, 0, 0)>
module attributes {stable_mosaic.version = 14 : i64} {
  func.func @_embed_sc(%arg0: i32, %arg1: i32, %arg2: memref<8192x50xi32, #tpu.memory_space<hbm>>, %arg3: memref<1000000x64xf32, #tpu.memory_space<hbm>>, %arg4: memref<8192x50x64xf32, #tpu.memory_space<hbm>>, %arg5: memref<2x8x50xi32, #tpu.memory_space<vmem>>, %arg6: memref<2x8x50x64xf32, #tpu.memory_space<vmem>>, %arg7: memref<!tpu.dma_semaphore, #tpu.memory_space<semaphore_mem>>, %arg8: memref<!tpu.dma_semaphore, #tpu.memory_space<semaphore_mem>>, %arg9: memref<!tpu.dma_semaphore, #tpu.memory_space<semaphore_mem>>, %arg10: memref<!tpu.dma_semaphore, #tpu.memory_space<semaphore_mem>>) attributes {dimension_semantics = [#tpu.dimension_semantics<core_parallel>, #tpu.dimension_semantics<subcore_parallel>], iteration_bounds = array<i64: 2, 16>, scalar_prefetch = 0 : i64, scratch_operands = 6 : i64, tpu.core_type = #tpu.core_type<sc_vector_subcore>, window_params = [{transform_indices = #map}, {transform_indices = #map}, {transform_indices = #map1}]} {
    %mul3A = arith.constant 2 : i32
    %mul3A_0 = arith.muli %arg1, %mul3A : i32
    %add3A = arith.addi %mul3A_0, %arg0 : i32
    %mul3A_1 = arith.constant 256 : i32
    %mul3A_2 = arith.muli %add3A, %mul3A_1 : i32
    %add3A_3 = arith.constant 0 : i32
    %add3A_4 = arith.addi %mul3A_2, %add3A_3 : i32
    %multiple_of3A = tpu.assume_multiple %add3A_4, 8 : i32
    %run_scoped3A = arith.constant 0 : i32
    "tpu.region"() ({
      %run_scoped3A_158 = tpu.sem_alloc : memref<!tpu.dma_semaphore, #tpu.memory_space<semaphore_mem>>
      %dma_start3A_159 = arith.constant 0 : i32
      %dma_start3A_160 = arith.constant 0 : i32
      %dma_start3A_161 = tpu.memref_slice %arg5[%run_scoped3A, %dma_start3A_159, %dma_start3A_160] : memref<2x8x50xi32, #tpu.memory_space<vmem>> -> memref<1x8x50xi32, #tpu.memory_space<vmem>>
      %dma_start3A_162 = tpu.memref_squeeze %dma_start3A_161 : memref<1x8x50xi32, #tpu.memory_space<vmem>> -> memref<8x50xi32, #tpu.memory_space<vmem>>
      %dma_start3A_163 = arith.constant 0 : i32
      %dma_start3A_164 = tpu.memref_slice %arg2[%multiple_of3A, %dma_start3A_163] : memref<8192x50xi32, #tpu.memory_space<hbm>> -> memref<8x50xi32, #tpu.memory_space<hbm>>
      %dma_start3A_165 = arith.constant 0 : i32
      %dma_start3A_166 = arith.constant 0 : i32
      %dma_start3A_167 = tpu.memref_slice %arg5[%run_scoped3A, %dma_start3A_165, %dma_start3A_166] : memref<2x8x50xi32, #tpu.memory_space<vmem>> -> memref<1x8x50xi32, #tpu.memory_space<vmem>>
      %dma_start3A_168 = tpu.memref_squeeze %dma_start3A_167 : memref<1x8x50xi32, #tpu.memory_space<vmem>> -> memref<8x50xi32, #tpu.memory_space<vmem>>
      %dma_start3A_169 = arith.constant 0 : i32
      %dma_start3A_170 = tpu.memref_slice %arg2[%multiple_of3A, %dma_start3A_169] : memref<8192x50xi32, #tpu.memory_space<hbm>> -> memref<8x50xi32, #tpu.memory_space<hbm>>
      tpu.enqueue_dma source(%dma_start3A_170 : memref<8x50xi32, #tpu.memory_space<hbm>>) target(%dma_start3A_168 : memref<8x50xi32, #tpu.memory_space<vmem>>) target_semaphore(%run_scoped3A_158 : memref<!tpu.dma_semaphore, #tpu.memory_space<semaphore_mem>>)
      %dma_wait3A_171 = arith.constant 0 : i32
      %dma_wait3A_172 = arith.constant 0 : i32
      %dma_wait3A_173 = tpu.memref_slice %arg5[%run_scoped3A, %dma_wait3A_171, %dma_wait3A_172] : memref<2x8x50xi32, #tpu.memory_space<vmem>> -> memref<1x8x50xi32, #tpu.memory_space<vmem>>
      %dma_wait3A_174 = tpu.memref_squeeze %dma_wait3A_173 : memref<1x8x50xi32, #tpu.memory_space<vmem>> -> memref<8x50xi32, #tpu.memory_space<vmem>>
      %dma_wait3A_175 = arith.constant 0 : i32
      %dma_wait3A_176 = tpu.memref_slice %arg2[%multiple_of3A, %dma_wait3A_175] : memref<8192x50xi32, #tpu.memory_space<hbm>> -> memref<8x50xi32, #tpu.memory_space<hbm>>
      %dma_wait3A_177 = arith.constant 0 : i32
      %dma_wait3A_178 = arith.constant 0 : i32
      %dma_wait3A_179 = tpu.memref_slice %arg5[%run_scoped3A, %dma_wait3A_177, %dma_wait3A_178] : memref<2x8x50xi32, #tpu.memory_space<vmem>> -> memref<1x8x50xi32, #tpu.memory_space<vmem>>
      %dma_wait3A_180 = tpu.memref_squeeze %dma_wait3A_179 : memref<1x8x50xi32, #tpu.memory_space<vmem>> -> memref<8x50xi32, #tpu.memory_space<vmem>>
      %dma_wait3A_181 = arith.constant 0 : i32
      %dma_wait3A_182 = tpu.memref_slice %arg2[%multiple_of3A, %dma_wait3A_181] : memref<8192x50xi32, #tpu.memory_space<hbm>> -> memref<8x50xi32, #tpu.memory_space<hbm>>
      tpu.wait_dma2 semaphore(%run_scoped3A_158 : memref<!tpu.dma_semaphore, #tpu.memory_space<semaphore_mem>>) src(%dma_wait3A_182 : memref<8x50xi32, #tpu.memory_space<hbm>>) dst(%dma_wait3A_180 : memref<8x50xi32, #tpu.memory_space<vmem>>)
      tpu.yield
    }) : () -> ()
    %dma_start3A = arith.constant 0 : i32
    %dma_start3A_5 = arith.constant 0 : i32
    %dma_start3A_6 = arith.constant 0 : i32
    %dma_start3A_7 = arith.constant 0 : i32
    %dma_start3A_8 = arith.constant 0 : i32
    %dma_start3A_9 = arith.constant 0 : i32
    %dma_start3A_10 = tpu.memref_slice %arg6[%dma_start3A_6, %dma_start3A_7, %dma_start3A_8, %dma_start3A_9] : memref<2x8x50x64xf32, #tpu.memory_space<vmem>> -> memref<1x1x50x64xf32, #tpu.memory_space<vmem>>
    %dma_start3A_11 = tpu.memref_squeeze %dma_start3A_10 : memref<1x1x50x64xf32, #tpu.memory_space<vmem>> -> memref<50x64xf32, #tpu.memory_space<vmem>>
    %dma_start3A_12 = arith.constant 0 : i32
    %dma_start3A_13 = tpu.memref_slice %arg5[%dma_start3A, %dma_start3A_5, %dma_start3A_12] : memref<2x8x50xi32, #tpu.memory_space<vmem>> -> memref<1x1x50xi32, #tpu.memory_space<vmem>>
    %dma_start3A_14 = tpu.memref_squeeze %dma_start3A_13 : memref<1x1x50xi32, #tpu.memory_space<vmem>> -> memref<50xi32, #tpu.memory_space<vmem>>
    %dma_start3A_15 = arith.constant 0 : i32
    %dma_start3A_16 = arith.constant 0 : i32
    %dma_start3A_17 = tpu.memref_slice %arg3[%dma_start3A_15, %dma_start3A_16] : memref<1000000x64xf32, #tpu.memory_space<hbm>> -> memref<1000000x64xf32, #tpu.memory_space<hbm>>
    tpu.enqueue_indirect_dma source(%dma_start3A_17 : memref<1000000x64xf32, #tpu.memory_space<hbm>>) target(%dma_start3A_11 : memref<50x64xf32, #tpu.memory_space<vmem>>) offsets(%dma_start3A_14 : memref<50xi32, #tpu.memory_space<vmem>>) semaphore(%arg7 : memref<!tpu.dma_semaphore, #tpu.memory_space<semaphore_mem>>)
    %dma_start3A_18 = arith.constant 0 : i32
    %dma_start3A_19 = arith.constant 1 : i32
    %dma_start3A_20 = arith.constant 0 : i32
    %dma_start3A_21 = arith.constant 1 : i32
    %dma_start3A_22 = arith.constant 0 : i32
    %dma_start3A_23 = arith.constant 0 : i32
    %dma_start3A_24 = tpu.memref_slice %arg6[%dma_start3A_20, %dma_start3A_21, %dma_start3A_22, %dma_start3A_23] : memref<2x8x50x64xf32, #tpu.memory_space<vmem>> -> memref<1x1x50x64xf32, #tpu.memory_space<vmem>>
    %dma_start3A_25 = tpu.memref_squeeze %dma_start3A_24 : memref<1x1x50x64xf32, #tpu.memory_space<vmem>> -> memref<50x64xf32, #tpu.memory_space<vmem>>
    %dma_start3A_26 = arith.constant 0 : i32
    %dma_start3A_27 = tpu.memref_slice %arg5[%dma_start3A_18, %dma_start3A_19, %dma_start3A_26] : memref<2x8x50xi32, #tpu.memory_space<vmem>> -> memref<1x1x50xi32, #tpu.memory_space<vmem>>
    %dma_start3A_28 = tpu.memref_squeeze %dma_start3A_27 : memref<1x1x50xi32, #tpu.memory_space<vmem>> -> memref<50xi32, #tpu.memory_space<vmem>>
    %dma_start3A_29 = arith.constant 0 : i32
    %dma_start3A_30 = arith.constant 0 : i32
    %dma_start3A_31 = tpu.memref_slice %arg3[%dma_start3A_29, %dma_start3A_30] : memref<1000000x64xf32, #tpu.memory_space<hbm>> -> memref<1000000x64xf32, #tpu.memory_space<hbm>>
    tpu.enqueue_indirect_dma source(%dma_start3A_31 : memref<1000000x64xf32, #tpu.memory_space<hbm>>) target(%dma_start3A_25 : memref<50x64xf32, #tpu.memory_space<vmem>>) offsets(%dma_start3A_28 : memref<50xi32, #tpu.memory_space<vmem>>) semaphore(%arg7 : memref<!tpu.dma_semaphore, #tpu.memory_space<semaphore_mem>>)
    %dma_start3A_32 = arith.constant 0 : i32
    %dma_start3A_33 = arith.constant 2 : i32
    %dma_start3A_34 = arith.constant 0 : i32
    %dma_start3A_35 = arith.constant 2 : i32
    %dma_start3A_36 = arith.constant 0 : i32
    %dma_start3A_37 = arith.constant 0 : i32
    %dma_start3A_38 = tpu.memref_slice %arg6[%dma_start3A_34, %dma_start3A_35, %dma_start3A_36, %dma_start3A_37] : memref<2x8x50x64xf32, #tpu.memory_space<vmem>> -> memref<1x1x50x64xf32, #tpu.memory_space<vmem>>
    %dma_start3A_39 = tpu.memref_squeeze %dma_start3A_38 : memref<1x1x50x64xf32, #tpu.memory_space<vmem>> -> memref<50x64xf32, #tpu.memory_space<vmem>>
    %dma_start3A_40 = arith.constant 0 : i32
    %dma_start3A_41 = tpu.memref_slice %arg5[%dma_start3A_32, %dma_start3A_33, %dma_start3A_40] : memref<2x8x50xi32, #tpu.memory_space<vmem>> -> memref<1x1x50xi32, #tpu.memory_space<vmem>>
    %dma_start3A_42 = tpu.memref_squeeze %dma_start3A_41 : memref<1x1x50xi32, #tpu.memory_space<vmem>> -> memref<50xi32, #tpu.memory_space<vmem>>
    %dma_start3A_43 = arith.constant 0 : i32
    %dma_start3A_44 = arith.constant 0 : i32
    %dma_start3A_45 = tpu.memref_slice %arg3[%dma_start3A_43, %dma_start3A_44] : memref<1000000x64xf32, #tpu.memory_space<hbm>> -> memref<1000000x64xf32, #tpu.memory_space<hbm>>
    tpu.enqueue_indirect_dma source(%dma_start3A_45 : memref<1000000x64xf32, #tpu.memory_space<hbm>>) target(%dma_start3A_39 : memref<50x64xf32, #tpu.memory_space<vmem>>) offsets(%dma_start3A_42 : memref<50xi32, #tpu.memory_space<vmem>>) semaphore(%arg7 : memref<!tpu.dma_semaphore, #tpu.memory_space<semaphore_mem>>)
    %dma_start3A_46 = arith.constant 0 : i32
    %dma_start3A_47 = arith.constant 3 : i32
    %dma_start3A_48 = arith.constant 0 : i32
    %dma_start3A_49 = arith.constant 3 : i32
    %dma_start3A_50 = arith.constant 0 : i32
    %dma_start3A_51 = arith.constant 0 : i32
    %dma_start3A_52 = tpu.memref_slice %arg6[%dma_start3A_48, %dma_start3A_49, %dma_start3A_50, %dma_start3A_51] : memref<2x8x50x64xf32, #tpu.memory_space<vmem>> -> memref<1x1x50x64xf32, #tpu.memory_space<vmem>>
    %dma_start3A_53 = tpu.memref_squeeze %dma_start3A_52 : memref<1x1x50x64xf32, #tpu.memory_space<vmem>> -> memref<50x64xf32, #tpu.memory_space<vmem>>
    %dma_start3A_54 = arith.constant 0 : i32
    %dma_start3A_55 = tpu.memref_slice %arg5[%dma_start3A_46, %dma_start3A_47, %dma_start3A_54] : memref<2x8x50xi32, #tpu.memory_space<vmem>> -> memref<1x1x50xi32, #tpu.memory_space<vmem>>
    %dma_start3A_56 = tpu.memref_squeeze %dma_start3A_55 : memref<1x1x50xi32, #tpu.memory_space<vmem>> -> memref<50xi32, #tpu.memory_space<vmem>>
    %dma_start3A_57 = arith.constant 0 : i32
    %dma_start3A_58 = arith.constant 0 : i32
    %dma_start3A_59 = tpu.memref_slice %arg3[%dma_start3A_57, %dma_start3A_58] : memref<1000000x64xf32, #tpu.memory_space<hbm>> -> memref<1000000x64xf32, #tpu.memory_space<hbm>>
    tpu.enqueue_indirect_dma source(%dma_start3A_59 : memref<1000000x64xf32, #tpu.memory_space<hbm>>) target(%dma_start3A_53 : memref<50x64xf32, #tpu.memory_space<vmem>>) offsets(%dma_start3A_56 : memref<50xi32, #tpu.memory_space<vmem>>) semaphore(%arg7 : memref<!tpu.dma_semaphore, #tpu.memory_space<semaphore_mem>>)
    %dma_start3A_60 = arith.constant 0 : i32
    %dma_start3A_61 = arith.constant 4 : i32
    %dma_start3A_62 = arith.constant 0 : i32
    %dma_start3A_63 = arith.constant 4 : i32
    %dma_start3A_64 = arith.constant 0 : i32
    %dma_start3A_65 = arith.constant 0 : i32
    %dma_start3A_66 = tpu.memref_slice %arg6[%dma_start3A_62, %dma_start3A_63, %dma_start3A_64, %dma_start3A_65] : memref<2x8x50x64xf32, #tpu.memory_space<vmem>> -> memref<1x1x50x64xf32, #tpu.memory_space<vmem>>
    %dma_start3A_67 = tpu.memref_squeeze %dma_start3A_66 : memref<1x1x50x64xf32, #tpu.memory_space<vmem>> -> memref<50x64xf32, #tpu.memory_space<vmem>>
    %dma_start3A_68 = arith.constant 0 : i32
    %dma_start3A_69 = tpu.memref_slice %arg5[%dma_start3A_60, %dma_start3A_61, %dma_start3A_68] : memref<2x8x50xi32, #tpu.memory_space<vmem>> -> memref<1x1x50xi32, #tpu.memory_space<vmem>>
    %dma_start3A_70 = tpu.memref_squeeze %dma_start3A_69 : memref<1x1x50xi32, #tpu.memory_space<vmem>> -> memref<50xi32, #tpu.memory_space<vmem>>
    %dma_start3A_71 = arith.constant 0 : i32
    %dma_start3A_72 = arith.constant 0 : i32
    %dma_start3A_73 = tpu.memref_slice %arg3[%dma_start3A_71, %dma_start3A_72] : memref<1000000x64xf32, #tpu.memory_space<hbm>> -> memref<1000000x64xf32, #tpu.memory_space<hbm>>
    tpu.enqueue_indirect_dma source(%dma_start3A_73 : memref<1000000x64xf32, #tpu.memory_space<hbm>>) target(%dma_start3A_67 : memref<50x64xf32, #tpu.memory_space<vmem>>) offsets(%dma_start3A_70 : memref<50xi32, #tpu.memory_space<vmem>>) semaphore(%arg7 : memref<!tpu.dma_semaphore, #tpu.memory_space<semaphore_mem>>)
    %dma_start3A_74 = arith.constant 0 : i32
    %dma_start3A_75 = arith.constant 5 : i32
    %dma_start3A_76 = arith.constant 0 : i32
    %dma_start3A_77 = arith.constant 5 : i32
    %dma_start3A_78 = arith.constant 0 : i32
    %dma_start3A_79 = arith.constant 0 : i32
    %dma_start3A_80 = tpu.memref_slice %arg6[%dma_start3A_76, %dma_start3A_77, %dma_start3A_78, %dma_start3A_79] : memref<2x8x50x64xf32, #tpu.memory_space<vmem>> -> memref<1x1x50x64xf32, #tpu.memory_space<vmem>>
    %dma_start3A_81 = tpu.memref_squeeze %dma_start3A_80 : memref<1x1x50x64xf32, #tpu.memory_space<vmem>> -> memref<50x64xf32, #tpu.memory_space<vmem>>
    %dma_start3A_82 = arith.constant 0 : i32
    %dma_start3A_83 = tpu.memref_slice %arg5[%dma_start3A_74, %dma_start3A_75, %dma_start3A_82] : memref<2x8x50xi32, #tpu.memory_space<vmem>> -> memref<1x1x50xi32, #tpu.memory_space<vmem>>
    %dma_start3A_84 = tpu.memref_squeeze %dma_start3A_83 : memref<1x1x50xi32, #tpu.memory_space<vmem>> -> memref<50xi32, #tpu.memory_space<vmem>>
    %dma_start3A_85 = arith.constant 0 : i32
    %dma_start3A_86 = arith.constant 0 : i32
    %dma_start3A_87 = tpu.memref_slice %arg3[%dma_start3A_85, %dma_start3A_86] : memref<1000000x64xf32, #tpu.memory_space<hbm>> -> memref<1000000x64xf32, #tpu.memory_space<hbm>>
    tpu.enqueue_indirect_dma source(%dma_start3A_87 : memref<1000000x64xf32, #tpu.memory_space<hbm>>) target(%dma_start3A_81 : memref<50x64xf32, #tpu.memory_space<vmem>>) offsets(%dma_start3A_84 : memref<50xi32, #tpu.memory_space<vmem>>) semaphore(%arg7 : memref<!tpu.dma_semaphore, #tpu.memory_space<semaphore_mem>>)
    %dma_start3A_88 = arith.constant 0 : i32
    %dma_start3A_89 = arith.constant 6 : i32
    %dma_start3A_90 = arith.constant 0 : i32
    %dma_start3A_91 = arith.constant 6 : i32
    %dma_start3A_92 = arith.constant 0 : i32
    %dma_start3A_93 = arith.constant 0 : i32
    %dma_start3A_94 = tpu.memref_slice %arg6[%dma_start3A_90, %dma_start3A_91, %dma_start3A_92, %dma_start3A_93] : memref<2x8x50x64xf32, #tpu.memory_space<vmem>> -> memref<1x1x50x64xf32, #tpu.memory_space<vmem>>
    %dma_start3A_95 = tpu.memref_squeeze %dma_start3A_94 : memref<1x1x50x64xf32, #tpu.memory_space<vmem>> -> memref<50x64xf32, #tpu.memory_space<vmem>>
    %dma_start3A_96 = arith.constant 0 : i32
    %dma_start3A_97 = tpu.memref_slice %arg5[%dma_start3A_88, %dma_start3A_89, %dma_start3A_96] : memref<2x8x50xi32, #tpu.memory_space<vmem>> -> memref<1x1x50xi32, #tpu.memory_space<vmem>>
    %dma_start3A_98 = tpu.memref_squeeze %dma_start3A_97 : memref<1x1x50xi32, #tpu.memory_space<vmem>> -> memref<50xi32, #tpu.memory_space<vmem>>
    %dma_start3A_99 = arith.constant 0 : i32
    %dma_start3A_100 = arith.constant 0 : i32
    %dma_start3A_101 = tpu.memref_slice %arg3[%dma_start3A_99, %dma_start3A_100] : memref<1000000x64xf32, #tpu.memory_space<hbm>> -> memref<1000000x64xf32, #tpu.memory_space<hbm>>
    tpu.enqueue_indirect_dma source(%dma_start3A_101 : memref<1000000x64xf32, #tpu.memory_space<hbm>>) target(%dma_start3A_95 : memref<50x64xf32, #tpu.memory_space<vmem>>) offsets(%dma_start3A_98 : memref<50xi32, #tpu.memory_space<vmem>>) semaphore(%arg7 : memref<!tpu.dma_semaphore, #tpu.memory_space<semaphore_mem>>)
    %dma_start3A_102 = arith.constant 0 : i32
    %dma_start3A_103 = arith.constant 7 : i32
    %dma_start3A_104 = arith.constant 0 : i32
    %dma_start3A_105 = arith.constant 7 : i32
    %dma_start3A_106 = arith.constant 0 : i32
    %dma_start3A_107 = arith.constant 0 : i32
    %dma_start3A_108 = tpu.memref_slice %arg6[%dma_start3A_104, %dma_start3A_105, %dma_start3A_106, %dma_start3A_107] : memref<2x8x50x64xf32, #tpu.memory_space<vmem>> -> memref<1x1x50x64xf32, #tpu.memory_space<vmem>>
    %dma_start3A_109 = tpu.memref_squeeze %dma_start3A_108 : memref<1x1x50x64xf32, #tpu.memory_space<vmem>> -> memref<50x64xf32, #tpu.memory_space<vmem>>
    %dma_start3A_110 = arith.constant 0 : i32
    %dma_start3A_111 = tpu.memref_slice %arg5[%dma_start3A_102, %dma_start3A_103, %dma_start3A_110] : memref<2x8x50xi32, #tpu.memory_space<vmem>> -> memref<1x1x50xi32, #tpu.memory_space<vmem>>
    %dma_start3A_112 = tpu.memref_squeeze %dma_start3A_111 : memref<1x1x50xi32, #tpu.memory_space<vmem>> -> memref<50xi32, #tpu.memory_space<vmem>>
    %dma_start3A_113 = arith.constant 0 : i32
    %dma_start3A_114 = arith.constant 0 : i32
    %dma_start3A_115 = tpu.memref_slice %arg3[%dma_start3A_113, %dma_start3A_114] : memref<1000000x64xf32, #tpu.memory_space<hbm>> -> memref<1000000x64xf32, #tpu.memory_space<hbm>>
    tpu.enqueue_indirect_dma source(%dma_start3A_115 : memref<1000000x64xf32, #tpu.memory_space<hbm>>) target(%dma_start3A_109 : memref<50x64xf32, #tpu.memory_space<vmem>>) offsets(%dma_start3A_112 : memref<50xi32, #tpu.memory_space<vmem>>) semaphore(%arg7 : memref<!tpu.dma_semaphore, #tpu.memory_space<semaphore_mem>>)
    %scan3A = arith.constant 0 : i32
    %scan3A_116 = arith.constant 0 : i32
    %scan3A_117 = arith.constant 16 : i32
    %scan3A_118 = arith.addi %scan3A_116, %scan3A_117 : i32
    %scan3A_119 = arith.constant 1 : i32
    scf.for %scan3A_158 = %scan3A_116 to %scan3A_118 step %scan3A_119  : i32 {
      %mul3A_159 = arith.constant 2 : i32
      %mul3A_160 = arith.muli %scan3A_158, %mul3A_159 : i32
      %add3A_161 = arith.constant 1 : i32
      %add3A_162 = arith.addi %mul3A_160, %add3A_161 : i32
      %mul3A_163 = arith.constant 8 : i32
      %mul3A_164 = arith.muli %add3A_162, %mul3A_163 : i32
      %add3A_165 = arith.addi %mul3A_2, %mul3A_164 : i32
      %multiple_of3A_166 = tpu.assume_multiple %add3A_165, 8 : i32
      %run_scoped3A_167 = arith.constant 1 : i32
      "tpu.region"() ({
        %run_scoped3A_552 = tpu.sem_alloc : memref<!tpu.dma_semaphore, #tpu.memory_space<semaphore_mem>>
        %dma_start3A_553 = arith.constant 0 : i32
        %dma_start3A_554 = arith.constant 0 : i32
        %dma_start3A_555 = tpu.memref_slice %arg5[%run_scoped3A_167, %dma_start3A_553, %dma_start3A_554] : memref<2x8x50xi32, #tpu.memory_space<vmem>> -> memref<1x8x50xi32, #tpu.memory_space<vmem>>
        %dma_start3A_556 = tpu.memref_squeeze %dma_start3A_555 : memref<1x8x50xi32, #tpu.memory_space<vmem>> -> memref<8x50xi32, #tpu.memory_space<vmem>>
        %dma_start3A_557 = arith.constant 0 : i32
        %dma_start3A_558 = tpu.memref_slice %arg2[%multiple_of3A_166, %dma_start3A_557] : memref<8192x50xi32, #tpu.memory_space<hbm>> -> memref<8x50xi32, #tpu.memory_space<hbm>>
        %dma_start3A_559 = arith.constant 0 : i32
        %dma_start3A_560 = arith.constant 0 : i32
        %dma_start3A_561 = tpu.memref_slice %arg5[%run_scoped3A_167, %dma_start3A_559, %dma_start3A_560] : memref<2x8x50xi32, #tpu.memory_space<vmem>> -> memref<1x8x50xi32, #tpu.memory_space<vmem>>
        %dma_start3A_562 = tpu.memref_squeeze %dma_start3A_561 : memref<1x8x50xi32, #tpu.memory_space<vmem>> -> memref<8x50xi32, #tpu.memory_space<vmem>>
        %dma_start3A_563 = arith.constant 0 : i32
        %dma_start3A_564 = tpu.memref_slice %arg2[%multiple_of3A_166, %dma_start3A_563] : memref<8192x50xi32, #tpu.memory_space<hbm>> -> memref<8x50xi32, #tpu.memory_space<hbm>>
        tpu.enqueue_dma source(%dma_start3A_564 : memref<8x50xi32, #tpu.memory_space<hbm>>) target(%dma_start3A_562 : memref<8x50xi32, #tpu.memory_space<vmem>>) target_semaphore(%run_scoped3A_552 : memref<!tpu.dma_semaphore, #tpu.memory_space<semaphore_mem>>)
        %dma_wait3A_565 = arith.constant 0 : i32
        %dma_wait3A_566 = arith.constant 0 : i32
        %dma_wait3A_567 = tpu.memref_slice %arg5[%run_scoped3A_167, %dma_wait3A_565, %dma_wait3A_566] : memref<2x8x50xi32, #tpu.memory_space<vmem>> -> memref<1x8x50xi32, #tpu.memory_space<vmem>>
        %dma_wait3A_568 = tpu.memref_squeeze %dma_wait3A_567 : memref<1x8x50xi32, #tpu.memory_space<vmem>> -> memref<8x50xi32, #tpu.memory_space<vmem>>
        %dma_wait3A_569 = arith.constant 0 : i32
        %dma_wait3A_570 = tpu.memref_slice %arg2[%multiple_of3A_166, %dma_wait3A_569] : memref<8192x50xi32, #tpu.memory_space<hbm>> -> memref<8x50xi32, #tpu.memory_space<hbm>>
        %dma_wait3A_571 = arith.constant 0 : i32
        %dma_wait3A_572 = arith.constant 0 : i32
        %dma_wait3A_573 = tpu.memref_slice %arg5[%run_scoped3A_167, %dma_wait3A_571, %dma_wait3A_572] : memref<2x8x50xi32, #tpu.memory_space<vmem>> -> memref<1x8x50xi32, #tpu.memory_space<vmem>>
        %dma_wait3A_574 = tpu.memref_squeeze %dma_wait3A_573 : memref<1x8x50xi32, #tpu.memory_space<vmem>> -> memref<8x50xi32, #tpu.memory_space<vmem>>
        %dma_wait3A_575 = arith.constant 0 : i32
        %dma_wait3A_576 = tpu.memref_slice %arg2[%multiple_of3A_166, %dma_wait3A_575] : memref<8192x50xi32, #tpu.memory_space<hbm>> -> memref<8x50xi32, #tpu.memory_space<hbm>>
        tpu.wait_dma2 semaphore(%run_scoped3A_552 : memref<!tpu.dma_semaphore, #tpu.memory_space<semaphore_mem>>) src(%dma_wait3A_576 : memref<8x50xi32, #tpu.memory_space<hbm>>) dst(%dma_wait3A_574 : memref<8x50xi32, #tpu.memory_space<vmem>>)
        tpu.yield
      }) : () -> ()
      %gt3A = arith.constant 0 : i32
      %gt3A_168 = arith.cmpi sgt, %scan3A_158, %gt3A : i32
      %convert_element_type3A = arith.extui %gt3A_168 : i1 to i32
      %cond3A = arith.constant 0 : i32
      %cond3A_169 = arith.cmpi ne, %convert_element_type3A, %cond3A : i32
      scf.if %cond3A_169 {
        %dma_wait3A_552 = arith.constant 1 : i32
        %dma_wait3A_553 = arith.constant 0 : i32
        %dma_wait3A_554 = arith.constant 0 : i32
        %dma_wait3A_555 = arith.constant 0 : i32
        %dma_wait3A_556 = tpu.memref_slice %arg6[%dma_wait3A_552, %dma_wait3A_553, %dma_wait3A_554, %dma_wait3A_555] : memref<2x8x50x64xf32, #tpu.memory_space<vmem>> -> memref<1x8x50x64xf32, #tpu.memory_space<vmem>>
        %dma_wait3A_557 = tpu.memref_squeeze %dma_wait3A_556 : memref<1x8x50x64xf32, #tpu.memory_space<vmem>> -> memref<8x50x64xf32, #tpu.memory_space<vmem>>
        %dma_wait3A_558 = arith.constant 0 : i32
        %dma_wait3A_559 = arith.constant 0 : i32
        %dma_wait3A_560 = arith.constant 0 : i32
        %dma_wait3A_561 = tpu.memref_slice %arg4[%dma_wait3A_558, %dma_wait3A_559, %dma_wait3A_560] : memref<8192x50x64xf32, #tpu.memory_space<hbm>> -> memref<8x50x64xf32, #tpu.memory_space<hbm>>
        %dma_wait3A_562 = arith.constant 0 : i32
        %dma_wait3A_563 = arith.constant 0 : i32
        %dma_wait3A_564 = arith.constant 0 : i32
        %dma_wait3A_565 = tpu.memref_slice %arg4[%dma_wait3A_562, %dma_wait3A_563, %dma_wait3A_564] : memref<8192x50x64xf32, #tpu.memory_space<hbm>> -> memref<8x50x64xf32, #tpu.memory_space<hbm>>
        %dma_wait3A_566 = arith.constant 0 : i32
        %dma_wait3A_567 = arith.constant 0 : i32
        %dma_wait3A_568 = arith.constant 0 : i32
        %dma_wait3A_569 = tpu.memref_slice %arg6[%dma_wait3A_552, %dma_wait3A_566, %dma_wait3A_567, %dma_wait3A_568] : memref<2x8x50x64xf32, #tpu.memory_space<vmem>> -> memref<1x8x50x64xf32, #tpu.memory_space<vmem>>
        %dma_wait3A_570 = tpu.memref_squeeze %dma_wait3A_569 : memref<1x8x50x64xf32, #tpu.memory_space<vmem>> -> memref<8x50x64xf32, #tpu.memory_space<vmem>>
        tpu.wait_dma2 semaphore(%arg10 : memref<!tpu.dma_semaphore, #tpu.memory_space<semaphore_mem>>) src(%dma_wait3A_570 : memref<8x50x64xf32, #tpu.memory_space<vmem>>) dst(%dma_wait3A_565 : memref<8x50x64xf32, #tpu.memory_space<hbm>>)
      } else {
      }
      %dma_start3A_170 = arith.constant 1 : i32
      %dma_start3A_171 = arith.constant 0 : i32
      %dma_start3A_172 = arith.constant 1 : i32
      %dma_start3A_173 = arith.constant 0 : i32
      %dma_start3A_174 = arith.constant 0 : i32
      %dma_start3A_175 = arith.constant 0 : i32
      %dma_start3A_176 = tpu.memref_slice %arg6[%dma_start3A_172, %dma_start3A_173, %dma_start3A_174, %dma_start3A_175] : memref<2x8x50x64xf32, #tpu.memory_space<vmem>> -> memref<1x1x50x64xf32, #tpu.memory_space<vmem>>
      %dma_start3A_177 = tpu.memref_squeeze %dma_start3A_176 : memref<1x1x50x64xf32, #tpu.memory_space<vmem>> -> memref<50x64xf32, #tpu.memory_space<vmem>>
      %dma_start3A_178 = arith.constant 0 : i32
      %dma_start3A_179 = tpu.memref_slice %arg5[%dma_start3A_170, %dma_start3A_171, %dma_start3A_178] : memref<2x8x50xi32, #tpu.memory_space<vmem>> -> memref<1x1x50xi32, #tpu.memory_space<vmem>>
      %dma_start3A_180 = tpu.memref_squeeze %dma_start3A_179 : memref<1x1x50xi32, #tpu.memory_space<vmem>> -> memref<50xi32, #tpu.memory_space<vmem>>
      %dma_start3A_181 = arith.constant 0 : i32
      %dma_start3A_182 = arith.constant 0 : i32
      %dma_start3A_183 = tpu.memref_slice %arg3[%dma_start3A_181, %dma_start3A_182] : memref<1000000x64xf32, #tpu.memory_space<hbm>> -> memref<1000000x64xf32, #tpu.memory_space<hbm>>
      tpu.enqueue_indirect_dma source(%dma_start3A_183 : memref<1000000x64xf32, #tpu.memory_space<hbm>>) target(%dma_start3A_177 : memref<50x64xf32, #tpu.memory_space<vmem>>) offsets(%dma_start3A_180 : memref<50xi32, #tpu.memory_space<vmem>>) semaphore(%arg8 : memref<!tpu.dma_semaphore, #tpu.memory_space<semaphore_mem>>)
      %dma_start3A_184 = arith.constant 1 : i32
      %dma_start3A_185 = arith.constant 1 : i32
      %dma_start3A_186 = arith.constant 1 : i32
      %dma_start3A_187 = arith.constant 1 : i32
      %dma_start3A_188 = arith.constant 0 : i32
      %dma_start3A_189 = arith.constant 0 : i32
      %dma_start3A_190 = tpu.memref_slice %arg6[%dma_start3A_186, %dma_start3A_187, %dma_start3A_188, %dma_start3A_189] : memref<2x8x50x64xf32, #tpu.memory_space<vmem>> -> memref<1x1x50x64xf32, #tpu.memory_space<vmem>>
      %dma_start3A_191 = tpu.memref_squeeze %dma_start3A_190 : memref<1x1x50x64xf32, #tpu.memory_space<vmem>> -> memref<50x64xf32, #tpu.memory_space<vmem>>
      %dma_start3A_192 = arith.constant 0 : i32
      %dma_start3A_193 = tpu.memref_slice %arg5[%dma_start3A_184, %dma_start3A_185, %dma_start3A_192] : memref<2x8x50xi32, #tpu.memory_space<vmem>> -> memref<1x1x50xi32, #tpu.memory_space<vmem>>
      %dma_start3A_194 = tpu.memref_squeeze %dma_start3A_193 : memref<1x1x50xi32, #tpu.memory_space<vmem>> -> memref<50xi32, #tpu.memory_space<vmem>>
      %dma_start3A_195 = arith.constant 0 : i32
      %dma_start3A_196 = arith.constant 0 : i32
      %dma_start3A_197 = tpu.memref_slice %arg3[%dma_start3A_195, %dma_start3A_196] : memref<1000000x64xf32, #tpu.memory_space<hbm>> -> memref<1000000x64xf32, #tpu.memory_space<hbm>>
      tpu.enqueue_indirect_dma source(%dma_start3A_197 : memref<1000000x64xf32, #tpu.memory_space<hbm>>) target(%dma_start3A_191 : memref<50x64xf32, #tpu.memory_space<vmem>>) offsets(%dma_start3A_194 : memref<50xi32, #tpu.memory_space<vmem>>) semaphore(%arg8 : memref<!tpu.dma_semaphore, #tpu.memory_space<semaphore_mem>>)
      %dma_start3A_198 = arith.constant 1 : i32
      %dma_start3A_199 = arith.constant 2 : i32
      %dma_start3A_200 = arith.constant 1 : i32
      %dma_start3A_201 = arith.constant 2 : i32
      %dma_start3A_202 = arith.constant 0 : i32
      %dma_start3A_203 = arith.constant 0 : i32
      %dma_start3A_204 = tpu.memref_slice %arg6[%dma_start3A_200, %dma_start3A_201, %dma_start3A_202, %dma_start3A_203] : memref<2x8x50x64xf32, #tpu.memory_space<vmem>> -> memref<1x1x50x64xf32, #tpu.memory_space<vmem>>
      %dma_start3A_205 = tpu.memref_squeeze %dma_start3A_204 : memref<1x1x50x64xf32, #tpu.memory_space<vmem>> -> memref<50x64xf32, #tpu.memory_space<vmem>>
      %dma_start3A_206 = arith.constant 0 : i32
      %dma_start3A_207 = tpu.memref_slice %arg5[%dma_start3A_198, %dma_start3A_199, %dma_start3A_206] : memref<2x8x50xi32, #tpu.memory_space<vmem>> -> memref<1x1x50xi32, #tpu.memory_space<vmem>>
      %dma_start3A_208 = tpu.memref_squeeze %dma_start3A_207 : memref<1x1x50xi32, #tpu.memory_space<vmem>> -> memref<50xi32, #tpu.memory_space<vmem>>
      %dma_start3A_209 = arith.constant 0 : i32
      %dma_start3A_210 = arith.constant 0 : i32
      %dma_start3A_211 = tpu.memref_slice %arg3[%dma_start3A_209, %dma_start3A_210] : memref<1000000x64xf32, #tpu.memory_space<hbm>> -> memref<1000000x64xf32, #tpu.memory_space<hbm>>
      tpu.enqueue_indirect_dma source(%dma_start3A_211 : memref<1000000x64xf32, #tpu.memory_space<hbm>>) target(%dma_start3A_205 : memref<50x64xf32, #tpu.memory_space<vmem>>) offsets(%dma_start3A_208 : memref<50xi32, #tpu.memory_space<vmem>>) semaphore(%arg8 : memref<!tpu.dma_semaphore, #tpu.memory_space<semaphore_mem>>)
      %dma_start3A_212 = arith.constant 1 : i32
      %dma_start3A_213 = arith.constant 3 : i32
      %dma_start3A_214 = arith.constant 1 : i32
      %dma_start3A_215 = arith.constant 3 : i32
      %dma_start3A_216 = arith.constant 0 : i32
      %dma_start3A_217 = arith.constant 0 : i32
      %dma_start3A_218 = tpu.memref_slice %arg6[%dma_start3A_214, %dma_start3A_215, %dma_start3A_216, %dma_start3A_217] : memref<2x8x50x64xf32, #tpu.memory_space<vmem>> -> memref<1x1x50x64xf32, #tpu.memory_space<vmem>>
      %dma_start3A_219 = tpu.memref_squeeze %dma_start3A_218 : memref<1x1x50x64xf32, #tpu.memory_space<vmem>> -> memref<50x64xf32, #tpu.memory_space<vmem>>
      %dma_start3A_220 = arith.constant 0 : i32
      %dma_start3A_221 = tpu.memref_slice %arg5[%dma_start3A_212, %dma_start3A_213, %dma_start3A_220] : memref<2x8x50xi32, #tpu.memory_space<vmem>> -> memref<1x1x50xi32, #tpu.memory_space<vmem>>
      %dma_start3A_222 = tpu.memref_squeeze %dma_start3A_221 : memref<1x1x50xi32, #tpu.memory_space<vmem>> -> memref<50xi32, #tpu.memory_space<vmem>>
      %dma_start3A_223 = arith.constant 0 : i32
      %dma_start3A_224 = arith.constant 0 : i32
      %dma_start3A_225 = tpu.memref_slice %arg3[%dma_start3A_223, %dma_start3A_224] : memref<1000000x64xf32, #tpu.memory_space<hbm>> -> memref<1000000x64xf32, #tpu.memory_space<hbm>>
      tpu.enqueue_indirect_dma source(%dma_start3A_225 : memref<1000000x64xf32, #tpu.memory_space<hbm>>) target(%dma_start3A_219 : memref<50x64xf32, #tpu.memory_space<vmem>>) offsets(%dma_start3A_222 : memref<50xi32, #tpu.memory_space<vmem>>) semaphore(%arg8 : memref<!tpu.dma_semaphore, #tpu.memory_space<semaphore_mem>>)
      %dma_start3A_226 = arith.constant 1 : i32
      %dma_start3A_227 = arith.constant 4 : i32
      %dma_start3A_228 = arith.constant 1 : i32
      %dma_start3A_229 = arith.constant 4 : i32
      %dma_start3A_230 = arith.constant 0 : i32
      %dma_start3A_231 = arith.constant 0 : i32
      %dma_start3A_232 = tpu.memref_slice %arg6[%dma_start3A_228, %dma_start3A_229, %dma_start3A_230, %dma_start3A_231] : memref<2x8x50x64xf32, #tpu.memory_space<vmem>> -> memref<1x1x50x64xf32, #tpu.memory_space<vmem>>
      %dma_start3A_233 = tpu.memref_squeeze %dma_start3A_232 : memref<1x1x50x64xf32, #tpu.memory_space<vmem>> -> memref<50x64xf32, #tpu.memory_space<vmem>>
      %dma_start3A_234 = arith.constant 0 : i32
      %dma_start3A_235 = tpu.memref_slice %arg5[%dma_start3A_226, %dma_start3A_227, %dma_start3A_234] : memref<2x8x50xi32, #tpu.memory_space<vmem>> -> memref<1x1x50xi32, #tpu.memory_space<vmem>>
      %dma_start3A_236 = tpu.memref_squeeze %dma_start3A_235 : memref<1x1x50xi32, #tpu.memory_space<vmem>> -> memref<50xi32, #tpu.memory_space<vmem>>
      %dma_start3A_237 = arith.constant 0 : i32
      %dma_start3A_238 = arith.constant 0 : i32
      %dma_start3A_239 = tpu.memref_slice %arg3[%dma_start3A_237, %dma_start3A_238] : memref<1000000x64xf32, #tpu.memory_space<hbm>> -> memref<1000000x64xf32, #tpu.memory_space<hbm>>
      tpu.enqueue_indirect_dma source(%dma_start3A_239 : memref<1000000x64xf32, #tpu.memory_space<hbm>>) target(%dma_start3A_233 : memref<50x64xf32, #tpu.memory_space<vmem>>) offsets(%dma_start3A_236 : memref<50xi32, #tpu.memory_space<vmem>>) semaphore(%arg8 : memref<!tpu.dma_semaphore, #tpu.memory_space<semaphore_mem>>)
      %dma_start3A_240 = arith.constant 1 : i32
      %dma_start3A_241 = arith.constant 5 : i32
      %dma_start3A_242 = arith.constant 1 : i32
      %dma_start3A_243 = arith.constant 5 : i32
      %dma_start3A_244 = arith.constant 0 : i32
      %dma_start3A_245 = arith.constant 0 : i32
      %dma_start3A_246 = tpu.memref_slice %arg6[%dma_start3A_242, %dma_start3A_243, %dma_start3A_244, %dma_start3A_245] : memref<2x8x50x64xf32, #tpu.memory_space<vmem>> -> memref<1x1x50x64xf32, #tpu.memory_space<vmem>>
      %dma_start3A_247 = tpu.memref_squeeze %dma_start3A_246 : memref<1x1x50x64xf32, #tpu.memory_space<vmem>> -> memref<50x64xf32, #tpu.memory_space<vmem>>
      %dma_start3A_248 = arith.constant 0 : i32
      %dma_start3A_249 = tpu.memref_slice %arg5[%dma_start3A_240, %dma_start3A_241, %dma_start3A_248] : memref<2x8x50xi32, #tpu.memory_space<vmem>> -> memref<1x1x50xi32, #tpu.memory_space<vmem>>
      %dma_start3A_250 = tpu.memref_squeeze %dma_start3A_249 : memref<1x1x50xi32, #tpu.memory_space<vmem>> -> memref<50xi32, #tpu.memory_space<vmem>>
      %dma_start3A_251 = arith.constant 0 : i32
      %dma_start3A_252 = arith.constant 0 : i32
      %dma_start3A_253 = tpu.memref_slice %arg3[%dma_start3A_251, %dma_start3A_252] : memref<1000000x64xf32, #tpu.memory_space<hbm>> -> memref<1000000x64xf32, #tpu.memory_space<hbm>>
      tpu.enqueue_indirect_dma source(%dma_start3A_253 : memref<1000000x64xf32, #tpu.memory_space<hbm>>) target(%dma_start3A_247 : memref<50x64xf32, #tpu.memory_space<vmem>>) offsets(%dma_start3A_250 : memref<50xi32, #tpu.memory_space<vmem>>) semaphore(%arg8 : memref<!tpu.dma_semaphore, #tpu.memory_space<semaphore_mem>>)
      %dma_start3A_254 = arith.constant 1 : i32
      %dma_start3A_255 = arith.constant 6 : i32
      %dma_start3A_256 = arith.constant 1 : i32
      %dma_start3A_257 = arith.constant 6 : i32
      %dma_start3A_258 = arith.constant 0 : i32
      %dma_start3A_259 = arith.constant 0 : i32
      %dma_start3A_260 = tpu.memref_slice %arg6[%dma_start3A_256, %dma_start3A_257, %dma_start3A_258, %dma_start3A_259] : memref<2x8x50x64xf32, #tpu.memory_space<vmem>> -> memref<1x1x50x64xf32, #tpu.memory_space<vmem>>
      %dma_start3A_261 = tpu.memref_squeeze %dma_start3A_260 : memref<1x1x50x64xf32, #tpu.memory_space<vmem>> -> memref<50x64xf32, #tpu.memory_space<vmem>>
      %dma_start3A_262 = arith.constant 0 : i32
      %dma_start3A_263 = tpu.memref_slice %arg5[%dma_start3A_254, %dma_start3A_255, %dma_start3A_262] : memref<2x8x50xi32, #tpu.memory_space<vmem>> -> memref<1x1x50xi32, #tpu.memory_space<vmem>>
      %dma_start3A_264 = tpu.memref_squeeze %dma_start3A_263 : memref<1x1x50xi32, #tpu.memory_space<vmem>> -> memref<50xi32, #tpu.memory_space<vmem>>
      %dma_start3A_265 = arith.constant 0 : i32
      %dma_start3A_266 = arith.constant 0 : i32
      %dma_start3A_267 = tpu.memref_slice %arg3[%dma_start3A_265, %dma_start3A_266] : memref<1000000x64xf32, #tpu.memory_space<hbm>> -> memref<1000000x64xf32, #tpu.memory_space<hbm>>
      tpu.enqueue_indirect_dma source(%dma_start3A_267 : memref<1000000x64xf32, #tpu.memory_space<hbm>>) target(%dma_start3A_261 : memref<50x64xf32, #tpu.memory_space<vmem>>) offsets(%dma_start3A_264 : memref<50xi32, #tpu.memory_space<vmem>>) semaphore(%arg8 : memref<!tpu.dma_semaphore, #tpu.memory_space<semaphore_mem>>)
      %dma_start3A_268 = arith.constant 1 : i32
      %dma_start3A_269 = arith.constant 7 : i32
      %dma_start3A_270 = arith.constant 1 : i32
      %dma_start3A_271 = arith.constant 7 : i32
      %dma_start3A_272 = arith.constant 0 : i32
      %dma_start3A_273 = arith.constant 0 : i32
      %dma_start3A_274 = tpu.memref_slice %arg6[%dma_start3A_270, %dma_start3A_271, %dma_start3A_272, %dma_start3A_273] : memref<2x8x50x64xf32, #tpu.memory_space<vmem>> -> memref<1x1x50x64xf32, #tpu.memory_space<vmem>>
      %dma_start3A_275 = tpu.memref_squeeze %dma_start3A_274 : memref<1x1x50x64xf32, #tpu.memory_space<vmem>> -> memref<50x64xf32, #tpu.memory_space<vmem>>
      %dma_start3A_276 = arith.constant 0 : i32
      %dma_start3A_277 = tpu.memref_slice %arg5[%dma_start3A_268, %dma_start3A_269, %dma_start3A_276] : memref<2x8x50xi32, #tpu.memory_space<vmem>> -> memref<1x1x50xi32, #tpu.memory_space<vmem>>
      %dma_start3A_278 = tpu.memref_squeeze %dma_start3A_277 : memref<1x1x50xi32, #tpu.memory_space<vmem>> -> memref<50xi32, #tpu.memory_space<vmem>>
      %dma_start3A_279 = arith.constant 0 : i32
      %dma_start3A_280 = arith.constant 0 : i32
      %dma_start3A_281 = tpu.memref_slice %arg3[%dma_start3A_279, %dma_start3A_280] : memref<1000000x64xf32, #tpu.memory_space<hbm>> -> memref<1000000x64xf32, #tpu.memory_space<hbm>>
      tpu.enqueue_indirect_dma source(%dma_start3A_281 : memref<1000000x64xf32, #tpu.memory_space<hbm>>) target(%dma_start3A_275 : memref<50x64xf32, #tpu.memory_space<vmem>>) offsets(%dma_start3A_278 : memref<50xi32, #tpu.memory_space<vmem>>) semaphore(%arg8 : memref<!tpu.dma_semaphore, #tpu.memory_space<semaphore_mem>>)
      %dma_wait3A_282 = arith.constant 0 : i32
      %dma_wait3A_283 = arith.constant 0 : i32
      %dma_wait3A_284 = arith.constant 0 : i32
      %dma_wait3A_285 = arith.constant 0 : i32
      %dma_wait3A_286 = arith.constant 0 : i32
      %dma_wait3A_287 = arith.constant 0 : i32
      %dma_wait3A_288 = tpu.memref_slice %arg6[%dma_wait3A_284, %dma_wait3A_285, %dma_wait3A_286, %dma_wait3A_287] : memref<2x8x50x64xf32, #tpu.memory_space<vmem>> -> memref<1x1x50x64xf32, #tpu.memory_space<vmem>>
      %dma_wait3A_289 = tpu.memref_squeeze %dma_wait3A_288 : memref<1x1x50x64xf32, #tpu.memory_space<vmem>> -> memref<50x64xf32, #tpu.memory_space<vmem>>
      %dma_wait3A_290 = arith.constant 0 : i32
      %dma_wait3A_291 = tpu.memref_slice %arg5[%dma_wait3A_282, %dma_wait3A_283, %dma_wait3A_290] : memref<2x8x50xi32, #tpu.memory_space<vmem>> -> memref<1x1x50xi32, #tpu.memory_space<vmem>>
      %dma_wait3A_292 = tpu.memref_squeeze %dma_wait3A_291 : memref<1x1x50xi32, #tpu.memory_space<vmem>> -> memref<50xi32, #tpu.memory_space<vmem>>
      %dma_wait3A_293 = arith.constant 0 : i32
      %dma_wait3A_294 = arith.constant 0 : i32
      %dma_wait3A_295 = tpu.memref_slice %arg3[%dma_wait3A_293, %dma_wait3A_294] : memref<1000000x64xf32, #tpu.memory_space<hbm>> -> memref<1000000x64xf32, #tpu.memory_space<hbm>>
      tpu.wait_indirect_dma semaphore(%arg7 : memref<!tpu.dma_semaphore, #tpu.memory_space<semaphore_mem>>) src(%dma_wait3A_295 : memref<1000000x64xf32, #tpu.memory_space<hbm>>) dst(%dma_wait3A_289 : memref<50x64xf32, #tpu.memory_space<vmem>>)
      %dma_wait3A_296 = arith.constant 0 : i32
      %dma_wait3A_297 = arith.constant 1 : i32
      %dma_wait3A_298 = arith.constant 0 : i32
      %dma_wait3A_299 = arith.constant 1 : i32
      %dma_wait3A_300 = arith.constant 0 : i32
      %dma_wait3A_301 = arith.constant 0 : i32
      %dma_wait3A_302 = tpu.memref_slice %arg6[%dma_wait3A_298, %dma_wait3A_299, %dma_wait3A_300, %dma_wait3A_301] : memref<2x8x50x64xf32, #tpu.memory_space<vmem>> -> memref<1x1x50x64xf32, #tpu.memory_space<vmem>>
      %dma_wait3A_303 = tpu.memref_squeeze %dma_wait3A_302 : memref<1x1x50x64xf32, #tpu.memory_space<vmem>> -> memref<50x64xf32, #tpu.memory_space<vmem>>
      %dma_wait3A_304 = arith.constant 0 : i32
      %dma_wait3A_305 = tpu.memref_slice %arg5[%dma_wait3A_296, %dma_wait3A_297, %dma_wait3A_304] : memref<2x8x50xi32, #tpu.memory_space<vmem>> -> memref<1x1x50xi32, #tpu.memory_space<vmem>>
      %dma_wait3A_306 = tpu.memref_squeeze %dma_wait3A_305 : memref<1x1x50xi32, #tpu.memory_space<vmem>> -> memref<50xi32, #tpu.memory_space<vmem>>
      %dma_wait3A_307 = arith.constant 0 : i32
      %dma_wait3A_308 = arith.constant 0 : i32
      %dma_wait3A_309 = tpu.memref_slice %arg3[%dma_wait3A_307, %dma_wait3A_308] : memref<1000000x64xf32, #tpu.memory_space<hbm>> -> memref<1000000x64xf32, #tpu.memory_space<hbm>>
      tpu.wait_indirect_dma semaphore(%arg7 : memref<!tpu.dma_semaphore, #tpu.memory_space<semaphore_mem>>) src(%dma_wait3A_309 : memref<1000000x64xf32, #tpu.memory_space<hbm>>) dst(%dma_wait3A_303 : memref<50x64xf32, #tpu.memory_space<vmem>>)
      %dma_wait3A_310 = arith.constant 0 : i32
      %dma_wait3A_311 = arith.constant 2 : i32
      %dma_wait3A_312 = arith.constant 0 : i32
      %dma_wait3A_313 = arith.constant 2 : i32
      %dma_wait3A_314 = arith.constant 0 : i32
      %dma_wait3A_315 = arith.constant 0 : i32
      %dma_wait3A_316 = tpu.memref_slice %arg6[%dma_wait3A_312, %dma_wait3A_313, %dma_wait3A_314, %dma_wait3A_315] : memref<2x8x50x64xf32, #tpu.memory_space<vmem>> -> memref<1x1x50x64xf32, #tpu.memory_space<vmem>>
      %dma_wait3A_317 = tpu.memref_squeeze %dma_wait3A_316 : memref<1x1x50x64xf32, #tpu.memory_space<vmem>> -> memref<50x64xf32, #tpu.memory_space<vmem>>
      %dma_wait3A_318 = arith.constant 0 : i32
      %dma_wait3A_319 = tpu.memref_slice %arg5[%dma_wait3A_310, %dma_wait3A_311, %dma_wait3A_318] : memref<2x8x50xi32, #tpu.memory_space<vmem>> -> memref<1x1x50xi32, #tpu.memory_space<vmem>>
      %dma_wait3A_320 = tpu.memref_squeeze %dma_wait3A_319 : memref<1x1x50xi32, #tpu.memory_space<vmem>> -> memref<50xi32, #tpu.memory_space<vmem>>
      %dma_wait3A_321 = arith.constant 0 : i32
      %dma_wait3A_322 = arith.constant 0 : i32
      %dma_wait3A_323 = tpu.memref_slice %arg3[%dma_wait3A_321, %dma_wait3A_322] : memref<1000000x64xf32, #tpu.memory_space<hbm>> -> memref<1000000x64xf32, #tpu.memory_space<hbm>>
      tpu.wait_indirect_dma semaphore(%arg7 : memref<!tpu.dma_semaphore, #tpu.memory_space<semaphore_mem>>) src(%dma_wait3A_323 : memref<1000000x64xf32, #tpu.memory_space<hbm>>) dst(%dma_wait3A_317 : memref<50x64xf32, #tpu.memory_space<vmem>>)
      %dma_wait3A_324 = arith.constant 0 : i32
      %dma_wait3A_325 = arith.constant 3 : i32
      %dma_wait3A_326 = arith.constant 0 : i32
      %dma_wait3A_327 = arith.constant 3 : i32
      %dma_wait3A_328 = arith.constant 0 : i32
      %dma_wait3A_329 = arith.constant 0 : i32
      %dma_wait3A_330 = tpu.memref_slice %arg6[%dma_wait3A_326, %dma_wait3A_327, %dma_wait3A_328, %dma_wait3A_329] : memref<2x8x50x64xf32, #tpu.memory_space<vmem>> -> memref<1x1x50x64xf32, #tpu.memory_space<vmem>>
      %dma_wait3A_331 = tpu.memref_squeeze %dma_wait3A_330 : memref<1x1x50x64xf32, #tpu.memory_space<vmem>> -> memref<50x64xf32, #tpu.memory_space<vmem>>
      %dma_wait3A_332 = arith.constant 0 : i32
      %dma_wait3A_333 = tpu.memref_slice %arg5[%dma_wait3A_324, %dma_wait3A_325, %dma_wait3A_332] : memref<2x8x50xi32, #tpu.memory_space<vmem>> -> memref<1x1x50xi32, #tpu.memory_space<vmem>>
      %dma_wait3A_334 = tpu.memref_squeeze %dma_wait3A_333 : memref<1x1x50xi32, #tpu.memory_space<vmem>> -> memref<50xi32, #tpu.memory_space<vmem>>
      %dma_wait3A_335 = arith.constant 0 : i32
      %dma_wait3A_336 = arith.constant 0 : i32
      %dma_wait3A_337 = tpu.memref_slice %arg3[%dma_wait3A_335, %dma_wait3A_336] : memref<1000000x64xf32, #tpu.memory_space<hbm>> -> memref<1000000x64xf32, #tpu.memory_space<hbm>>
      tpu.wait_indirect_dma semaphore(%arg7 : memref<!tpu.dma_semaphore, #tpu.memory_space<semaphore_mem>>) src(%dma_wait3A_337 : memref<1000000x64xf32, #tpu.memory_space<hbm>>) dst(%dma_wait3A_331 : memref<50x64xf32, #tpu.memory_space<vmem>>)
      %dma_wait3A_338 = arith.constant 0 : i32
      %dma_wait3A_339 = arith.constant 4 : i32
      %dma_wait3A_340 = arith.constant 0 : i32
      %dma_wait3A_341 = arith.constant 4 : i32
      %dma_wait3A_342 = arith.constant 0 : i32
      %dma_wait3A_343 = arith.constant 0 : i32
      %dma_wait3A_344 = tpu.memref_slice %arg6[%dma_wait3A_340, %dma_wait3A_341, %dma_wait3A_342, %dma_wait3A_343] : memref<2x8x50x64xf32, #tpu.memory_space<vmem>> -> memref<1x1x50x64xf32, #tpu.memory_space<vmem>>
      %dma_wait3A_345 = tpu.memref_squeeze %dma_wait3A_344 : memref<1x1x50x64xf32, #tpu.memory_space<vmem>> -> memref<50x64xf32, #tpu.memory_space<vmem>>
      %dma_wait3A_346 = arith.constant 0 : i32
      %dma_wait3A_347 = tpu.memref_slice %arg5[%dma_wait3A_338, %dma_wait3A_339, %dma_wait3A_346] : memref<2x8x50xi32, #tpu.memory_space<vmem>> -> memref<1x1x50xi32, #tpu.memory_space<vmem>>
      %dma_wait3A_348 = tpu.memref_squeeze %dma_wait3A_347 : memref<1x1x50xi32, #tpu.memory_space<vmem>> -> memref<50xi32, #tpu.memory_space<vmem>>
      %dma_wait3A_349 = arith.constant 0 : i32
      %dma_wait3A_350 = arith.constant 0 : i32
      %dma_wait3A_351 = tpu.memref_slice %arg3[%dma_wait3A_349, %dma_wait3A_350] : memref<1000000x64xf32, #tpu.memory_space<hbm>> -> memref<1000000x64xf32, #tpu.memory_space<hbm>>
      tpu.wait_indirect_dma semaphore(%arg7 : memref<!tpu.dma_semaphore, #tpu.memory_space<semaphore_mem>>) src(%dma_wait3A_351 : memref<1000000x64xf32, #tpu.memory_space<hbm>>) dst(%dma_wait3A_345 : memref<50x64xf32, #tpu.memory_space<vmem>>)
      %dma_wait3A_352 = arith.constant 0 : i32
      %dma_wait3A_353 = arith.constant 5 : i32
      %dma_wait3A_354 = arith.constant 0 : i32
      %dma_wait3A_355 = arith.constant 5 : i32
      %dma_wait3A_356 = arith.constant 0 : i32
      %dma_wait3A_357 = arith.constant 0 : i32
      %dma_wait3A_358 = tpu.memref_slice %arg6[%dma_wait3A_354, %dma_wait3A_355, %dma_wait3A_356, %dma_wait3A_357] : memref<2x8x50x64xf32, #tpu.memory_space<vmem>> -> memref<1x1x50x64xf32, #tpu.memory_space<vmem>>
      %dma_wait3A_359 = tpu.memref_squeeze %dma_wait3A_358 : memref<1x1x50x64xf32, #tpu.memory_space<vmem>> -> memref<50x64xf32, #tpu.memory_space<vmem>>
      %dma_wait3A_360 = arith.constant 0 : i32
      %dma_wait3A_361 = tpu.memref_slice %arg5[%dma_wait3A_352, %dma_wait3A_353, %dma_wait3A_360] : memref<2x8x50xi32, #tpu.memory_space<vmem>> -> memref<1x1x50xi32, #tpu.memory_space<vmem>>
      %dma_wait3A_362 = tpu.memref_squeeze %dma_wait3A_361 : memref<1x1x50xi32, #tpu.memory_space<vmem>> -> memref<50xi32, #tpu.memory_space<vmem>>
      %dma_wait3A_363 = arith.constant 0 : i32
      %dma_wait3A_364 = arith.constant 0 : i32
      %dma_wait3A_365 = tpu.memref_slice %arg3[%dma_wait3A_363, %dma_wait3A_364] : memref<1000000x64xf32, #tpu.memory_space<hbm>> -> memref<1000000x64xf32, #tpu.memory_space<hbm>>
      tpu.wait_indirect_dma semaphore(%arg7 : memref<!tpu.dma_semaphore, #tpu.memory_space<semaphore_mem>>) src(%dma_wait3A_365 : memref<1000000x64xf32, #tpu.memory_space<hbm>>) dst(%dma_wait3A_359 : memref<50x64xf32, #tpu.memory_space<vmem>>)
      %dma_wait3A_366 = arith.constant 0 : i32
      %dma_wait3A_367 = arith.constant 6 : i32
      %dma_wait3A_368 = arith.constant 0 : i32
      %dma_wait3A_369 = arith.constant 6 : i32
      %dma_wait3A_370 = arith.constant 0 : i32
      %dma_wait3A_371 = arith.constant 0 : i32
      %dma_wait3A_372 = tpu.memref_slice %arg6[%dma_wait3A_368, %dma_wait3A_369, %dma_wait3A_370, %dma_wait3A_371] : memref<2x8x50x64xf32, #tpu.memory_space<vmem>> -> memref<1x1x50x64xf32, #tpu.memory_space<vmem>>
      %dma_wait3A_373 = tpu.memref_squeeze %dma_wait3A_372 : memref<1x1x50x64xf32, #tpu.memory_space<vmem>> -> memref<50x64xf32, #tpu.memory_space<vmem>>
      %dma_wait3A_374 = arith.constant 0 : i32
      %dma_wait3A_375 = tpu.memref_slice %arg5[%dma_wait3A_366, %dma_wait3A_367, %dma_wait3A_374] : memref<2x8x50xi32, #tpu.memory_space<vmem>> -> memref<1x1x50xi32, #tpu.memory_space<vmem>>
      %dma_wait3A_376 = tpu.memref_squeeze %dma_wait3A_375 : memref<1x1x50xi32, #tpu.memory_space<vmem>> -> memref<50xi32, #tpu.memory_space<vmem>>
      %dma_wait3A_377 = arith.constant 0 : i32
      %dma_wait3A_378 = arith.constant 0 : i32
      %dma_wait3A_379 = tpu.memref_slice %arg3[%dma_wait3A_377, %dma_wait3A_378] : memref<1000000x64xf32, #tpu.memory_space<hbm>> -> memref<1000000x64xf32, #tpu.memory_space<hbm>>
      tpu.wait_indirect_dma semaphore(%arg7 : memref<!tpu.dma_semaphore, #tpu.memory_space<semaphore_mem>>) src(%dma_wait3A_379 : memref<1000000x64xf32, #tpu.memory_space<hbm>>) dst(%dma_wait3A_373 : memref<50x64xf32, #tpu.memory_space<vmem>>)
      %dma_wait3A_380 = arith.constant 0 : i32
      %dma_wait3A_381 = arith.constant 7 : i32
      %dma_wait3A_382 = arith.constant 0 : i32
      %dma_wait3A_383 = arith.constant 7 : i32
      %dma_wait3A_384 = arith.constant 0 : i32
      %dma_wait3A_385 = arith.constant 0 : i32
      %dma_wait3A_386 = tpu.memref_slice %arg6[%dma_wait3A_382, %dma_wait3A_383, %dma_wait3A_384, %dma_wait3A_385] : memref<2x8x50x64xf32, #tpu.memory_space<vmem>> -> memref<1x1x50x64xf32, #tpu.memory_space<vmem>>
      %dma_wait3A_387 = tpu.memref_squeeze %dma_wait3A_386 : memref<1x1x50x64xf32, #tpu.memory_space<vmem>> -> memref<50x64xf32, #tpu.memory_space<vmem>>
      %dma_wait3A_388 = arith.constant 0 : i32
      %dma_wait3A_389 = tpu.memref_slice %arg5[%dma_wait3A_380, %dma_wait3A_381, %dma_wait3A_388] : memref<2x8x50xi32, #tpu.memory_space<vmem>> -> memref<1x1x50xi32, #tpu.memory_space<vmem>>
      %dma_wait3A_390 = tpu.memref_squeeze %dma_wait3A_389 : memref<1x1x50xi32, #tpu.memory_space<vmem>> -> memref<50xi32, #tpu.memory_space<vmem>>
      %dma_wait3A_391 = arith.constant 0 : i32
      %dma_wait3A_392 = arith.constant 0 : i32
      %dma_wait3A_393 = tpu.memref_slice %arg3[%dma_wait3A_391, %dma_wait3A_392] : memref<1000000x64xf32, #tpu.memory_space<hbm>> -> memref<1000000x64xf32, #tpu.memory_space<hbm>>
      tpu.wait_indirect_dma semaphore(%arg7 : memref<!tpu.dma_semaphore, #tpu.memory_space<semaphore_mem>>) src(%dma_wait3A_393 : memref<1000000x64xf32, #tpu.memory_space<hbm>>) dst(%dma_wait3A_387 : memref<50x64xf32, #tpu.memory_space<vmem>>)
      %mul3A_394 = arith.constant 8 : i32
      %mul3A_395 = arith.muli %mul3A_160, %mul3A_394 : i32
      %add3A_396 = arith.addi %mul3A_2, %mul3A_395 : i32
      %multiple_of3A_397 = tpu.assume_multiple %add3A_396, 8 : i32
      %dma_start3A_398 = arith.constant 0 : i32
      %dma_start3A_399 = arith.constant 0 : i32
      %dma_start3A_400 = arith.constant 0 : i32
      %dma_start3A_401 = arith.constant 0 : i32
      %dma_start3A_402 = tpu.memref_slice %arg6[%dma_start3A_398, %dma_start3A_399, %dma_start3A_400, %dma_start3A_401] : memref<2x8x50x64xf32, #tpu.memory_space<vmem>> -> memref<1x8x50x64xf32, #tpu.memory_space<vmem>>
      %dma_start3A_403 = tpu.memref_squeeze %dma_start3A_402 : memref<1x8x50x64xf32, #tpu.memory_space<vmem>> -> memref<8x50x64xf32, #tpu.memory_space<vmem>>
      %dma_start3A_404 = arith.constant 0 : i32
      %dma_start3A_405 = arith.constant 0 : i32
      %dma_start3A_406 = tpu.memref_slice %arg4[%multiple_of3A_397, %dma_start3A_404, %dma_start3A_405] : memref<8192x50x64xf32, #tpu.memory_space<hbm>> -> memref<8x50x64xf32, #tpu.memory_space<hbm>>
      %dma_start3A_407 = arith.constant 0 : i32
      %dma_start3A_408 = arith.constant 0 : i32
      %dma_start3A_409 = tpu.memref_slice %arg4[%multiple_of3A_397, %dma_start3A_407, %dma_start3A_408] : memref<8192x50x64xf32, #tpu.memory_space<hbm>> -> memref<8x50x64xf32, #tpu.memory_space<hbm>>
      %dma_start3A_410 = arith.constant 0 : i32
      %dma_start3A_411 = arith.constant 0 : i32
      %dma_start3A_412 = arith.constant 0 : i32
      %dma_start3A_413 = tpu.memref_slice %arg6[%dma_start3A_398, %dma_start3A_410, %dma_start3A_411, %dma_start3A_412] : memref<2x8x50x64xf32, #tpu.memory_space<vmem>> -> memref<1x8x50x64xf32, #tpu.memory_space<vmem>>
      %dma_start3A_414 = tpu.memref_squeeze %dma_start3A_413 : memref<1x8x50x64xf32, #tpu.memory_space<vmem>> -> memref<8x50x64xf32, #tpu.memory_space<vmem>>
      tpu.enqueue_dma source(%dma_start3A_414 : memref<8x50x64xf32, #tpu.memory_space<vmem>>) target(%dma_start3A_409 : memref<8x50x64xf32, #tpu.memory_space<hbm>>) target_semaphore(%arg9 : memref<!tpu.dma_semaphore, #tpu.memory_space<semaphore_mem>>)
      %lt3A = arith.constant 15 : i32
      %lt3A_415 = arith.cmpi slt, %scan3A_158, %lt3A : i32
      %convert_element_type3A_416 = arith.extui %lt3A_415 : i1 to i32
      %cond3A_417 = arith.constant 0 : i32
      %cond3A_418 = arith.cmpi ne, %convert_element_type3A_416, %cond3A_417 : i32
      scf.if %cond3A_418 {
        %add3A_552 = arith.constant 2 : i32
        %add3A_553 = arith.addi %mul3A_160, %add3A_552 : i32
        %mul3A_554 = arith.constant 8 : i32
        %mul3A_555 = arith.muli %add3A_553, %mul3A_554 : i32
        %add3A_556 = arith.addi %mul3A_2, %mul3A_555 : i32
        %multiple_of3A_557 = tpu.assume_multiple %add3A_556, 8 : i32
        %run_scoped3A_558 = arith.constant 0 : i32
        "tpu.region"() ({
          %run_scoped3A_690 = tpu.sem_alloc : memref<!tpu.dma_semaphore, #tpu.memory_space<semaphore_mem>>
          %dma_start3A_691 = arith.constant 0 : i32
          %dma_start3A_692 = arith.constant 0 : i32
          %dma_start3A_693 = tpu.memref_slice %arg5[%run_scoped3A_558, %dma_start3A_691, %dma_start3A_692] : memref<2x8x50xi32, #tpu.memory_space<vmem>> -> memref<1x8x50xi32, #tpu.memory_space<vmem>>
          %dma_start3A_694 = tpu.memref_squeeze %dma_start3A_693 : memref<1x8x50xi32, #tpu.memory_space<vmem>> -> memref<8x50xi32, #tpu.memory_space<vmem>>
          %dma_start3A_695 = arith.constant 0 : i32
          %dma_start3A_696 = tpu.memref_slice %arg2[%multiple_of3A_557, %dma_start3A_695] : memref<8192x50xi32, #tpu.memory_space<hbm>> -> memref<8x50xi32, #tpu.memory_space<hbm>>
          %dma_start3A_697 = arith.constant 0 : i32
          %dma_start3A_698 = arith.constant 0 : i32
          %dma_start3A_699 = tpu.memref_slice %arg5[%run_scoped3A_558, %dma_start3A_697, %dma_start3A_698] : memref<2x8x50xi32, #tpu.memory_space<vmem>> -> memref<1x8x50xi32, #tpu.memory_space<vmem>>
          %dma_start3A_700 = tpu.memref_squeeze %dma_start3A_699 : memref<1x8x50xi32, #tpu.memory_space<vmem>> -> memref<8x50xi32, #tpu.memory_space<vmem>>
          %dma_start3A_701 = arith.constant 0 : i32
          %dma_start3A_702 = tpu.memref_slice %arg2[%multiple_of3A_557, %dma_start3A_701] : memref<8192x50xi32, #tpu.memory_space<hbm>> -> memref<8x50xi32, #tpu.memory_space<hbm>>
          tpu.enqueue_dma source(%dma_start3A_702 : memref<8x50xi32, #tpu.memory_space<hbm>>) target(%dma_start3A_700 : memref<8x50xi32, #tpu.memory_space<vmem>>) target_semaphore(%run_scoped3A_690 : memref<!tpu.dma_semaphore, #tpu.memory_space<semaphore_mem>>)
          %dma_wait3A_703 = arith.constant 0 : i32
          %dma_wait3A_704 = arith.constant 0 : i32
          %dma_wait3A_705 = tpu.memref_slice %arg5[%run_scoped3A_558, %dma_wait3A_703, %dma_wait3A_704] : memref<2x8x50xi32, #tpu.memory_space<vmem>> -> memref<1x8x50xi32, #tpu.memory_space<vmem>>
          %dma_wait3A_706 = tpu.memref_squeeze %dma_wait3A_705 : memref<1x8x50xi32, #tpu.memory_space<vmem>> -> memref<8x50xi32, #tpu.memory_space<vmem>>
          %dma_wait3A_707 = arith.constant 0 : i32
          %dma_wait3A_708 = tpu.memref_slice %arg2[%multiple_of3A_557, %dma_wait3A_707] : memref<8192x50xi32, #tpu.memory_space<hbm>> -> memref<8x50xi32, #tpu.memory_space<hbm>>
          %dma_wait3A_709 = arith.constant 0 : i32
          %dma_wait3A_710 = arith.constant 0 : i32
          %dma_wait3A_711 = tpu.memref_slice %arg5[%run_scoped3A_558, %dma_wait3A_709, %dma_wait3A_710] : memref<2x8x50xi32, #tpu.memory_space<vmem>> -> memref<1x8x50xi32, #tpu.memory_space<vmem>>
          %dma_wait3A_712 = tpu.memref_squeeze %dma_wait3A_711 : memref<1x8x50xi32, #tpu.memory_space<vmem>> -> memref<8x50xi32, #tpu.memory_space<vmem>>
          %dma_wait3A_713 = arith.constant 0 : i32
          %dma_wait3A_714 = tpu.memref_slice %arg2[%multiple_of3A_557, %dma_wait3A_713] : memref<8192x50xi32, #tpu.memory_space<hbm>> -> memref<8x50xi32, #tpu.memory_space<hbm>>
          tpu.wait_dma2 semaphore(%run_scoped3A_690 : memref<!tpu.dma_semaphore, #tpu.memory_space<semaphore_mem>>) src(%dma_wait3A_714 : memref<8x50xi32, #tpu.memory_space<hbm>>) dst(%dma_wait3A_712 : memref<8x50xi32, #tpu.memory_space<vmem>>)
          tpu.yield
        }) : () -> ()
        %dma_wait3A_559 = arith.constant 0 : i32
        %dma_wait3A_560 = arith.constant 0 : i32
        %dma_wait3A_561 = arith.constant 0 : i32
        %dma_wait3A_562 = arith.constant 0 : i32
        %dma_wait3A_563 = tpu.memref_slice %arg6[%dma_wait3A_559, %dma_wait3A_560, %dma_wait3A_561, %dma_wait3A_562] : memref<2x8x50x64xf32, #tpu.memory_space<vmem>> -> memref<1x8x50x64xf32, #tpu.memory_space<vmem>>
        %dma_wait3A_564 = tpu.memref_squeeze %dma_wait3A_563 : memref<1x8x50x64xf32, #tpu.memory_space<vmem>> -> memref<8x50x64xf32, #tpu.memory_space<vmem>>
        %dma_wait3A_565 = arith.constant 0 : i32
        %dma_wait3A_566 = arith.constant 0 : i32
        %dma_wait3A_567 = arith.constant 0 : i32
        %dma_wait3A_568 = tpu.memref_slice %arg4[%dma_wait3A_565, %dma_wait3A_566, %dma_wait3A_567] : memref<8192x50x64xf32, #tpu.memory_space<hbm>> -> memref<8x50x64xf32, #tpu.memory_space<hbm>>
        %dma_wait3A_569 = arith.constant 0 : i32
        %dma_wait3A_570 = arith.constant 0 : i32
        %dma_wait3A_571 = arith.constant 0 : i32
        %dma_wait3A_572 = tpu.memref_slice %arg4[%dma_wait3A_569, %dma_wait3A_570, %dma_wait3A_571] : memref<8192x50x64xf32, #tpu.memory_space<hbm>> -> memref<8x50x64xf32, #tpu.memory_space<hbm>>
        %dma_wait3A_573 = arith.constant 0 : i32
        %dma_wait3A_574 = arith.constant 0 : i32
        %dma_wait3A_575 = arith.constant 0 : i32
        %dma_wait3A_576 = tpu.memref_slice %arg6[%dma_wait3A_559, %dma_wait3A_573, %dma_wait3A_574, %dma_wait3A_575] : memref<2x8x50x64xf32, #tpu.memory_space<vmem>> -> memref<1x8x50x64xf32, #tpu.memory_space<vmem>>
        %dma_wait3A_577 = tpu.memref_squeeze %dma_wait3A_576 : memref<1x8x50x64xf32, #tpu.memory_space<vmem>> -> memref<8x50x64xf32, #tpu.memory_space<vmem>>
        tpu.wait_dma2 semaphore(%arg9 : memref<!tpu.dma_semaphore, #tpu.memory_space<semaphore_mem>>) src(%dma_wait3A_577 : memref<8x50x64xf32, #tpu.memory_space<vmem>>) dst(%dma_wait3A_572 : memref<8x50x64xf32, #tpu.memory_space<hbm>>)
        %dma_start3A_578 = arith.constant 0 : i32
        %dma_start3A_579 = arith.constant 0 : i32
        %dma_start3A_580 = arith.constant 0 : i32
        %dma_start3A_581 = arith.constant 0 : i32
        %dma_start3A_582 = arith.constant 0 : i32
        %dma_start3A_583 = arith.constant 0 : i32
        %dma_start3A_584 = tpu.memref_slice %arg6[%dma_start3A_580, %dma_start3A_581, %dma_start3A_582, %dma_start3A_583] : memref<2x8x50x64xf32, #tpu.memory_space<vmem>> -> memref<1x1x50x64xf32, #tpu.memory_space<vmem>>
        %dma_start3A_585 = tpu.memref_squeeze %dma_start3A_584 : memref<1x1x50x64xf32, #tpu.memory_space<vmem>> -> memref<50x64xf32, #tpu.memory_space<vmem>>
        %dma_start3A_586 = arith.constant 0 : i32
        %dma_start3A_587 = tpu.memref_slice %arg5[%dma_start3A_578, %dma_start3A_579, %dma_start3A_586] : memref<2x8x50xi32, #tpu.memory_space<vmem>> -> memref<1x1x50xi32, #tpu.memory_space<vmem>>
        %dma_start3A_588 = tpu.memref_squeeze %dma_start3A_587 : memref<1x1x50xi32, #tpu.memory_space<vmem>> -> memref<50xi32, #tpu.memory_space<vmem>>
        %dma_start3A_589 = arith.constant 0 : i32
        %dma_start3A_590 = arith.constant 0 : i32
        %dma_start3A_591 = tpu.memref_slice %arg3[%dma_start3A_589, %dma_start3A_590] : memref<1000000x64xf32, #tpu.memory_space<hbm>> -> memref<1000000x64xf32, #tpu.memory_space<hbm>>
        tpu.enqueue_indirect_dma source(%dma_start3A_591 : memref<1000000x64xf32, #tpu.memory_space<hbm>>) target(%dma_start3A_585 : memref<50x64xf32, #tpu.memory_space<vmem>>) offsets(%dma_start3A_588 : memref<50xi32, #tpu.memory_space<vmem>>) semaphore(%arg7 : memref<!tpu.dma_semaphore, #tpu.memory_space<semaphore_mem>>)
        %dma_start3A_592 = arith.constant 0 : i32
        %dma_start3A_593 = arith.constant 1 : i32
        %dma_start3A_594 = arith.constant 0 : i32
        %dma_start3A_595 = arith.constant 1 : i32
        %dma_start3A_596 = arith.constant 0 : i32
        %dma_start3A_597 = arith.constant 0 : i32
        %dma_start3A_598 = tpu.memref_slice %arg6[%dma_start3A_594, %dma_start3A_595, %dma_start3A_596, %dma_start3A_597] : memref<2x8x50x64xf32, #tpu.memory_space<vmem>> -> memref<1x1x50x64xf32, #tpu.memory_space<vmem>>
        %dma_start3A_599 = tpu.memref_squeeze %dma_start3A_598 : memref<1x1x50x64xf32, #tpu.memory_space<vmem>> -> memref<50x64xf32, #tpu.memory_space<vmem>>
        %dma_start3A_600 = arith.constant 0 : i32
        %dma_start3A_601 = tpu.memref_slice %arg5[%dma_start3A_592, %dma_start3A_593, %dma_start3A_600] : memref<2x8x50xi32, #tpu.memory_space<vmem>> -> memref<1x1x50xi32, #tpu.memory_space<vmem>>
        %dma_start3A_602 = tpu.memref_squeeze %dma_start3A_601 : memref<1x1x50xi32, #tpu.memory_space<vmem>> -> memref<50xi32, #tpu.memory_space<vmem>>
        %dma_start3A_603 = arith.constant 0 : i32
        %dma_start3A_604 = arith.constant 0 : i32
        %dma_start3A_605 = tpu.memref_slice %arg3[%dma_start3A_603, %dma_start3A_604] : memref<1000000x64xf32, #tpu.memory_space<hbm>> -> memref<1000000x64xf32, #tpu.memory_space<hbm>>
        tpu.enqueue_indirect_dma source(%dma_start3A_605 : memref<1000000x64xf32, #tpu.memory_space<hbm>>) target(%dma_start3A_599 : memref<50x64xf32, #tpu.memory_space<vmem>>) offsets(%dma_start3A_602 : memref<50xi32, #tpu.memory_space<vmem>>) semaphore(%arg7 : memref<!tpu.dma_semaphore, #tpu.memory_space<semaphore_mem>>)
        %dma_start3A_606 = arith.constant 0 : i32
        %dma_start3A_607 = arith.constant 2 : i32
        %dma_start3A_608 = arith.constant 0 : i32
        %dma_start3A_609 = arith.constant 2 : i32
        %dma_start3A_610 = arith.constant 0 : i32
        %dma_start3A_611 = arith.constant 0 : i32
        %dma_start3A_612 = tpu.memref_slice %arg6[%dma_start3A_608, %dma_start3A_609, %dma_start3A_610, %dma_start3A_611] : memref<2x8x50x64xf32, #tpu.memory_space<vmem>> -> memref<1x1x50x64xf32, #tpu.memory_space<vmem>>
        %dma_start3A_613 = tpu.memref_squeeze %dma_start3A_612 : memref<1x1x50x64xf32, #tpu.memory_space<vmem>> -> memref<50x64xf32, #tpu.memory_space<vmem>>
        %dma_start3A_614 = arith.constant 0 : i32
        %dma_start3A_615 = tpu.memref_slice %arg5[%dma_start3A_606, %dma_start3A_607, %dma_start3A_614] : memref<2x8x50xi32, #tpu.memory_space<vmem>> -> memref<1x1x50xi32, #tpu.memory_space<vmem>>
        %dma_start3A_616 = tpu.memref_squeeze %dma_start3A_615 : memref<1x1x50xi32, #tpu.memory_space<vmem>> -> memref<50xi32, #tpu.memory_space<vmem>>
        %dma_start3A_617 = arith.constant 0 : i32
        %dma_start3A_618 = arith.constant 0 : i32
        %dma_start3A_619 = tpu.memref_slice %arg3[%dma_start3A_617, %dma_start3A_618] : memref<1000000x64xf32, #tpu.memory_space<hbm>> -> memref<1000000x64xf32, #tpu.memory_space<hbm>>
        tpu.enqueue_indirect_dma source(%dma_start3A_619 : memref<1000000x64xf32, #tpu.memory_space<hbm>>) target(%dma_start3A_613 : memref<50x64xf32, #tpu.memory_space<vmem>>) offsets(%dma_start3A_616 : memref<50xi32, #tpu.memory_space<vmem>>) semaphore(%arg7 : memref<!tpu.dma_semaphore, #tpu.memory_space<semaphore_mem>>)
        %dma_start3A_620 = arith.constant 0 : i32
        %dma_start3A_621 = arith.constant 3 : i32
        %dma_start3A_622 = arith.constant 0 : i32
        %dma_start3A_623 = arith.constant 3 : i32
        %dma_start3A_624 = arith.constant 0 : i32
        %dma_start3A_625 = arith.constant 0 : i32
        %dma_start3A_626 = tpu.memref_slice %arg6[%dma_start3A_622, %dma_start3A_623, %dma_start3A_624, %dma_start3A_625] : memref<2x8x50x64xf32, #tpu.memory_space<vmem>> -> memref<1x1x50x64xf32, #tpu.memory_space<vmem>>
        %dma_start3A_627 = tpu.memref_squeeze %dma_start3A_626 : memref<1x1x50x64xf32, #tpu.memory_space<vmem>> -> memref<50x64xf32, #tpu.memory_space<vmem>>
        %dma_start3A_628 = arith.constant 0 : i32
        %dma_start3A_629 = tpu.memref_slice %arg5[%dma_start3A_620, %dma_start3A_621, %dma_start3A_628] : memref<2x8x50xi32, #tpu.memory_space<vmem>> -> memref<1x1x50xi32, #tpu.memory_space<vmem>>
        %dma_start3A_630 = tpu.memref_squeeze %dma_start3A_629 : memref<1x1x50xi32, #tpu.memory_space<vmem>> -> memref<50xi32, #tpu.memory_space<vmem>>
        %dma_start3A_631 = arith.constant 0 : i32
        %dma_start3A_632 = arith.constant 0 : i32
        %dma_start3A_633 = tpu.memref_slice %arg3[%dma_start3A_631, %dma_start3A_632] : memref<1000000x64xf32, #tpu.memory_space<hbm>> -> memref<1000000x64xf32, #tpu.memory_space<hbm>>
        tpu.enqueue_indirect_dma source(%dma_start3A_633 : memref<1000000x64xf32, #tpu.memory_space<hbm>>) target(%dma_start3A_627 : memref<50x64xf32, #tpu.memory_space<vmem>>) offsets(%dma_start3A_630 : memref<50xi32, #tpu.memory_space<vmem>>) semaphore(%arg7 : memref<!tpu.dma_semaphore, #tpu.memory_space<semaphore_mem>>)
        %dma_start3A_634 = arith.constant 0 : i32
        %dma_start3A_635 = arith.constant 4 : i32
        %dma_start3A_636 = arith.constant 0 : i32
        %dma_start3A_637 = arith.constant 4 : i32
        %dma_start3A_638 = arith.constant 0 : i32
        %dma_start3A_639 = arith.constant 0 : i32
        %dma_start3A_640 = tpu.memref_slice %arg6[%dma_start3A_636, %dma_start3A_637, %dma_start3A_638, %dma_start3A_639] : memref<2x8x50x64xf32, #tpu.memory_space<vmem>> -> memref<1x1x50x64xf32, #tpu.memory_space<vmem>>
        %dma_start3A_641 = tpu.memref_squeeze %dma_start3A_640 : memref<1x1x50x64xf32, #tpu.memory_space<vmem>> -> memref<50x64xf32, #tpu.memory_space<vmem>>
        %dma_start3A_642 = arith.constant 0 : i32
        %dma_start3A_643 = tpu.memref_slice %arg5[%dma_start3A_634, %dma_start3A_635, %dma_start3A_642] : memref<2x8x50xi32, #tpu.memory_space<vmem>> -> memref<1x1x50xi32, #tpu.memory_space<vmem>>
        %dma_start3A_644 = tpu.memref_squeeze %dma_start3A_643 : memref<1x1x50xi32, #tpu.memory_space<vmem>> -> memref<50xi32, #tpu.memory_space<vmem>>
        %dma_start3A_645 = arith.constant 0 : i32
        %dma_start3A_646 = arith.constant 0 : i32
        %dma_start3A_647 = tpu.memref_slice %arg3[%dma_start3A_645, %dma_start3A_646] : memref<1000000x64xf32, #tpu.memory_space<hbm>> -> memref<1000000x64xf32, #tpu.memory_space<hbm>>
        tpu.enqueue_indirect_dma source(%dma_start3A_647 : memref<1000000x64xf32, #tpu.memory_space<hbm>>) target(%dma_start3A_641 : memref<50x64xf32, #tpu.memory_space<vmem>>) offsets(%dma_start3A_644 : memref<50xi32, #tpu.memory_space<vmem>>) semaphore(%arg7 : memref<!tpu.dma_semaphore, #tpu.memory_space<semaphore_mem>>)
        %dma_start3A_648 = arith.constant 0 : i32
        %dma_start3A_649 = arith.constant 5 : i32
        %dma_start3A_650 = arith.constant 0 : i32
        %dma_start3A_651 = arith.constant 5 : i32
        %dma_start3A_652 = arith.constant 0 : i32
        %dma_start3A_653 = arith.constant 0 : i32
        %dma_start3A_654 = tpu.memref_slice %arg6[%dma_start3A_650, %dma_start3A_651, %dma_start3A_652, %dma_start3A_653] : memref<2x8x50x64xf32, #tpu.memory_space<vmem>> -> memref<1x1x50x64xf32, #tpu.memory_space<vmem>>
        %dma_start3A_655 = tpu.memref_squeeze %dma_start3A_654 : memref<1x1x50x64xf32, #tpu.memory_space<vmem>> -> memref<50x64xf32, #tpu.memory_space<vmem>>
        %dma_start3A_656 = arith.constant 0 : i32
        %dma_start3A_657 = tpu.memref_slice %arg5[%dma_start3A_648, %dma_start3A_649, %dma_start3A_656] : memref<2x8x50xi32, #tpu.memory_space<vmem>> -> memref<1x1x50xi32, #tpu.memory_space<vmem>>
        %dma_start3A_658 = tpu.memref_squeeze %dma_start3A_657 : memref<1x1x50xi32, #tpu.memory_space<vmem>> -> memref<50xi32, #tpu.memory_space<vmem>>
        %dma_start3A_659 = arith.constant 0 : i32
        %dma_start3A_660 = arith.constant 0 : i32
        %dma_start3A_661 = tpu.memref_slice %arg3[%dma_start3A_659, %dma_start3A_660] : memref<1000000x64xf32, #tpu.memory_space<hbm>> -> memref<1000000x64xf32, #tpu.memory_space<hbm>>
        tpu.enqueue_indirect_dma source(%dma_start3A_661 : memref<1000000x64xf32, #tpu.memory_space<hbm>>) target(%dma_start3A_655 : memref<50x64xf32, #tpu.memory_space<vmem>>) offsets(%dma_start3A_658 : memref<50xi32, #tpu.memory_space<vmem>>) semaphore(%arg7 : memref<!tpu.dma_semaphore, #tpu.memory_space<semaphore_mem>>)
        %dma_start3A_662 = arith.constant 0 : i32
        %dma_start3A_663 = arith.constant 6 : i32
        %dma_start3A_664 = arith.constant 0 : i32
        %dma_start3A_665 = arith.constant 6 : i32
        %dma_start3A_666 = arith.constant 0 : i32
        %dma_start3A_667 = arith.constant 0 : i32
        %dma_start3A_668 = tpu.memref_slice %arg6[%dma_start3A_664, %dma_start3A_665, %dma_start3A_666, %dma_start3A_667] : memref<2x8x50x64xf32, #tpu.memory_space<vmem>> -> memref<1x1x50x64xf32, #tpu.memory_space<vmem>>
        %dma_start3A_669 = tpu.memref_squeeze %dma_start3A_668 : memref<1x1x50x64xf32, #tpu.memory_space<vmem>> -> memref<50x64xf32, #tpu.memory_space<vmem>>
        %dma_start3A_670 = arith.constant 0 : i32
        %dma_start3A_671 = tpu.memref_slice %arg5[%dma_start3A_662, %dma_start3A_663, %dma_start3A_670] : memref<2x8x50xi32, #tpu.memory_space<vmem>> -> memref<1x1x50xi32, #tpu.memory_space<vmem>>
        %dma_start3A_672 = tpu.memref_squeeze %dma_start3A_671 : memref<1x1x50xi32, #tpu.memory_space<vmem>> -> memref<50xi32, #tpu.memory_space<vmem>>
        %dma_start3A_673 = arith.constant 0 : i32
        %dma_start3A_674 = arith.constant 0 : i32
        %dma_start3A_675 = tpu.memref_slice %arg3[%dma_start3A_673, %dma_start3A_674] : memref<1000000x64xf32, #tpu.memory_space<hbm>> -> memref<1000000x64xf32, #tpu.memory_space<hbm>>
        tpu.enqueue_indirect_dma source(%dma_start3A_675 : memref<1000000x64xf32, #tpu.memory_space<hbm>>) target(%dma_start3A_669 : memref<50x64xf32, #tpu.memory_space<vmem>>) offsets(%dma_start3A_672 : memref<50xi32, #tpu.memory_space<vmem>>) semaphore(%arg7 : memref<!tpu.dma_semaphore, #tpu.memory_space<semaphore_mem>>)
        %dma_start3A_676 = arith.constant 0 : i32
        %dma_start3A_677 = arith.constant 7 : i32
        %dma_start3A_678 = arith.constant 0 : i32
        %dma_start3A_679 = arith.constant 7 : i32
        %dma_start3A_680 = arith.constant 0 : i32
        %dma_start3A_681 = arith.constant 0 : i32
        %dma_start3A_682 = tpu.memref_slice %arg6[%dma_start3A_678, %dma_start3A_679, %dma_start3A_680, %dma_start3A_681] : memref<2x8x50x64xf32, #tpu.memory_space<vmem>> -> memref<1x1x50x64xf32, #tpu.memory_space<vmem>>
        %dma_start3A_683 = tpu.memref_squeeze %dma_start3A_682 : memref<1x1x50x64xf32, #tpu.memory_space<vmem>> -> memref<50x64xf32, #tpu.memory_space<vmem>>
        %dma_start3A_684 = arith.constant 0 : i32
        %dma_start3A_685 = tpu.memref_slice %arg5[%dma_start3A_676, %dma_start3A_677, %dma_start3A_684] : memref<2x8x50xi32, #tpu.memory_space<vmem>> -> memref<1x1x50xi32, #tpu.memory_space<vmem>>
        %dma_start3A_686 = tpu.memref_squeeze %dma_start3A_685 : memref<1x1x50xi32, #tpu.memory_space<vmem>> -> memref<50xi32, #tpu.memory_space<vmem>>
        %dma_start3A_687 = arith.constant 0 : i32
        %dma_start3A_688 = arith.constant 0 : i32
        %dma_start3A_689 = tpu.memref_slice %arg3[%dma_start3A_687, %dma_start3A_688] : memref<1000000x64xf32, #tpu.memory_space<hbm>> -> memref<1000000x64xf32, #tpu.memory_space<hbm>>
        tpu.enqueue_indirect_dma source(%dma_start3A_689 : memref<1000000x64xf32, #tpu.memory_space<hbm>>) target(%dma_start3A_683 : memref<50x64xf32, #tpu.memory_space<vmem>>) offsets(%dma_start3A_686 : memref<50xi32, #tpu.memory_space<vmem>>) semaphore(%arg7 : memref<!tpu.dma_semaphore, #tpu.memory_space<semaphore_mem>>)
      } else {
      }
      %dma_wait3A_419 = arith.constant 1 : i32
      %dma_wait3A_420 = arith.constant 0 : i32
      %dma_wait3A_421 = arith.constant 1 : i32
      %dma_wait3A_422 = arith.constant 0 : i32
      %dma_wait3A_423 = arith.constant 0 : i32
      %dma_wait3A_424 = arith.constant 0 : i32
      %dma_wait3A_425 = tpu.memref_slice %arg6[%dma_wait3A_421, %dma_wait3A_422, %dma_wait3A_423, %dma_wait3A_424] : memref<2x8x50x64xf32, #tpu.memory_space<vmem>> -> memref<1x1x50x64xf32, #tpu.memory_space<vmem>>
      %dma_wait3A_426 = tpu.memref_squeeze %dma_wait3A_425 : memref<1x1x50x64xf32, #tpu.memory_space<vmem>> -> memref<50x64xf32, #tpu.memory_space<vmem>>
      %dma_wait3A_427 = arith.constant 0 : i32
      %dma_wait3A_428 = tpu.memref_slice %arg5[%dma_wait3A_419, %dma_wait3A_420, %dma_wait3A_427] : memref<2x8x50xi32, #tpu.memory_space<vmem>> -> memref<1x1x50xi32, #tpu.memory_space<vmem>>
      %dma_wait3A_429 = tpu.memref_squeeze %dma_wait3A_428 : memref<1x1x50xi32, #tpu.memory_space<vmem>> -> memref<50xi32, #tpu.memory_space<vmem>>
      %dma_wait3A_430 = arith.constant 0 : i32
      %dma_wait3A_431 = arith.constant 0 : i32
      %dma_wait3A_432 = tpu.memref_slice %arg3[%dma_wait3A_430, %dma_wait3A_431] : memref<1000000x64xf32, #tpu.memory_space<hbm>> -> memref<1000000x64xf32, #tpu.memory_space<hbm>>
      tpu.wait_indirect_dma semaphore(%arg8 : memref<!tpu.dma_semaphore, #tpu.memory_space<semaphore_mem>>) src(%dma_wait3A_432 : memref<1000000x64xf32, #tpu.memory_space<hbm>>) dst(%dma_wait3A_426 : memref<50x64xf32, #tpu.memory_space<vmem>>)
      %dma_wait3A_433 = arith.constant 1 : i32
      %dma_wait3A_434 = arith.constant 1 : i32
      %dma_wait3A_435 = arith.constant 1 : i32
      %dma_wait3A_436 = arith.constant 1 : i32
      %dma_wait3A_437 = arith.constant 0 : i32
      %dma_wait3A_438 = arith.constant 0 : i32
      %dma_wait3A_439 = tpu.memref_slice %arg6[%dma_wait3A_435, %dma_wait3A_436, %dma_wait3A_437, %dma_wait3A_438] : memref<2x8x50x64xf32, #tpu.memory_space<vmem>> -> memref<1x1x50x64xf32, #tpu.memory_space<vmem>>
      %dma_wait3A_440 = tpu.memref_squeeze %dma_wait3A_439 : memref<1x1x50x64xf32, #tpu.memory_space<vmem>> -> memref<50x64xf32, #tpu.memory_space<vmem>>
      %dma_wait3A_441 = arith.constant 0 : i32
      %dma_wait3A_442 = tpu.memref_slice %arg5[%dma_wait3A_433, %dma_wait3A_434, %dma_wait3A_441] : memref<2x8x50xi32, #tpu.memory_space<vmem>> -> memref<1x1x50xi32, #tpu.memory_space<vmem>>
      %dma_wait3A_443 = tpu.memref_squeeze %dma_wait3A_442 : memref<1x1x50xi32, #tpu.memory_space<vmem>> -> memref<50xi32, #tpu.memory_space<vmem>>
      %dma_wait3A_444 = arith.constant 0 : i32
      %dma_wait3A_445 = arith.constant 0 : i32
      %dma_wait3A_446 = tpu.memref_slice %arg3[%dma_wait3A_444, %dma_wait3A_445] : memref<1000000x64xf32, #tpu.memory_space<hbm>> -> memref<1000000x64xf32, #tpu.memory_space<hbm>>
      tpu.wait_indirect_dma semaphore(%arg8 : memref<!tpu.dma_semaphore, #tpu.memory_space<semaphore_mem>>) src(%dma_wait3A_446 : memref<1000000x64xf32, #tpu.memory_space<hbm>>) dst(%dma_wait3A_440 : memref<50x64xf32, #tpu.memory_space<vmem>>)
      %dma_wait3A_447 = arith.constant 1 : i32
      %dma_wait3A_448 = arith.constant 2 : i32
      %dma_wait3A_449 = arith.constant 1 : i32
      %dma_wait3A_450 = arith.constant 2 : i32
      %dma_wait3A_451 = arith.constant 0 : i32
      %dma_wait3A_452 = arith.constant 0 : i32
      %dma_wait3A_453 = tpu.memref_slice %arg6[%dma_wait3A_449, %dma_wait3A_450, %dma_wait3A_451, %dma_wait3A_452] : memref<2x8x50x64xf32, #tpu.memory_space<vmem>> -> memref<1x1x50x64xf32, #tpu.memory_space<vmem>>
      %dma_wait3A_454 = tpu.memref_squeeze %dma_wait3A_453 : memref<1x1x50x64xf32, #tpu.memory_space<vmem>> -> memref<50x64xf32, #tpu.memory_space<vmem>>
      %dma_wait3A_455 = arith.constant 0 : i32
      %dma_wait3A_456 = tpu.memref_slice %arg5[%dma_wait3A_447, %dma_wait3A_448, %dma_wait3A_455] : memref<2x8x50xi32, #tpu.memory_space<vmem>> -> memref<1x1x50xi32, #tpu.memory_space<vmem>>
      %dma_wait3A_457 = tpu.memref_squeeze %dma_wait3A_456 : memref<1x1x50xi32, #tpu.memory_space<vmem>> -> memref<50xi32, #tpu.memory_space<vmem>>
      %dma_wait3A_458 = arith.constant 0 : i32
      %dma_wait3A_459 = arith.constant 0 : i32
      %dma_wait3A_460 = tpu.memref_slice %arg3[%dma_wait3A_458, %dma_wait3A_459] : memref<1000000x64xf32, #tpu.memory_space<hbm>> -> memref<1000000x64xf32, #tpu.memory_space<hbm>>
      tpu.wait_indirect_dma semaphore(%arg8 : memref<!tpu.dma_semaphore, #tpu.memory_space<semaphore_mem>>) src(%dma_wait3A_460 : memref<1000000x64xf32, #tpu.memory_space<hbm>>) dst(%dma_wait3A_454 : memref<50x64xf32, #tpu.memory_space<vmem>>)
      %dma_wait3A_461 = arith.constant 1 : i32
      %dma_wait3A_462 = arith.constant 3 : i32
      %dma_wait3A_463 = arith.constant 1 : i32
      %dma_wait3A_464 = arith.constant 3 : i32
      %dma_wait3A_465 = arith.constant 0 : i32
      %dma_wait3A_466 = arith.constant 0 : i32
      %dma_wait3A_467 = tpu.memref_slice %arg6[%dma_wait3A_463, %dma_wait3A_464, %dma_wait3A_465, %dma_wait3A_466] : memref<2x8x50x64xf32, #tpu.memory_space<vmem>> -> memref<1x1x50x64xf32, #tpu.memory_space<vmem>>
      %dma_wait3A_468 = tpu.memref_squeeze %dma_wait3A_467 : memref<1x1x50x64xf32, #tpu.memory_space<vmem>> -> memref<50x64xf32, #tpu.memory_space<vmem>>
      %dma_wait3A_469 = arith.constant 0 : i32
      %dma_wait3A_470 = tpu.memref_slice %arg5[%dma_wait3A_461, %dma_wait3A_462, %dma_wait3A_469] : memref<2x8x50xi32, #tpu.memory_space<vmem>> -> memref<1x1x50xi32, #tpu.memory_space<vmem>>
      %dma_wait3A_471 = tpu.memref_squeeze %dma_wait3A_470 : memref<1x1x50xi32, #tpu.memory_space<vmem>> -> memref<50xi32, #tpu.memory_space<vmem>>
      %dma_wait3A_472 = arith.constant 0 : i32
      %dma_wait3A_473 = arith.constant 0 : i32
      %dma_wait3A_474 = tpu.memref_slice %arg3[%dma_wait3A_472, %dma_wait3A_473] : memref<1000000x64xf32, #tpu.memory_space<hbm>> -> memref<1000000x64xf32, #tpu.memory_space<hbm>>
      tpu.wait_indirect_dma semaphore(%arg8 : memref<!tpu.dma_semaphore, #tpu.memory_space<semaphore_mem>>) src(%dma_wait3A_474 : memref<1000000x64xf32, #tpu.memory_space<hbm>>) dst(%dma_wait3A_468 : memref<50x64xf32, #tpu.memory_space<vmem>>)
      %dma_wait3A_475 = arith.constant 1 : i32
      %dma_wait3A_476 = arith.constant 4 : i32
      %dma_wait3A_477 = arith.constant 1 : i32
      %dma_wait3A_478 = arith.constant 4 : i32
      %dma_wait3A_479 = arith.constant 0 : i32
      %dma_wait3A_480 = arith.constant 0 : i32
      %dma_wait3A_481 = tpu.memref_slice %arg6[%dma_wait3A_477, %dma_wait3A_478, %dma_wait3A_479, %dma_wait3A_480] : memref<2x8x50x64xf32, #tpu.memory_space<vmem>> -> memref<1x1x50x64xf32, #tpu.memory_space<vmem>>
      %dma_wait3A_482 = tpu.memref_squeeze %dma_wait3A_481 : memref<1x1x50x64xf32, #tpu.memory_space<vmem>> -> memref<50x64xf32, #tpu.memory_space<vmem>>
      %dma_wait3A_483 = arith.constant 0 : i32
      %dma_wait3A_484 = tpu.memref_slice %arg5[%dma_wait3A_475, %dma_wait3A_476, %dma_wait3A_483] : memref<2x8x50xi32, #tpu.memory_space<vmem>> -> memref<1x1x50xi32, #tpu.memory_space<vmem>>
      %dma_wait3A_485 = tpu.memref_squeeze %dma_wait3A_484 : memref<1x1x50xi32, #tpu.memory_space<vmem>> -> memref<50xi32, #tpu.memory_space<vmem>>
      %dma_wait3A_486 = arith.constant 0 : i32
      %dma_wait3A_487 = arith.constant 0 : i32
      %dma_wait3A_488 = tpu.memref_slice %arg3[%dma_wait3A_486, %dma_wait3A_487] : memref<1000000x64xf32, #tpu.memory_space<hbm>> -> memref<1000000x64xf32, #tpu.memory_space<hbm>>
      tpu.wait_indirect_dma semaphore(%arg8 : memref<!tpu.dma_semaphore, #tpu.memory_space<semaphore_mem>>) src(%dma_wait3A_488 : memref<1000000x64xf32, #tpu.memory_space<hbm>>) dst(%dma_wait3A_482 : memref<50x64xf32, #tpu.memory_space<vmem>>)
      %dma_wait3A_489 = arith.constant 1 : i32
      %dma_wait3A_490 = arith.constant 5 : i32
      %dma_wait3A_491 = arith.constant 1 : i32
      %dma_wait3A_492 = arith.constant 5 : i32
      %dma_wait3A_493 = arith.constant 0 : i32
      %dma_wait3A_494 = arith.constant 0 : i32
      %dma_wait3A_495 = tpu.memref_slice %arg6[%dma_wait3A_491, %dma_wait3A_492, %dma_wait3A_493, %dma_wait3A_494] : memref<2x8x50x64xf32, #tpu.memory_space<vmem>> -> memref<1x1x50x64xf32, #tpu.memory_space<vmem>>
      %dma_wait3A_496 = tpu.memref_squeeze %dma_wait3A_495 : memref<1x1x50x64xf32, #tpu.memory_space<vmem>> -> memref<50x64xf32, #tpu.memory_space<vmem>>
      %dma_wait3A_497 = arith.constant 0 : i32
      %dma_wait3A_498 = tpu.memref_slice %arg5[%dma_wait3A_489, %dma_wait3A_490, %dma_wait3A_497] : memref<2x8x50xi32, #tpu.memory_space<vmem>> -> memref<1x1x50xi32, #tpu.memory_space<vmem>>
      %dma_wait3A_499 = tpu.memref_squeeze %dma_wait3A_498 : memref<1x1x50xi32, #tpu.memory_space<vmem>> -> memref<50xi32, #tpu.memory_space<vmem>>
      %dma_wait3A_500 = arith.constant 0 : i32
      %dma_wait3A_501 = arith.constant 0 : i32
      %dma_wait3A_502 = tpu.memref_slice %arg3[%dma_wait3A_500, %dma_wait3A_501] : memref<1000000x64xf32, #tpu.memory_space<hbm>> -> memref<1000000x64xf32, #tpu.memory_space<hbm>>
      tpu.wait_indirect_dma semaphore(%arg8 : memref<!tpu.dma_semaphore, #tpu.memory_space<semaphore_mem>>) src(%dma_wait3A_502 : memref<1000000x64xf32, #tpu.memory_space<hbm>>) dst(%dma_wait3A_496 : memref<50x64xf32, #tpu.memory_space<vmem>>)
      %dma_wait3A_503 = arith.constant 1 : i32
      %dma_wait3A_504 = arith.constant 6 : i32
      %dma_wait3A_505 = arith.constant 1 : i32
      %dma_wait3A_506 = arith.constant 6 : i32
      %dma_wait3A_507 = arith.constant 0 : i32
      %dma_wait3A_508 = arith.constant 0 : i32
      %dma_wait3A_509 = tpu.memref_slice %arg6[%dma_wait3A_505, %dma_wait3A_506, %dma_wait3A_507, %dma_wait3A_508] : memref<2x8x50x64xf32, #tpu.memory_space<vmem>> -> memref<1x1x50x64xf32, #tpu.memory_space<vmem>>
      %dma_wait3A_510 = tpu.memref_squeeze %dma_wait3A_509 : memref<1x1x50x64xf32, #tpu.memory_space<vmem>> -> memref<50x64xf32, #tpu.memory_space<vmem>>
      %dma_wait3A_511 = arith.constant 0 : i32
      %dma_wait3A_512 = tpu.memref_slice %arg5[%dma_wait3A_503, %dma_wait3A_504, %dma_wait3A_511] : memref<2x8x50xi32, #tpu.memory_space<vmem>> -> memref<1x1x50xi32, #tpu.memory_space<vmem>>
      %dma_wait3A_513 = tpu.memref_squeeze %dma_wait3A_512 : memref<1x1x50xi32, #tpu.memory_space<vmem>> -> memref<50xi32, #tpu.memory_space<vmem>>
      %dma_wait3A_514 = arith.constant 0 : i32
      %dma_wait3A_515 = arith.constant 0 : i32
      %dma_wait3A_516 = tpu.memref_slice %arg3[%dma_wait3A_514, %dma_wait3A_515] : memref<1000000x64xf32, #tpu.memory_space<hbm>> -> memref<1000000x64xf32, #tpu.memory_space<hbm>>
      tpu.wait_indirect_dma semaphore(%arg8 : memref<!tpu.dma_semaphore, #tpu.memory_space<semaphore_mem>>) src(%dma_wait3A_516 : memref<1000000x64xf32, #tpu.memory_space<hbm>>) dst(%dma_wait3A_510 : memref<50x64xf32, #tpu.memory_space<vmem>>)
      %dma_wait3A_517 = arith.constant 1 : i32
      %dma_wait3A_518 = arith.constant 7 : i32
      %dma_wait3A_519 = arith.constant 1 : i32
      %dma_wait3A_520 = arith.constant 7 : i32
      %dma_wait3A_521 = arith.constant 0 : i32
      %dma_wait3A_522 = arith.constant 0 : i32
      %dma_wait3A_523 = tpu.memref_slice %arg6[%dma_wait3A_519, %dma_wait3A_520, %dma_wait3A_521, %dma_wait3A_522] : memref<2x8x50x64xf32, #tpu.memory_space<vmem>> -> memref<1x1x50x64xf32, #tpu.memory_space<vmem>>
      %dma_wait3A_524 = tpu.memref_squeeze %dma_wait3A_523 : memref<1x1x50x64xf32, #tpu.memory_space<vmem>> -> memref<50x64xf32, #tpu.memory_space<vmem>>
      %dma_wait3A_525 = arith.constant 0 : i32
      %dma_wait3A_526 = tpu.memref_slice %arg5[%dma_wait3A_517, %dma_wait3A_518, %dma_wait3A_525] : memref<2x8x50xi32, #tpu.memory_space<vmem>> -> memref<1x1x50xi32, #tpu.memory_space<vmem>>
      %dma_wait3A_527 = tpu.memref_squeeze %dma_wait3A_526 : memref<1x1x50xi32, #tpu.memory_space<vmem>> -> memref<50xi32, #tpu.memory_space<vmem>>
      %dma_wait3A_528 = arith.constant 0 : i32
      %dma_wait3A_529 = arith.constant 0 : i32
      %dma_wait3A_530 = tpu.memref_slice %arg3[%dma_wait3A_528, %dma_wait3A_529] : memref<1000000x64xf32, #tpu.memory_space<hbm>> -> memref<1000000x64xf32, #tpu.memory_space<hbm>>
      tpu.wait_indirect_dma semaphore(%arg8 : memref<!tpu.dma_semaphore, #tpu.memory_space<semaphore_mem>>) src(%dma_wait3A_530 : memref<1000000x64xf32, #tpu.memory_space<hbm>>) dst(%dma_wait3A_524 : memref<50x64xf32, #tpu.memory_space<vmem>>)
      %mul3A_531 = arith.constant 8 : i32
      %mul3A_532 = arith.muli %add3A_162, %mul3A_531 : i32
      %add3A_533 = arith.addi %mul3A_2, %mul3A_532 : i32
      %multiple_of3A_534 = tpu.assume_multiple %add3A_533, 8 : i32
      %dma_start3A_535 = arith.constant 1 : i32
      %dma_start3A_536 = arith.constant 0 : i32
      %dma_start3A_537 = arith.constant 0 : i32
      %dma_start3A_538 = arith.constant 0 : i32
      %dma_start3A_539 = tpu.memref_slice %arg6[%dma_start3A_535, %dma_start3A_536, %dma_start3A_537, %dma_start3A_538] : memref<2x8x50x64xf32, #tpu.memory_space<vmem>> -> memref<1x8x50x64xf32, #tpu.memory_space<vmem>>
      %dma_start3A_540 = tpu.memref_squeeze %dma_start3A_539 : memref<1x8x50x64xf32, #tpu.memory_space<vmem>> -> memref<8x50x64xf32, #tpu.memory_space<vmem>>
      %dma_start3A_541 = arith.constant 0 : i32
      %dma_start3A_542 = arith.constant 0 : i32
      %dma_start3A_543 = tpu.memref_slice %arg4[%multiple_of3A_534, %dma_start3A_541, %dma_start3A_542] : memref<8192x50x64xf32, #tpu.memory_space<hbm>> -> memref<8x50x64xf32, #tpu.memory_space<hbm>>
      %dma_start3A_544 = arith.constant 0 : i32
      %dma_start3A_545 = arith.constant 0 : i32
      %dma_start3A_546 = tpu.memref_slice %arg4[%multiple_of3A_534, %dma_start3A_544, %dma_start3A_545] : memref<8192x50x64xf32, #tpu.memory_space<hbm>> -> memref<8x50x64xf32, #tpu.memory_space<hbm>>
      %dma_start3A_547 = arith.constant 0 : i32
      %dma_start3A_548 = arith.constant 0 : i32
      %dma_start3A_549 = arith.constant 0 : i32
      %dma_start3A_550 = tpu.memref_slice %arg6[%dma_start3A_535, %dma_start3A_547, %dma_start3A_548, %dma_start3A_549] : memref<2x8x50x64xf32, #tpu.memory_space<vmem>> -> memref<1x8x50x64xf32, #tpu.memory_space<vmem>>
      %dma_start3A_551 = tpu.memref_squeeze %dma_start3A_550 : memref<1x8x50x64xf32, #tpu.memory_space<vmem>> -> memref<8x50x64xf32, #tpu.memory_space<vmem>>
      tpu.enqueue_dma source(%dma_start3A_551 : memref<8x50x64xf32, #tpu.memory_space<vmem>>) target(%dma_start3A_546 : memref<8x50x64xf32, #tpu.memory_space<hbm>>) target_semaphore(%arg10 : memref<!tpu.dma_semaphore, #tpu.memory_space<semaphore_mem>>)
    }
    %scan3A_120 = arith.constant 16 : i32
    %dma_wait3A = arith.constant 0 : i32
    %dma_wait3A_121 = arith.constant 0 : i32
    %dma_wait3A_122 = arith.constant 0 : i32
    %dma_wait3A_123 = arith.constant 0 : i32
    %dma_wait3A_124 = tpu.memref_slice %arg6[%dma_wait3A, %dma_wait3A_121, %dma_wait3A_122, %dma_wait3A_123] : memref<2x8x50x64xf32, #tpu.memory_space<vmem>> -> memref<1x8x50x64xf32, #tpu.memory_space<vmem>>
    %dma_wait3A_125 = tpu.memref_squeeze %dma_wait3A_124 : memref<1x8x50x64xf32, #tpu.memory_space<vmem>> -> memref<8x50x64xf32, #tpu.memory_space<vmem>>
    %dma_wait3A_126 = arith.constant 0 : i32
    %dma_wait3A_127 = arith.constant 0 : i32
    %dma_wait3A_128 = arith.constant 0 : i32
    %dma_wait3A_129 = tpu.memref_slice %arg4[%dma_wait3A_126, %dma_wait3A_127, %dma_wait3A_128] : memref<8192x50x64xf32, #tpu.memory_space<hbm>> -> memref<8x50x64xf32, #tpu.memory_space<hbm>>
    %dma_wait3A_130 = arith.constant 0 : i32
    %dma_wait3A_131 = arith.constant 0 : i32
    %dma_wait3A_132 = arith.constant 0 : i32
    %dma_wait3A_133 = tpu.memref_slice %arg4[%dma_wait3A_130, %dma_wait3A_131, %dma_wait3A_132] : memref<8192x50x64xf32, #tpu.memory_space<hbm>> -> memref<8x50x64xf32, #tpu.memory_space<hbm>>
    %dma_wait3A_134 = arith.constant 0 : i32
    %dma_wait3A_135 = arith.constant 0 : i32
    %dma_wait3A_136 = arith.constant 0 : i32
    %dma_wait3A_137 = tpu.memref_slice %arg6[%dma_wait3A, %dma_wait3A_134, %dma_wait3A_135, %dma_wait3A_136] : memref<2x8x50x64xf32, #tpu.memory_space<vmem>> -> memref<1x8x50x64xf32, #tpu.memory_space<vmem>>
    %dma_wait3A_138 = tpu.memref_squeeze %dma_wait3A_137 : memref<1x8x50x64xf32, #tpu.memory_space<vmem>> -> memref<8x50x64xf32, #tpu.memory_space<vmem>>
    tpu.wait_dma2 semaphore(%arg9 : memref<!tpu.dma_semaphore, #tpu.memory_space<semaphore_mem>>) src(%dma_wait3A_138 : memref<8x50x64xf32, #tpu.memory_space<vmem>>) dst(%dma_wait3A_133 : memref<8x50x64xf32, #tpu.memory_space<hbm>>)
    %dma_wait3A_139 = arith.constant 1 : i32
    %dma_wait3A_140 = arith.constant 0 : i32
    %dma_wait3A_141 = arith.constant 0 : i32
    %dma_wait3A_142 = arith.constant 0 : i32
    %dma_wait3A_143 = tpu.memref_slice %arg6[%dma_wait3A_139, %dma_wait3A_140, %dma_wait3A_141, %dma_wait3A_142] : memref<2x8x50x64xf32, #tpu.memory_space<vmem>> -> memref<1x8x50x64xf32, #tpu.memory_space<vmem>>
    %dma_wait3A_144 = tpu.memref_squeeze %dma_wait3A_143 : memref<1x8x50x64xf32, #tpu.memory_space<vmem>> -> memref<8x50x64xf32, #tpu.memory_space<vmem>>
    %dma_wait3A_145 = arith.constant 0 : i32
    %dma_wait3A_146 = arith.constant 0 : i32
    %dma_wait3A_147 = arith.constant 0 : i32
    %dma_wait3A_148 = tpu.memref_slice %arg4[%dma_wait3A_145, %dma_wait3A_146, %dma_wait3A_147] : memref<8192x50x64xf32, #tpu.memory_space<hbm>> -> memref<8x50x64xf32, #tpu.memory_space<hbm>>
    %dma_wait3A_149 = arith.constant 0 : i32
    %dma_wait3A_150 = arith.constant 0 : i32
    %dma_wait3A_151 = arith.constant 0 : i32
    %dma_wait3A_152 = tpu.memref_slice %arg4[%dma_wait3A_149, %dma_wait3A_150, %dma_wait3A_151] : memref<8192x50x64xf32, #tpu.memory_space<hbm>> -> memref<8x50x64xf32, #tpu.memory_space<hbm>>
    %dma_wait3A_153 = arith.constant 0 : i32
    %dma_wait3A_154 = arith.constant 0 : i32
    %dma_wait3A_155 = arith.constant 0 : i32
    %dma_wait3A_156 = tpu.memref_slice %arg6[%dma_wait3A_139, %dma_wait3A_153, %dma_wait3A_154, %dma_wait3A_155] : memref<2x8x50x64xf32, #tpu.memory_space<vmem>> -> memref<1x8x50x64xf32, #tpu.memory_space<vmem>>
    %dma_wait3A_157 = tpu.memref_squeeze %dma_wait3A_156 : memref<1x8x50x64xf32, #tpu.memory_space<vmem>> -> memref<8x50x64xf32, #tpu.memory_space<vmem>>
    tpu.wait_dma2 semaphore(%arg10 : memref<!tpu.dma_semaphore, #tpu.memory_space<semaphore_mem>>) src(%dma_wait3A_157 : memref<8x50x64xf32, #tpu.memory_space<vmem>>) dst(%dma_wait3A_152 : memref<8x50x64xf32, #tpu.memory_space<hbm>>)
    return
  }
}

#map = affine_map<(d0, d1) -> (0, 0)>
#map1 = affine_map<(d0, d1) -> (0, 0, 0)>
module attributes {stable_mosaic.version = 14 : i64} {
  func.func @_embed_sc(%arg0: i32, %arg1: i32, %arg2: memref<8192x50xi32, #tpu.memory_space<hbm>>, %arg3: memref<1000000x64xf32, #tpu.memory_space<hbm>>, %arg4: memref<8192x50x64xf32, #tpu.memory_space<hbm>>, %arg5: memref<2x8x50xi32, #tpu.memory_space<vmem>>, %arg6: memref<2x8x50x64xf32, #tpu.memory_space<vmem>>, %arg7: memref<!tpu.dma_semaphore, #tpu.memory_space<semaphore_mem>>, %arg8: memref<!tpu.dma_semaphore, #tpu.memory_space<semaphore_mem>>, %arg9: memref<!tpu.dma_semaphore, #tpu.memory_space<semaphore_mem>>, %arg10: memref<!tpu.dma_semaphore, #tpu.memory_space<semaphore_mem>>) attributes {dimension_semantics = [#tpu.dimension_semantics<core_parallel>, #tpu.dimension_semantics<subcore_parallel>], iteration_bounds = array<i64: 2, 16>, scalar_prefetch = 0 : i64, scratch_operands = 6 : i64, tpu.core_type = #tpu.core_type<sc_vector_subcore>, window_params = [{transform_indices = #map}, {transform_indices = #map}, {transform_indices = #map1}]} {
    %mul3A = arith.constant 2 : i32
    %mul3A_0 = arith.muli %arg1, %mul3A : i32
    %add3A = arith.addi %mul3A_0, %arg0 : i32
    %mul3A_1 = arith.constant 256 : i32
    %mul3A_2 = arith.muli %add3A, %mul3A_1 : i32
    %add3A_3 = arith.constant 0 : i32
    %add3A_4 = arith.addi %mul3A_2, %add3A_3 : i32
    %multiple_of3A = tpu.assume_multiple %add3A_4, 8 : i32
    %run_scoped3A = arith.constant 0 : i32
    "tpu.region"() ({
      %run_scoped3A_158 = tpu.sem_alloc : memref<!tpu.dma_semaphore, #tpu.memory_space<semaphore_mem>>
      %dma_start3A_159 = arith.constant 0 : i32
      %dma_start3A_160 = arith.constant 0 : i32
      %dma_start3A_161 = tpu.memref_slice %arg5[%run_scoped3A, %dma_start3A_159, %dma_start3A_160] : memref<2x8x50xi32, #tpu.memory_space<vmem>> -> memref<1x8x50xi32, #tpu.memory_space<vmem>>
      %dma_start3A_162 = tpu.memref_squeeze %dma_start3A_161 : memref<1x8x50xi32, #tpu.memory_space<vmem>> -> memref<8x50xi32, #tpu.memory_space<vmem>>
      %dma_start3A_163 = arith.constant 0 : i32
      %dma_start3A_164 = tpu.memref_slice %arg2[%multiple_of3A, %dma_start3A_163] : memref<8192x50xi32, #tpu.memory_space<hbm>> -> memref<8x50xi32, #tpu.memory_space<hbm>>
      %dma_start3A_165 = arith.constant 0 : i32
      %dma_start3A_166 = arith.constant 0 : i32
      %dma_start3A_167 = tpu.memref_slice %arg5[%run_scoped3A, %dma_start3A_165, %dma_start3A_166] : memref<2x8x50xi32, #tpu.memory_space<vmem>> -> memref<1x8x50xi32, #tpu.memory_space<vmem>>
      %dma_start3A_168 = tpu.memref_squeeze %dma_start3A_167 : memref<1x8x50xi32, #tpu.memory_space<vmem>> -> memref<8x50xi32, #tpu.memory_space<vmem>>
      %dma_start3A_169 = arith.constant 0 : i32
      %dma_start3A_170 = tpu.memref_slice %arg2[%multiple_of3A, %dma_start3A_169] : memref<8192x50xi32, #tpu.memory_space<hbm>> -> memref<8x50xi32, #tpu.memory_space<hbm>>
      tpu.enqueue_dma source(%dma_start3A_170 : memref<8x50xi32, #tpu.memory_space<hbm>>) target(%dma_start3A_168 : memref<8x50xi32, #tpu.memory_space<vmem>>) target_semaphore(%run_scoped3A_158 : memref<!tpu.dma_semaphore, #tpu.memory_space<semaphore_mem>>)
      %dma_wait3A_171 = arith.constant 0 : i32
      %dma_wait3A_172 = arith.constant 0 : i32
      %dma_wait3A_173 = tpu.memref_slice %arg5[%run_scoped3A, %dma_wait3A_171, %dma_wait3A_172] : memref<2x8x50xi32, #tpu.memory_space<vmem>> -> memref<1x8x50xi32, #tpu.memory_space<vmem>>
      %dma_wait3A_174 = tpu.memref_squeeze %dma_wait3A_173 : memref<1x8x50xi32, #tpu.memory_space<vmem>> -> memref<8x50xi32, #tpu.memory_space<vmem>>
      %dma_wait3A_175 = arith.constant 0 : i32
      %dma_wait3A_176 = tpu.memref_slice %arg2[%multiple_of3A, %dma_wait3A_175] : memref<8192x50xi32, #tpu.memory_space<hbm>> -> memref<8x50xi32, #tpu.memory_space<hbm>>
      %dma_wait3A_177 = arith.constant 0 : i32
      %dma_wait3A_178 = arith.constant 0 : i32
      %dma_wait3A_179 = tpu.memref_slice %arg5[%run_scoped3A, %dma_wait3A_177, %dma_wait3A_178] : memref<2x8x50xi32, #tpu.memory_space<vmem>> -> memref<1x8x50xi32, #tpu.memory_space<vmem>>
      %dma_wait3A_180 = tpu.memref_squeeze %dma_wait3A_179 : memref<1x8x50xi32, #tpu.memory_space<vmem>> -> memref<8x50xi32, #tpu.memory_space<vmem>>
      %dma_wait3A_181 = arith.constant 0 : i32
      %dma_wait3A_182 = tpu.memref_slice %arg2[%multiple_of3A, %dma_wait3A_181] : memref<8192x50xi32, #tpu.memory_space<hbm>> -> memref<8x50xi32, #tpu.memory_space<hbm>>
      tpu.wait_dma2 semaphore(%run_scoped3A_158 : memref<!tpu.dma_semaphore, #tpu.memory_space<semaphore_mem>>) src(%dma_wait3A_182 : memref<8x50xi32, #tpu.memory_space<hbm>>) dst(%dma_wait3A_180 : memref<8x50xi32, #tpu.memory_space<vmem>>)
      tpu.yield
    }) : () -> ()
    %dma_start3A = arith.constant 0 : i32
    %dma_start3A_5 = arith.constant 0 : i32
    %dma_start3A_6 = arith.constant 0 : i32
    %dma_start3A_7 = arith.constant 0 : i32
    %dma_start3A_8 = arith.constant 0 : i32
    %dma_start3A_9 = arith.constant 0 : i32
    %dma_start3A_10 = tpu.memref_slice %arg6[%dma_start3A_6, %dma_start3A_7, %dma_start3A_8, %dma_start3A_9] : memref<2x8x50x64xf32, #tpu.memory_space<vmem>> -> memref<1x1x50x64xf32, #tpu.memory_space<vmem>>
    %dma_start3A_11 = tpu.memref_squeeze %dma_start3A_10 : memref<1x1x50x64xf32, #tpu.memory_space<vmem>> -> memref<50x64xf32, #tpu.memory_space<vmem>>
    %dma_start3A_12 = arith.constant 0 : i32
    %dma_start3A_13 = tpu.memref_slice %arg5[%dma_start3A, %dma_start3A_5, %dma_start3A_12] : memref<2x8x50xi32, #tpu.memory_space<vmem>> -> memref<1x1x50xi32, #tpu.memory_space<vmem>>
    %dma_start3A_14 = tpu.memref_squeeze %dma_start3A_13 : memref<1x1x50xi32, #tpu.memory_space<vmem>> -> memref<50xi32, #tpu.memory_space<vmem>>
    %dma_start3A_15 = arith.constant 0 : i32
    %dma_start3A_16 = arith.constant 0 : i32
    %dma_start3A_17 = tpu.memref_slice %arg3[%dma_start3A_15, %dma_start3A_16] : memref<1000000x64xf32, #tpu.memory_space<hbm>> -> memref<1000000x64xf32, #tpu.memory_space<hbm>>
    tpu.enqueue_indirect_dma source(%dma_start3A_17 : memref<1000000x64xf32, #tpu.memory_space<hbm>>) target(%dma_start3A_11 : memref<50x64xf32, #tpu.memory_space<vmem>>) offsets(%dma_start3A_14 : memref<50xi32, #tpu.memory_space<vmem>>) semaphore(%arg7 : memref<!tpu.dma_semaphore, #tpu.memory_space<semaphore_mem>>)
    %dma_start3A_18 = arith.constant 0 : i32
    %dma_start3A_19 = arith.constant 1 : i32
    %dma_start3A_20 = arith.constant 0 : i32
    %dma_start3A_21 = arith.constant 1 : i32
    %dma_start3A_22 = arith.constant 0 : i32
    %dma_start3A_23 = arith.constant 0 : i32
    %dma_start3A_24 = tpu.memref_slice %arg6[%dma_start3A_20, %dma_start3A_21, %dma_start3A_22, %dma_start3A_23] : memref<2x8x50x64xf32, #tpu.memory_space<vmem>> -> memref<1x1x50x64xf32, #tpu.memory_space<vmem>>
    %dma_start3A_25 = tpu.memref_squeeze %dma_start3A_24 : memref<1x1x50x64xf32, #tpu.memory_space<vmem>> -> memref<50x64xf32, #tpu.memory_space<vmem>>
    %dma_start3A_26 = arith.constant 0 : i32
    %dma_start3A_27 = tpu.memref_slice %arg5[%dma_start3A_18, %dma_start3A_19, %dma_start3A_26] : memref<2x8x50xi32, #tpu.memory_space<vmem>> -> memref<1x1x50xi32, #tpu.memory_space<vmem>>
    %dma_start3A_28 = tpu.memref_squeeze %dma_start3A_27 : memref<1x1x50xi32, #tpu.memory_space<vmem>> -> memref<50xi32, #tpu.memory_space<vmem>>
    %dma_start3A_29 = arith.constant 0 : i32
    %dma_start3A_30 = arith.constant 0 : i32
    %dma_start3A_31 = tpu.memref_slice %arg3[%dma_start3A_29, %dma_start3A_30] : memref<1000000x64xf32, #tpu.memory_space<hbm>> -> memref<1000000x64xf32, #tpu.memory_space<hbm>>
    tpu.enqueue_indirect_dma source(%dma_start3A_31 : memref<1000000x64xf32, #tpu.memory_space<hbm>>) target(%dma_start3A_25 : memref<50x64xf32, #tpu.memory_space<vmem>>) offsets(%dma_start3A_28 : memref<50xi32, #tpu.memory_space<vmem>>) semaphore(%arg7 : memref<!tpu.dma_semaphore, #tpu.memory_space<semaphore_mem>>)
    %dma_start3A_32 = arith.constant 0 : i32
    %dma_start3A_33 = arith.constant 2 : i32
    %dma_start3A_34 = arith.constant 0 : i32
    %dma_start3A_35 = arith.constant 2 : i32
    %dma_start3A_36 = arith.constant 0 : i32
    %dma_start3A_37 = arith.constant 0 : i32
    %dma_start3A_38 = tpu.memref_slice %arg6[%dma_start3A_34, %dma_start3A_35, %dma_start3A_36, %dma_start3A_37] : memref<2x8x50x64xf32, #tpu.memory_space<vmem>> -> memref<1x1x50x64xf32, #tpu.memory_space<vmem>>
    %dma_start3A_39 = tpu.memref_squeeze %dma_start3A_38 : memref<1x1x50x64xf32, #tpu.memory_space<vmem>> -> memref<50x64xf32, #tpu.memory_space<vmem>>
    %dma_start3A_40 = arith.constant 0 : i32
    %dma_start3A_41 = tpu.memref_slice %arg5[%dma_start3A_32, %dma_start3A_33, %dma_start3A_40] : memref<2x8x50xi32, #tpu.memory_space<vmem>> -> memref<1x1x50xi32, #tpu.memory_space<vmem>>
    %dma_start3A_42 = tpu.memref_squeeze %dma_start3A_41 : memref<1x1x50xi32, #tpu.memory_space<vmem>> -> memref<50xi32, #tpu.memory_space<vmem>>
    %dma_start3A_43 = arith.constant 0 : i32
    %dma_start3A_44 = arith.constant 0 : i32
    %dma_start3A_45 = tpu.memref_slice %arg3[%dma_start3A_43, %dma_start3A_44] : memref<1000000x64xf32, #tpu.memory_space<hbm>> -> memref<1000000x64xf32, #tpu.memory_space<hbm>>
    tpu.enqueue_indirect_dma source(%dma_start3A_45 : memref<1000000x64xf32, #tpu.memory_space<hbm>>) target(%dma_start3A_39 : memref<50x64xf32, #tpu.memory_space<vmem>>) offsets(%dma_start3A_42 : memref<50xi32, #tpu.memory_space<vmem>>) semaphore(%arg7 : memref<!tpu.dma_semaphore, #tpu.memory_space<semaphore_mem>>)
    %dma_start3A_46 = arith.constant 0 : i32
    %dma_start3A_47 = arith.constant 3 : i32
    %dma_start3A_48 = arith.constant 0 : i32
    %dma_start3A_49 = arith.constant 3 : i32
    %dma_start3A_50 = arith.constant 0 : i32
    %dma_start3A_51 = arith.constant 0 : i32
    %dma_start3A_52 = tpu.memref_slice %arg6[%dma_start3A_48, %dma_start3A_49, %dma_start3A_50, %dma_start3A_51] : memref<2x8x50x64xf32, #tpu.memory_space<vmem>> -> memref<1x1x50x64xf32, #tpu.memory_space<vmem>>
    %dma_start3A_53 = tpu.memref_squeeze %dma_start3A_52 : memref<1x1x50x64xf32, #tpu.memory_space<vmem>> -> memref<50x64xf32, #tpu.memory_space<vmem>>
    %dma_start3A_54 = arith.constant 0 : i32
    %dma_start3A_55 = tpu.memref_slice %arg5[%dma_start3A_46, %dma_start3A_47, %dma_start3A_54] : memref<2x8x50xi32, #tpu.memory_space<vmem>> -> memref<1x1x50xi32, #tpu.memory_space<vmem>>
    %dma_start3A_56 = tpu.memref_squeeze %dma_start3A_55 : memref<1x1x50xi32, #tpu.memory_space<vmem>> -> memref<50xi32, #tpu.memory_space<vmem>>
    %dma_start3A_57 = arith.constant 0 : i32
    %dma_start3A_58 = arith.constant 0 : i32
    %dma_start3A_59 = tpu.memref_slice %arg3[%dma_start3A_57, %dma_start3A_58] : memref<1000000x64xf32, #tpu.memory_space<hbm>> -> memref<1000000x64xf32, #tpu.memory_space<hbm>>
    tpu.enqueue_indirect_dma source(%dma_start3A_59 : memref<1000000x64xf32, #tpu.memory_space<hbm>>) target(%dma_start3A_53 : memref<50x64xf32, #tpu.memory_space<vmem>>) offsets(%dma_start3A_56 : memref<50xi32, #tpu.memory_space<vmem>>) semaphore(%arg7 : memref<!tpu.dma_semaphore, #tpu.memory_space<semaphore_mem>>)
    %dma_start3A_60 = arith.constant 0 : i32
    %dma_start3A_61 = arith.constant 4 : i32
    %dma_start3A_62 = arith.constant 0 : i32
    %dma_start3A_63 = arith.constant 4 : i32
    %dma_start3A_64 = arith.constant 0 : i32
    %dma_start3A_65 = arith.constant 0 : i32
    %dma_start3A_66 = tpu.memref_slice %arg6[%dma_start3A_62, %dma_start3A_63, %dma_start3A_64, %dma_start3A_65] : memref<2x8x50x64xf32, #tpu.memory_space<vmem>> -> memref<1x1x50x64xf32, #tpu.memory_space<vmem>>
    %dma_start3A_67 = tpu.memref_squeeze %dma_start3A_66 : memref<1x1x50x64xf32, #tpu.memory_space<vmem>> -> memref<50x64xf32, #tpu.memory_space<vmem>>
    %dma_start3A_68 = arith.constant 0 : i32
    %dma_start3A_69 = tpu.memref_slice %arg5[%dma_start3A_60, %dma_start3A_61, %dma_start3A_68] : memref<2x8x50xi32, #tpu.memory_space<vmem>> -> memref<1x1x50xi32, #tpu.memory_space<vmem>>
    %dma_start3A_70 = tpu.memref_squeeze %dma_start3A_69 : memref<1x1x50xi32, #tpu.memory_space<vmem>> -> memref<50xi32, #tpu.memory_space<vmem>>
    %dma_start3A_71 = arith.constant 0 : i32
    %dma_start3A_72 = arith.constant 0 : i32
    %dma_start3A_73 = tpu.memref_slice %arg3[%dma_start3A_71, %dma_start3A_72] : memref<1000000x64xf32, #tpu.memory_space<hbm>> -> memref<1000000x64xf32, #tpu.memory_space<hbm>>
    tpu.enqueue_indirect_dma source(%dma_start3A_73 : memref<1000000x64xf32, #tpu.memory_space<hbm>>) target(%dma_start3A_67 : memref<50x64xf32, #tpu.memory_space<vmem>>) offsets(%dma_start3A_70 : memref<50xi32, #tpu.memory_space<vmem>>) semaphore(%arg7 : memref<!tpu.dma_semaphore, #tpu.memory_space<semaphore_mem>>)
    %dma_start3A_74 = arith.constant 0 : i32
    %dma_start3A_75 = arith.constant 5 : i32
    %dma_start3A_76 = arith.constant 0 : i32
    %dma_start3A_77 = arith.constant 5 : i32
    %dma_start3A_78 = arith.constant 0 : i32
    %dma_start3A_79 = arith.constant 0 : i32
    %dma_start3A_80 = tpu.memref_slice %arg6[%dma_start3A_76, %dma_start3A_77, %dma_start3A_78, %dma_start3A_79] : memref<2x8x50x64xf32, #tpu.memory_space<vmem>> -> memref<1x1x50x64xf32, #tpu.memory_space<vmem>>
    %dma_start3A_81 = tpu.memref_squeeze %dma_start3A_80 : memref<1x1x50x64xf32, #tpu.memory_space<vmem>> -> memref<50x64xf32, #tpu.memory_space<vmem>>
    %dma_start3A_82 = arith.constant 0 : i32
    %dma_start3A_83 = tpu.memref_slice %arg5[%dma_start3A_74, %dma_start3A_75, %dma_start3A_82] : memref<2x8x50xi32, #tpu.memory_space<vmem>> -> memref<1x1x50xi32, #tpu.memory_space<vmem>>
    %dma_start3A_84 = tpu.memref_squeeze %dma_start3A_83 : memref<1x1x50xi32, #tpu.memory_space<vmem>> -> memref<50xi32, #tpu.memory_space<vmem>>
    %dma_start3A_85 = arith.constant 0 : i32
    %dma_start3A_86 = arith.constant 0 : i32
    %dma_start3A_87 = tpu.memref_slice %arg3[%dma_start3A_85, %dma_start3A_86] : memref<1000000x64xf32, #tpu.memory_space<hbm>> -> memref<1000000x64xf32, #tpu.memory_space<hbm>>
    tpu.enqueue_indirect_dma source(%dma_start3A_87 : memref<1000000x64xf32, #tpu.memory_space<hbm>>) target(%dma_start3A_81 : memref<50x64xf32, #tpu.memory_space<vmem>>) offsets(%dma_start3A_84 : memref<50xi32, #tpu.memory_space<vmem>>) semaphore(%arg7 : memref<!tpu.dma_semaphore, #tpu.memory_space<semaphore_mem>>)
    %dma_start3A_88 = arith.constant 0 : i32
    %dma_start3A_89 = arith.constant 6 : i32
    %dma_start3A_90 = arith.constant 0 : i32
    %dma_start3A_91 = arith.constant 6 : i32
    %dma_start3A_92 = arith.constant 0 : i32
    %dma_start3A_93 = arith.constant 0 : i32
    %dma_start3A_94 = tpu.memref_slice %arg6[%dma_start3A_90, %dma_start3A_91, %dma_start3A_92, %dma_start3A_93] : memref<2x8x50x64xf32, #tpu.memory_space<vmem>> -> memref<1x1x50x64xf32, #tpu.memory_space<vmem>>
    %dma_start3A_95 = tpu.memref_squeeze %dma_start3A_94 : memref<1x1x50x64xf32, #tpu.memory_space<vmem>> -> memref<50x64xf32, #tpu.memory_space<vmem>>
    %dma_start3A_96 = arith.constant 0 : i32
    %dma_start3A_97 = tpu.memref_slice %arg5[%dma_start3A_88, %dma_start3A_89, %dma_start3A_96] : memref<2x8x50xi32, #tpu.memory_space<vmem>> -> memref<1x1x50xi32, #tpu.memory_space<vmem>>
    %dma_start3A_98 = tpu.memref_squeeze %dma_start3A_97 : memref<1x1x50xi32, #tpu.memory_space<vmem>> -> memref<50xi32, #tpu.memory_space<vmem>>
    %dma_start3A_99 = arith.constant 0 : i32
    %dma_start3A_100 = arith.constant 0 : i32
    %dma_start3A_101 = tpu.memref_slice %arg3[%dma_start3A_99, %dma_start3A_100] : memref<1000000x64xf32, #tpu.memory_space<hbm>> -> memref<1000000x64xf32, #tpu.memory_space<hbm>>
    tpu.enqueue_indirect_dma source(%dma_start3A_101 : memref<1000000x64xf32, #tpu.memory_space<hbm>>) target(%dma_start3A_95 : memref<50x64xf32, #tpu.memory_space<vmem>>) offsets(%dma_start3A_98 : memref<50xi32, #tpu.memory_space<vmem>>) semaphore(%arg7 : memref<!tpu.dma_semaphore, #tpu.memory_space<semaphore_mem>>)
    %dma_start3A_102 = arith.constant 0 : i32
    %dma_start3A_103 = arith.constant 7 : i32
    %dma_start3A_104 = arith.constant 0 : i32
    %dma_start3A_105 = arith.constant 7 : i32
    %dma_start3A_106 = arith.constant 0 : i32
    %dma_start3A_107 = arith.constant 0 : i32
    %dma_start3A_108 = tpu.memref_slice %arg6[%dma_start3A_104, %dma_start3A_105, %dma_start3A_106, %dma_start3A_107] : memref<2x8x50x64xf32, #tpu.memory_space<vmem>> -> memref<1x1x50x64xf32, #tpu.memory_space<vmem>>
    %dma_start3A_109 = tpu.memref_squeeze %dma_start3A_108 : memref<1x1x50x64xf32, #tpu.memory_space<vmem>> -> memref<50x64xf32, #tpu.memory_space<vmem>>
    %dma_start3A_110 = arith.constant 0 : i32
    %dma_start3A_111 = tpu.memref_slice %arg5[%dma_start3A_102, %dma_start3A_103, %dma_start3A_110] : memref<2x8x50xi32, #tpu.memory_space<vmem>> -> memref<1x1x50xi32, #tpu.memory_space<vmem>>
    %dma_start3A_112 = tpu.memref_squeeze %dma_start3A_111 : memref<1x1x50xi32, #tpu.memory_space<vmem>> -> memref<50xi32, #tpu.memory_space<vmem>>
    %dma_start3A_113 = arith.constant 0 : i32
    %dma_start3A_114 = arith.constant 0 : i32
    %dma_start3A_115 = tpu.memref_slice %arg3[%dma_start3A_113, %dma_start3A_114] : memref<1000000x64xf32, #tpu.memory_space<hbm>> -> memref<1000000x64xf32, #tpu.memory_space<hbm>>
    tpu.enqueue_indirect_dma source(%dma_start3A_115 : memref<1000000x64xf32, #tpu.memory_space<hbm>>) target(%dma_start3A_109 : memref<50x64xf32, #tpu.memory_space<vmem>>) offsets(%dma_start3A_112 : memref<50xi32, #tpu.memory_space<vmem>>) semaphore(%arg7 : memref<!tpu.dma_semaphore, #tpu.memory_space<semaphore_mem>>)
    %scan3A = arith.constant 0 : i32
    %scan3A_116 = arith.constant 0 : i32
    %scan3A_117 = arith.constant 16 : i32
    %scan3A_118 = arith.addi %scan3A_116, %scan3A_117 : i32
    %scan3A_119 = arith.constant 1 : i32
    scf.for %scan3A_158 = %scan3A_116 to %scan3A_118 step %scan3A_119  : i32 {
      %mul3A_159 = arith.constant 2 : i32
      %mul3A_160 = arith.muli %scan3A_158, %mul3A_159 : i32
      %add3A_161 = arith.constant 1 : i32
      %add3A_162 = arith.addi %mul3A_160, %add3A_161 : i32
      %mul3A_163 = arith.constant 8 : i32
      %mul3A_164 = arith.muli %add3A_162, %mul3A_163 : i32
      %add3A_165 = arith.addi %mul3A_2, %mul3A_164 : i32
      %multiple_of3A_166 = tpu.assume_multiple %add3A_165, 8 : i32
      %run_scoped3A_167 = arith.constant 1 : i32
      "tpu.region"() ({
        %run_scoped3A_552 = tpu.sem_alloc : memref<!tpu.dma_semaphore, #tpu.memory_space<semaphore_mem>>
        %dma_start3A_553 = arith.constant 0 : i32
        %dma_start3A_554 = arith.constant 0 : i32
        %dma_start3A_555 = tpu.memref_slice %arg5[%run_scoped3A_167, %dma_start3A_553, %dma_start3A_554] : memref<2x8x50xi32, #tpu.memory_space<vmem>> -> memref<1x8x50xi32, #tpu.memory_space<vmem>>
        %dma_start3A_556 = tpu.memref_squeeze %dma_start3A_555 : memref<1x8x50xi32, #tpu.memory_space<vmem>> -> memref<8x50xi32, #tpu.memory_space<vmem>>
        %dma_start3A_557 = arith.constant 0 : i32
        %dma_start3A_558 = tpu.memref_slice %arg2[%multiple_of3A_166, %dma_start3A_557] : memref<8192x50xi32, #tpu.memory_space<hbm>> -> memref<8x50xi32, #tpu.memory_space<hbm>>
        %dma_start3A_559 = arith.constant 0 : i32
        %dma_start3A_560 = arith.constant 0 : i32
        %dma_start3A_561 = tpu.memref_slice %arg5[%run_scoped3A_167, %dma_start3A_559, %dma_start3A_560] : memref<2x8x50xi32, #tpu.memory_space<vmem>> -> memref<1x8x50xi32, #tpu.memory_space<vmem>>
        %dma_start3A_562 = tpu.memref_squeeze %dma_start3A_561 : memref<1x8x50xi32, #tpu.memory_space<vmem>> -> memref<8x50xi32, #tpu.memory_space<vmem>>
        %dma_start3A_563 = arith.constant 0 : i32
        %dma_start3A_564 = tpu.memref_slice %arg2[%multiple_of3A_166, %dma_start3A_563] : memref<8192x50xi32, #tpu.memory_space<hbm>> -> memref<8x50xi32, #tpu.memory_space<hbm>>
        tpu.enqueue_dma source(%dma_start3A_564 : memref<8x50xi32, #tpu.memory_space<hbm>>) target(%dma_start3A_562 : memref<8x50xi32, #tpu.memory_space<vmem>>) target_semaphore(%run_scoped3A_552 : memref<!tpu.dma_semaphore, #tpu.memory_space<semaphore_mem>>)
        %dma_wait3A_565 = arith.constant 0 : i32
        %dma_wait3A_566 = arith.constant 0 : i32
        %dma_wait3A_567 = tpu.memref_slice %arg5[%run_scoped3A_167, %dma_wait3A_565, %dma_wait3A_566] : memref<2x8x50xi32, #tpu.memory_space<vmem>> -> memref<1x8x50xi32, #tpu.memory_space<vmem>>
        %dma_wait3A_568 = tpu.memref_squeeze %dma_wait3A_567 : memref<1x8x50xi32, #tpu.memory_space<vmem>> -> memref<8x50xi32, #tpu.memory_space<vmem>>
        %dma_wait3A_569 = arith.constant 0 : i32
        %dma_wait3A_570 = tpu.memref_slice %arg2[%multiple_of3A_166, %dma_wait3A_569] : memref<8192x50xi32, #tpu.memory_space<hbm>> -> memref<8x50xi32, #tpu.memory_space<hbm>>
        %dma_wait3A_571 = arith.constant 0 : i32
        %dma_wait3A_572 = arith.constant 0 : i32
        %dma_wait3A_573 = tpu.memref_slice %arg5[%run_scoped3A_167, %dma_wait3A_571, %dma_wait3A_572] : memref<2x8x50xi32, #tpu.memory_space<vmem>> -> memref<1x8x50xi32, #tpu.memory_space<vmem>>
        %dma_wait3A_574 = tpu.memref_squeeze %dma_wait3A_573 : memref<1x8x50xi32, #tpu.memory_space<vmem>> -> memref<8x50xi32, #tpu.memory_space<vmem>>
        %dma_wait3A_575 = arith.constant 0 : i32
        %dma_wait3A_576 = tpu.memref_slice %arg2[%multiple_of3A_166, %dma_wait3A_575] : memref<8192x50xi32, #tpu.memory_space<hbm>> -> memref<8x50xi32, #tpu.memory_space<hbm>>
        tpu.wait_dma2 semaphore(%run_scoped3A_552 : memref<!tpu.dma_semaphore, #tpu.memory_space<semaphore_mem>>) src(%dma_wait3A_576 : memref<8x50xi32, #tpu.memory_space<hbm>>) dst(%dma_wait3A_574 : memref<8x50xi32, #tpu.memory_space<vmem>>)
        tpu.yield
      }) : () -> ()
      %gt3A = arith.constant 0 : i32
      %gt3A_168 = arith.cmpi sgt, %scan3A_158, %gt3A : i32
      %convert_element_type3A = arith.extui %gt3A_168 : i1 to i32
      %cond3A = arith.constant 0 : i32
      %cond3A_169 = arith.cmpi ne, %convert_element_type3A, %cond3A : i32
      scf.if %cond3A_169 {
        %dma_wait3A_552 = arith.constant 1 : i32
        %dma_wait3A_553 = arith.constant 0 : i32
        %dma_wait3A_554 = arith.constant 0 : i32
        %dma_wait3A_555 = arith.constant 0 : i32
        %dma_wait3A_556 = tpu.memref_slice %arg6[%dma_wait3A_552, %dma_wait3A_553, %dma_wait3A_554, %dma_wait3A_555] : memref<2x8x50x64xf32, #tpu.memory_space<vmem>> -> memref<1x8x50x64xf32, #tpu.memory_space<vmem>>
        %dma_wait3A_557 = tpu.memref_squeeze %dma_wait3A_556 : memref<1x8x50x64xf32, #tpu.memory_space<vmem>> -> memref<8x50x64xf32, #tpu.memory_space<vmem>>
        %dma_wait3A_558 = arith.constant 0 : i32
        %dma_wait3A_559 = arith.constant 0 : i32
        %dma_wait3A_560 = arith.constant 0 : i32
        %dma_wait3A_561 = tpu.memref_slice %arg4[%dma_wait3A_558, %dma_wait3A_559, %dma_wait3A_560] : memref<8192x50x64xf32, #tpu.memory_space<hbm>> -> memref<8x50x64xf32, #tpu.memory_space<hbm>>
        %dma_wait3A_562 = arith.constant 0 : i32
        %dma_wait3A_563 = arith.constant 0 : i32
        %dma_wait3A_564 = arith.constant 0 : i32
        %dma_wait3A_565 = tpu.memref_slice %arg4[%dma_wait3A_562, %dma_wait3A_563, %dma_wait3A_564] : memref<8192x50x64xf32, #tpu.memory_space<hbm>> -> memref<8x50x64xf32, #tpu.memory_space<hbm>>
        %dma_wait3A_566 = arith.constant 0 : i32
        %dma_wait3A_567 = arith.constant 0 : i32
        %dma_wait3A_568 = arith.constant 0 : i32
        %dma_wait3A_569 = tpu.memref_slice %arg6[%dma_wait3A_552, %dma_wait3A_566, %dma_wait3A_567, %dma_wait3A_568] : memref<2x8x50x64xf32, #tpu.memory_space<vmem>> -> memref<1x8x50x64xf32, #tpu.memory_space<vmem>>
        %dma_wait3A_570 = tpu.memref_squeeze %dma_wait3A_569 : memref<1x8x50x64xf32, #tpu.memory_space<vmem>> -> memref<8x50x64xf32, #tpu.memory_space<vmem>>
        tpu.wait_dma2 semaphore(%arg10 : memref<!tpu.dma_semaphore, #tpu.memory_space<semaphore_mem>>) src(%dma_wait3A_570 : memref<8x50x64xf32, #tpu.memory_space<vmem>>) dst(%dma_wait3A_565 : memref<8x50x64xf32, #tpu.memory_space<hbm>>)
      } else {
      }
      %dma_start3A_170 = arith.constant 1 : i32
      %dma_start3A_171 = arith.constant 0 : i32
      %dma_start3A_172 = arith.constant 1 : i32
      %dma_start3A_173 = arith.constant 0 : i32
      %dma_start3A_174 = arith.constant 0 : i32
      %dma_start3A_175 = arith.constant 0 : i32
      %dma_start3A_176 = tpu.memref_slice %arg6[%dma_start3A_172, %dma_start3A_173, %dma_start3A_174, %dma_start3A_175] : memref<2x8x50x64xf32, #tpu.memory_space<vmem>> -> memref<1x1x50x64xf32, #tpu.memory_space<vmem>>
      %dma_start3A_177 = tpu.memref_squeeze %dma_start3A_176 : memref<1x1x50x64xf32, #tpu.memory_space<vmem>> -> memref<50x64xf32, #tpu.memory_space<vmem>>
      %dma_start3A_178 = arith.constant 0 : i32
      %dma_start3A_179 = tpu.memref_slice %arg5[%dma_start3A_170, %dma_start3A_171, %dma_start3A_178] : memref<2x8x50xi32, #tpu.memory_space<vmem>> -> memref<1x1x50xi32, #tpu.memory_space<vmem>>
      %dma_start3A_180 = tpu.memref_squeeze %dma_start3A_179 : memref<1x1x50xi32, #tpu.memory_space<vmem>> -> memref<50xi32, #tpu.memory_space<vmem>>
      %dma_start3A_181 = arith.constant 0 : i32
      %dma_start3A_182 = arith.constant 0 : i32
      %dma_start3A_183 = tpu.memref_slice %arg3[%dma_start3A_181, %dma_start3A_182] : memref<1000000x64xf32, #tpu.memory_space<hbm>> -> memref<1000000x64xf32, #tpu.memory_space<hbm>>
      tpu.enqueue_indirect_dma source(%dma_start3A_183 : memref<1000000x64xf32, #tpu.memory_space<hbm>>) target(%dma_start3A_177 : memref<50x64xf32, #tpu.memory_space<vmem>>) offsets(%dma_start3A_180 : memref<50xi32, #tpu.memory_space<vmem>>) semaphore(%arg8 : memref<!tpu.dma_semaphore, #tpu.memory_space<semaphore_mem>>)
      %dma_start3A_184 = arith.constant 1 : i32
      %dma_start3A_185 = arith.constant 1 : i32
      %dma_start3A_186 = arith.constant 1 : i32
      %dma_start3A_187 = arith.constant 1 : i32
      %dma_start3A_188 = arith.constant 0 : i32
      %dma_start3A_189 = arith.constant 0 : i32
      %dma_start3A_190 = tpu.memref_slice %arg6[%dma_start3A_186, %dma_start3A_187, %dma_start3A_188, %dma_start3A_189] : memref<2x8x50x64xf32, #tpu.memory_space<vmem>> -> memref<1x1x50x64xf32, #tpu.memory_space<vmem>>
      %dma_start3A_191 = tpu.memref_squeeze %dma_start3A_190 : memref<1x1x50x64xf32, #tpu.memory_space<vmem>> -> memref<50x64xf32, #tpu.memory_space<vmem>>
      %dma_start3A_192 = arith.constant 0 : i32
      %dma_start3A_193 = tpu.memref_slice %arg5[%dma_start3A_184, %dma_start3A_185, %dma_start3A_192] : memref<2x8x50xi32, #tpu.memory_space<vmem>> -> memref<1x1x50xi32, #tpu.memory_space<vmem>>
      %dma_start3A_194 = tpu.memref_squeeze %dma_start3A_193 : memref<1x1x50xi32, #tpu.memory_space<vmem>> -> memref<50xi32, #tpu.memory_space<vmem>>
      %dma_start3A_195 = arith.constant 0 : i32
      %dma_start3A_196 = arith.constant 0 : i32
      %dma_start3A_197 = tpu.memref_slice %arg3[%dma_start3A_195, %dma_start3A_196] : memref<1000000x64xf32, #tpu.memory_space<hbm>> -> memref<1000000x64xf32, #tpu.memory_space<hbm>>
      tpu.enqueue_indirect_dma source(%dma_start3A_197 : memref<1000000x64xf32, #tpu.memory_space<hbm>>) target(%dma_start3A_191 : memref<50x64xf32, #tpu.memory_space<vmem>>) offsets(%dma_start3A_194 : memref<50xi32, #tpu.memory_space<vmem>>) semaphore(%arg8 : memref<!tpu.dma_semaphore, #tpu.memory_space<semaphore_mem>>)
      %dma_start3A_198 = arith.constant 1 : i32
      %dma_start3A_199 = arith.constant 2 : i32
      %dma_start3A_200 = arith.constant 1 : i32
      %dma_start3A_201 = arith.constant 2 : i32
      %dma_start3A_202 = arith.constant 0 : i32
      %dma_start3A_203 = arith.constant 0 : i32
      %dma_start3A_204 = tpu.memref_slice %arg6[%dma_start3A_200, %dma_start3A_201, %dma_start3A_202, %dma_start3A_203] : memref<2x8x50x64xf32, #tpu.memory_space<vmem>> -> memref<1x1x50x64xf32, #tpu.memory_space<vmem>>
      %dma_start3A_205 = tpu.memref_squeeze %dma_start3A_204 : memref<1x1x50x64xf32, #tpu.memory_space<vmem>> -> memref<50x64xf32, #tpu.memory_space<vmem>>
      %dma_start3A_206 = arith.constant 0 : i32
      %dma_start3A_207 = tpu.memref_slice %arg5[%dma_start3A_198, %dma_start3A_199, %dma_start3A_206] : memref<2x8x50xi32, #tpu.memory_space<vmem>> -> memref<1x1x50xi32, #tpu.memory_space<vmem>>
      %dma_start3A_208 = tpu.memref_squeeze %dma_start3A_207 : memref<1x1x50xi32, #tpu.memory_space<vmem>> -> memref<50xi32, #tpu.memory_space<vmem>>
      %dma_start3A_209 = arith.constant 0 : i32
      %dma_start3A_210 = arith.constant 0 : i32
      %dma_start3A_211 = tpu.memref_slice %arg3[%dma_start3A_209, %dma_start3A_210] : memref<1000000x64xf32, #tpu.memory_space<hbm>> -> memref<1000000x64xf32, #tpu.memory_space<hbm>>
      tpu.enqueue_indirect_dma source(%dma_start3A_211 : memref<1000000x64xf32, #tpu.memory_space<hbm>>) target(%dma_start3A_205 : memref<50x64xf32, #tpu.memory_space<vmem>>) offsets(%dma_start3A_208 : memref<50xi32, #tpu.memory_space<vmem>>) semaphore(%arg8 : memref<!tpu.dma_semaphore, #tpu.memory_space<semaphore_mem>>)
      %dma_start3A_212 = arith.constant 1 : i32
      %dma_start3A_213 = arith.constant 3 : i32
      %dma_start3A_214 = arith.constant 1 : i32
      %dma_start3A_215 = arith.constant 3 : i32
      %dma_start3A_216 = arith.constant 0 : i32
      %dma_start3A_217 = arith.constant 0 : i32
      %dma_start3A_218 = tpu.memref_slice %arg6[%dma_start3A_214, %dma_start3A_215, %dma_start3A_216, %dma_start3A_217] : memref<2x8x50x64xf32, #tpu.memory_space<vmem>> -> memref<1x1x50x64xf32, #tpu.memory_space<vmem>>
      %dma_start3A_219 = tpu.memref_squeeze %dma_start3A_218 : memref<1x1x50x64xf32, #tpu.memory_space<vmem>> -> memref<50x64xf32, #tpu.memory_space<vmem>>
      %dma_start3A_220 = arith.constant 0 : i32
      %dma_start3A_221 = tpu.memref_slice %arg5[%dma_start3A_212, %dma_start3A_213, %dma_start3A_220] : memref<2x8x50xi32, #tpu.memory_space<vmem>> -> memref<1x1x50xi32, #tpu.memory_space<vmem>>
      %dma_start3A_222 = tpu.memref_squeeze %dma_start3A_221 : memref<1x1x50xi32, #tpu.memory_space<vmem>> -> memref<50xi32, #tpu.memory_space<vmem>>
      %dma_start3A_223 = arith.constant 0 : i32
      %dma_start3A_224 = arith.constant 0 : i32
      %dma_start3A_225 = tpu.memref_slice %arg3[%dma_start3A_223, %dma_start3A_224] : memref<1000000x64xf32, #tpu.memory_space<hbm>> -> memref<1000000x64xf32, #tpu.memory_space<hbm>>
      tpu.enqueue_indirect_dma source(%dma_start3A_225 : memref<1000000x64xf32, #tpu.memory_space<hbm>>) target(%dma_start3A_219 : memref<50x64xf32, #tpu.memory_space<vmem>>) offsets(%dma_start3A_222 : memref<50xi32, #tpu.memory_space<vmem>>) semaphore(%arg8 : memref<!tpu.dma_semaphore, #tpu.memory_space<semaphore_mem>>)
      %dma_start3A_226 = arith.constant 1 : i32
      %dma_start3A_227 = arith.constant 4 : i32
      %dma_start3A_228 = arith.constant 1 : i32
      %dma_start3A_229 = arith.constant 4 : i32
      %dma_start3A_230 = arith.constant 0 : i32
      %dma_start3A_231 = arith.constant 0 : i32
      %dma_start3A_232 = tpu.memref_slice %arg6[%dma_start3A_228, %dma_start3A_229, %dma_start3A_230, %dma_start3A_231] : memref<2x8x50x64xf32, #tpu.memory_space<vmem>> -> memref<1x1x50x64xf32, #tpu.memory_space<vmem>>
      %dma_start3A_233 = tpu.memref_squeeze %dma_start3A_232 : memref<1x1x50x64xf32, #tpu.memory_space<vmem>> -> memref<50x64xf32, #tpu.memory_space<vmem>>
      %dma_start3A_234 = arith.constant 0 : i32
      %dma_start3A_235 = tpu.memref_slice %arg5[%dma_start3A_226, %dma_start3A_227, %dma_start3A_234] : memref<2x8x50xi32, #tpu.memory_space<vmem>> -> memref<1x1x50xi32, #tpu.memory_space<vmem>>
      %dma_start3A_236 = tpu.memref_squeeze %dma_start3A_235 : memref<1x1x50xi32, #tpu.memory_space<vmem>> -> memref<50xi32, #tpu.memory_space<vmem>>
      %dma_start3A_237 = arith.constant 0 : i32
      %dma_start3A_238 = arith.constant 0 : i32
      %dma_start3A_239 = tpu.memref_slice %arg3[%dma_start3A_237, %dma_start3A_238] : memref<1000000x64xf32, #tpu.memory_space<hbm>> -> memref<1000000x64xf32, #tpu.memory_space<hbm>>
      tpu.enqueue_indirect_dma source(%dma_start3A_239 : memref<1000000x64xf32, #tpu.memory_space<hbm>>) target(%dma_start3A_233 : memref<50x64xf32, #tpu.memory_space<vmem>>) offsets(%dma_start3A_236 : memref<50xi32, #tpu.memory_space<vmem>>) semaphore(%arg8 : memref<!tpu.dma_semaphore, #tpu.memory_space<semaphore_mem>>)
      %dma_start3A_240 = arith.constant 1 : i32
      %dma_start3A_241 = arith.constant 5 : i32
      %dma_start3A_242 = arith.constant 1 : i32
      %dma_start3A_243 = arith.constant 5 : i32
      %dma_start3A_244 = arith.constant 0 : i32
      %dma_start3A_245 = arith.constant 0 : i32
      %dma_start3A_246 = tpu.memref_slice %arg6[%dma_start3A_242, %dma_start3A_243, %dma_start3A_244, %dma_start3A_245] : memref<2x8x50x64xf32, #tpu.memory_space<vmem>> -> memref<1x1x50x64xf32, #tpu.memory_space<vmem>>
      %dma_start3A_247 = tpu.memref_squeeze %dma_start3A_246 : memref<1x1x50x64xf32, #tpu.memory_space<vmem>> -> memref<50x64xf32, #tpu.memory_space<vmem>>
      %dma_start3A_248 = arith.constant 0 : i32
      %dma_start3A_249 = tpu.memref_slice %arg5[%dma_start3A_240, %dma_start3A_241, %dma_start3A_248] : memref<2x8x50xi32, #tpu.memory_space<vmem>> -> memref<1x1x50xi32, #tpu.memory_space<vmem>>
      %dma_start3A_250 = tpu.memref_squeeze %dma_start3A_249 : memref<1x1x50xi32, #tpu.memory_space<vmem>> -> memref<50xi32, #tpu.memory_space<vmem>>
      %dma_start3A_251 = arith.constant 0 : i32
      %dma_start3A_252 = arith.constant 0 : i32
      %dma_start3A_253 = tpu.memref_slice %arg3[%dma_start3A_251, %dma_start3A_252] : memref<1000000x64xf32, #tpu.memory_space<hbm>> -> memref<1000000x64xf32, #tpu.memory_space<hbm>>
      tpu.enqueue_indirect_dma source(%dma_start3A_253 : memref<1000000x64xf32, #tpu.memory_space<hbm>>) target(%dma_start3A_247 : memref<50x64xf32, #tpu.memory_space<vmem>>) offsets(%dma_start3A_250 : memref<50xi32, #tpu.memory_space<vmem>>) semaphore(%arg8 : memref<!tpu.dma_semaphore, #tpu.memory_space<semaphore_mem>>)
      %dma_start3A_254 = arith.constant 1 : i32
      %dma_start3A_255 = arith.constant 6 : i32
      %dma_start3A_256 = arith.constant 1 : i32
      %dma_start3A_257 = arith.constant 6 : i32
      %dma_start3A_258 = arith.constant 0 : i32
      %dma_start3A_259 = arith.constant 0 : i32
      %dma_start3A_260 = tpu.memref_slice %arg6[%dma_start3A_256, %dma_start3A_257, %dma_start3A_258, %dma_start3A_259] : memref<2x8x50x64xf32, #tpu.memory_space<vmem>> -> memref<1x1x50x64xf32, #tpu.memory_space<vmem>>
      %dma_start3A_261 = tpu.memref_squeeze %dma_start3A_260 : memref<1x1x50x64xf32, #tpu.memory_space<vmem>> -> memref<50x64xf32, #tpu.memory_space<vmem>>
      %dma_start3A_262 = arith.constant 0 : i32
      %dma_start3A_263 = tpu.memref_slice %arg5[%dma_start3A_254, %dma_start3A_255, %dma_start3A_262] : memref<2x8x50xi32, #tpu.memory_space<vmem>> -> memref<1x1x50xi32, #tpu.memory_space<vmem>>
      %dma_start3A_264 = tpu.memref_squeeze %dma_start3A_263 : memref<1x1x50xi32, #tpu.memory_space<vmem>> -> memref<50xi32, #tpu.memory_space<vmem>>
      %dma_start3A_265 = arith.constant 0 : i32
      %dma_start3A_266 = arith.constant 0 : i32
      %dma_start3A_267 = tpu.memref_slice %arg3[%dma_start3A_265, %dma_start3A_266] : memref<1000000x64xf32, #tpu.memory_space<hbm>> -> memref<1000000x64xf32, #tpu.memory_space<hbm>>
      tpu.enqueue_indirect_dma source(%dma_start3A_267 : memref<1000000x64xf32, #tpu.memory_space<hbm>>) target(%dma_start3A_261 : memref<50x64xf32, #tpu.memory_space<vmem>>) offsets(%dma_start3A_264 : memref<50xi32, #tpu.memory_space<vmem>>) semaphore(%arg8 : memref<!tpu.dma_semaphore, #tpu.memory_space<semaphore_mem>>)
      %dma_start3A_268 = arith.constant 1 : i32
      %dma_start3A_269 = arith.constant 7 : i32
      %dma_start3A_270 = arith.constant 1 : i32
      %dma_start3A_271 = arith.constant 7 : i32
      %dma_start3A_272 = arith.constant 0 : i32
      %dma_start3A_273 = arith.constant 0 : i32
      %dma_start3A_274 = tpu.memref_slice %arg6[%dma_start3A_270, %dma_start3A_271, %dma_start3A_272, %dma_start3A_273] : memref<2x8x50x64xf32, #tpu.memory_space<vmem>> -> memref<1x1x50x64xf32, #tpu.memory_space<vmem>>
      %dma_start3A_275 = tpu.memref_squeeze %dma_start3A_274 : memref<1x1x50x64xf32, #tpu.memory_space<vmem>> -> memref<50x64xf32, #tpu.memory_space<vmem>>
      %dma_start3A_276 = arith.constant 0 : i32
      %dma_start3A_277 = tpu.memref_slice %arg5[%dma_start3A_268, %dma_start3A_269, %dma_start3A_276] : memref<2x8x50xi32, #tpu.memory_space<vmem>> -> memref<1x1x50xi32, #tpu.memory_space<vmem>>
      %dma_start3A_278 = tpu.memref_squeeze %dma_start3A_277 : memref<1x1x50xi32, #tpu.memory_space<vmem>> -> memref<50xi32, #tpu.memory_space<vmem>>
      %dma_start3A_279 = arith.constant 0 : i32
      %dma_start3A_280 = arith.constant 0 : i32
      %dma_start3A_281 = tpu.memref_slice %arg3[%dma_start3A_279, %dma_start3A_280] : memref<1000000x64xf32, #tpu.memory_space<hbm>> -> memref<1000000x64xf32, #tpu.memory_space<hbm>>
      tpu.enqueue_indirect_dma source(%dma_start3A_281 : memref<1000000x64xf32, #tpu.memory_space<hbm>>) target(%dma_start3A_275 : memref<50x64xf32, #tpu.memory_space<vmem>>) offsets(%dma_start3A_278 : memref<50xi32, #tpu.memory_space<vmem>>) semaphore(%arg8 : memref<!tpu.dma_semaphore, #tpu.memory_space<semaphore_mem>>)
      %dma_wait3A_282 = arith.constant 0 : i32
      %dma_wait3A_283 = arith.constant 0 : i32
      %dma_wait3A_284 = arith.constant 0 : i32
      %dma_wait3A_285 = arith.constant 0 : i32
      %dma_wait3A_286 = arith.constant 0 : i32
      %dma_wait3A_287 = arith.constant 0 : i32
      %dma_wait3A_288 = tpu.memref_slice %arg6[%dma_wait3A_284, %dma_wait3A_285, %dma_wait3A_286, %dma_wait3A_287] : memref<2x8x50x64xf32, #tpu.memory_space<vmem>> -> memref<1x1x50x64xf32, #tpu.memory_space<vmem>>
      %dma_wait3A_289 = tpu.memref_squeeze %dma_wait3A_288 : memref<1x1x50x64xf32, #tpu.memory_space<vmem>> -> memref<50x64xf32, #tpu.memory_space<vmem>>
      %dma_wait3A_290 = arith.constant 0 : i32
      %dma_wait3A_291 = tpu.memref_slice %arg5[%dma_wait3A_282, %dma_wait3A_283, %dma_wait3A_290] : memref<2x8x50xi32, #tpu.memory_space<vmem>> -> memref<1x1x50xi32, #tpu.memory_space<vmem>>
      %dma_wait3A_292 = tpu.memref_squeeze %dma_wait3A_291 : memref<1x1x50xi32, #tpu.memory_space<vmem>> -> memref<50xi32, #tpu.memory_space<vmem>>
      %dma_wait3A_293 = arith.constant 0 : i32
      %dma_wait3A_294 = arith.constant 0 : i32
      %dma_wait3A_295 = tpu.memref_slice %arg3[%dma_wait3A_293, %dma_wait3A_294] : memref<1000000x64xf32, #tpu.memory_space<hbm>> -> memref<1000000x64xf32, #tpu.memory_space<hbm>>
      tpu.wait_indirect_dma semaphore(%arg7 : memref<!tpu.dma_semaphore, #tpu.memory_space<semaphore_mem>>) src(%dma_wait3A_295 : memref<1000000x64xf32, #tpu.memory_space<hbm>>) dst(%dma_wait3A_289 : memref<50x64xf32, #tpu.memory_space<vmem>>)
      %dma_wait3A_296 = arith.constant 0 : i32
      %dma_wait3A_297 = arith.constant 1 : i32
      %dma_wait3A_298 = arith.constant 0 : i32
      %dma_wait3A_299 = arith.constant 1 : i32
      %dma_wait3A_300 = arith.constant 0 : i32
      %dma_wait3A_301 = arith.constant 0 : i32
      %dma_wait3A_302 = tpu.memref_slice %arg6[%dma_wait3A_298, %dma_wait3A_299, %dma_wait3A_300, %dma_wait3A_301] : memref<2x8x50x64xf32, #tpu.memory_space<vmem>> -> memref<1x1x50x64xf32, #tpu.memory_space<vmem>>
      %dma_wait3A_303 = tpu.memref_squeeze %dma_wait3A_302 : memref<1x1x50x64xf32, #tpu.memory_space<vmem>> -> memref<50x64xf32, #tpu.memory_space<vmem>>
      %dma_wait3A_304 = arith.constant 0 : i32
      %dma_wait3A_305 = tpu.memref_slice %arg5[%dma_wait3A_296, %dma_wait3A_297, %dma_wait3A_304] : memref<2x8x50xi32, #tpu.memory_space<vmem>> -> memref<1x1x50xi32, #tpu.memory_space<vmem>>
      %dma_wait3A_306 = tpu.memref_squeeze %dma_wait3A_305 : memref<1x1x50xi32, #tpu.memory_space<vmem>> -> memref<50xi32, #tpu.memory_space<vmem>>
      %dma_wait3A_307 = arith.constant 0 : i32
      %dma_wait3A_308 = arith.constant 0 : i32
      %dma_wait3A_309 = tpu.memref_slice %arg3[%dma_wait3A_307, %dma_wait3A_308] : memref<1000000x64xf32, #tpu.memory_space<hbm>> -> memref<1000000x64xf32, #tpu.memory_space<hbm>>
      tpu.wait_indirect_dma semaphore(%arg7 : memref<!tpu.dma_semaphore, #tpu.memory_space<semaphore_mem>>) src(%dma_wait3A_309 : memref<1000000x64xf32, #tpu.memory_space<hbm>>) dst(%dma_wait3A_303 : memref<50x64xf32, #tpu.memory_space<vmem>>)
      %dma_wait3A_310 = arith.constant 0 : i32
      %dma_wait3A_311 = arith.constant 2 : i32
      %dma_wait3A_312 = arith.constant 0 : i32
      %dma_wait3A_313 = arith.constant 2 : i32
      %dma_wait3A_314 = arith.constant 0 : i32
      %dma_wait3A_315 = arith.constant 0 : i32
      %dma_wait3A_316 = tpu.memref_slice %arg6[%dma_wait3A_312, %dma_wait3A_313, %dma_wait3A_314, %dma_wait3A_315] : memref<2x8x50x64xf32, #tpu.memory_space<vmem>> -> memref<1x1x50x64xf32, #tpu.memory_space<vmem>>
      %dma_wait3A_317 = tpu.memref_squeeze %dma_wait3A_316 : memref<1x1x50x64xf32, #tpu.memory_space<vmem>> -> memref<50x64xf32, #tpu.memory_space<vmem>>
      %dma_wait3A_318 = arith.constant 0 : i32
      %dma_wait3A_319 = tpu.memref_slice %arg5[%dma_wait3A_310, %dma_wait3A_311, %dma_wait3A_318] : memref<2x8x50xi32, #tpu.memory_space<vmem>> -> memref<1x1x50xi32, #tpu.memory_space<vmem>>
      %dma_wait3A_320 = tpu.memref_squeeze %dma_wait3A_319 : memref<1x1x50xi32, #tpu.memory_space<vmem>> -> memref<50xi32, #tpu.memory_space<vmem>>
      %dma_wait3A_321 = arith.constant 0 : i32
      %dma_wait3A_322 = arith.constant 0 : i32
      %dma_wait3A_323 = tpu.memref_slice %arg3[%dma_wait3A_321, %dma_wait3A_322] : memref<1000000x64xf32, #tpu.memory_space<hbm>> -> memref<1000000x64xf32, #tpu.memory_space<hbm>>
      tpu.wait_indirect_dma semaphore(%arg7 : memref<!tpu.dma_semaphore, #tpu.memory_space<semaphore_mem>>) src(%dma_wait3A_323 : memref<1000000x64xf32, #tpu.memory_space<hbm>>) dst(%dma_wait3A_317 : memref<50x64xf32, #tpu.memory_space<vmem>>)
      %dma_wait3A_324 = arith.constant 0 : i32
      %dma_wait3A_325 = arith.constant 3 : i32
      %dma_wait3A_326 = arith.constant 0 : i32
      %dma_wait3A_327 = arith.constant 3 : i32
      %dma_wait3A_328 = arith.constant 0 : i32
      %dma_wait3A_329 = arith.constant 0 : i32
      %dma_wait3A_330 = tpu.memref_slice %arg6[%dma_wait3A_326, %dma_wait3A_327, %dma_wait3A_328, %dma_wait3A_329] : memref<2x8x50x64xf32, #tpu.memory_space<vmem>> -> memref<1x1x50x64xf32, #tpu.memory_space<vmem>>
      %dma_wait3A_331 = tpu.memref_squeeze %dma_wait3A_330 : memref<1x1x50x64xf32, #tpu.memory_space<vmem>> -> memref<50x64xf32, #tpu.memory_space<vmem>>
      %dma_wait3A_332 = arith.constant 0 : i32
      %dma_wait3A_333 = tpu.memref_slice %arg5[%dma_wait3A_324, %dma_wait3A_325, %dma_wait3A_332] : memref<2x8x50xi32, #tpu.memory_space<vmem>> -> memref<1x1x50xi32, #tpu.memory_space<vmem>>
      %dma_wait3A_334 = tpu.memref_squeeze %dma_wait3A_333 : memref<1x1x50xi32, #tpu.memory_space<vmem>> -> memref<50xi32, #tpu.memory_space<vmem>>
      %dma_wait3A_335 = arith.constant 0 : i32
      %dma_wait3A_336 = arith.constant 0 : i32
      %dma_wait3A_337 = tpu.memref_slice %arg3[%dma_wait3A_335, %dma_wait3A_336] : memref<1000000x64xf32, #tpu.memory_space<hbm>> -> memref<1000000x64xf32, #tpu.memory_space<hbm>>
      tpu.wait_indirect_dma semaphore(%arg7 : memref<!tpu.dma_semaphore, #tpu.memory_space<semaphore_mem>>) src(%dma_wait3A_337 : memref<1000000x64xf32, #tpu.memory_space<hbm>>) dst(%dma_wait3A_331 : memref<50x64xf32, #tpu.memory_space<vmem>>)
      %dma_wait3A_338 = arith.constant 0 : i32
      %dma_wait3A_339 = arith.constant 4 : i32
      %dma_wait3A_340 = arith.constant 0 : i32
      %dma_wait3A_341 = arith.constant 4 : i32
      %dma_wait3A_342 = arith.constant 0 : i32
      %dma_wait3A_343 = arith.constant 0 : i32
      %dma_wait3A_344 = tpu.memref_slice %arg6[%dma_wait3A_340, %dma_wait3A_341, %dma_wait3A_342, %dma_wait3A_343] : memref<2x8x50x64xf32, #tpu.memory_space<vmem>> -> memref<1x1x50x64xf32, #tpu.memory_space<vmem>>
      %dma_wait3A_345 = tpu.memref_squeeze %dma_wait3A_344 : memref<1x1x50x64xf32, #tpu.memory_space<vmem>> -> memref<50x64xf32, #tpu.memory_space<vmem>>
      %dma_wait3A_346 = arith.constant 0 : i32
      %dma_wait3A_347 = tpu.memref_slice %arg5[%dma_wait3A_338, %dma_wait3A_339, %dma_wait3A_346] : memref<2x8x50xi32, #tpu.memory_space<vmem>> -> memref<1x1x50xi32, #tpu.memory_space<vmem>>
      %dma_wait3A_348 = tpu.memref_squeeze %dma_wait3A_347 : memref<1x1x50xi32, #tpu.memory_space<vmem>> -> memref<50xi32, #tpu.memory_space<vmem>>
      %dma_wait3A_349 = arith.constant 0 : i32
      %dma_wait3A_350 = arith.constant 0 : i32
      %dma_wait3A_351 = tpu.memref_slice %arg3[%dma_wait3A_349, %dma_wait3A_350] : memref<1000000x64xf32, #tpu.memory_space<hbm>> -> memref<1000000x64xf32, #tpu.memory_space<hbm>>
      tpu.wait_indirect_dma semaphore(%arg7 : memref<!tpu.dma_semaphore, #tpu.memory_space<semaphore_mem>>) src(%dma_wait3A_351 : memref<1000000x64xf32, #tpu.memory_space<hbm>>) dst(%dma_wait3A_345 : memref<50x64xf32, #tpu.memory_space<vmem>>)
      %dma_wait3A_352 = arith.constant 0 : i32
      %dma_wait3A_353 = arith.constant 5 : i32
      %dma_wait3A_354 = arith.constant 0 : i32
      %dma_wait3A_355 = arith.constant 5 : i32
      %dma_wait3A_356 = arith.constant 0 : i32
      %dma_wait3A_357 = arith.constant 0 : i32
      %dma_wait3A_358 = tpu.memref_slice %arg6[%dma_wait3A_354, %dma_wait3A_355, %dma_wait3A_356, %dma_wait3A_357] : memref<2x8x50x64xf32, #tpu.memory_space<vmem>> -> memref<1x1x50x64xf32, #tpu.memory_space<vmem>>
      %dma_wait3A_359 = tpu.memref_squeeze %dma_wait3A_358 : memref<1x1x50x64xf32, #tpu.memory_space<vmem>> -> memref<50x64xf32, #tpu.memory_space<vmem>>
      %dma_wait3A_360 = arith.constant 0 : i32
      %dma_wait3A_361 = tpu.memref_slice %arg5[%dma_wait3A_352, %dma_wait3A_353, %dma_wait3A_360] : memref<2x8x50xi32, #tpu.memory_space<vmem>> -> memref<1x1x50xi32, #tpu.memory_space<vmem>>
      %dma_wait3A_362 = tpu.memref_squeeze %dma_wait3A_361 : memref<1x1x50xi32, #tpu.memory_space<vmem>> -> memref<50xi32, #tpu.memory_space<vmem>>
      %dma_wait3A_363 = arith.constant 0 : i32
      %dma_wait3A_364 = arith.constant 0 : i32
      %dma_wait3A_365 = tpu.memref_slice %arg3[%dma_wait3A_363, %dma_wait3A_364] : memref<1000000x64xf32, #tpu.memory_space<hbm>> -> memref<1000000x64xf32, #tpu.memory_space<hbm>>
      tpu.wait_indirect_dma semaphore(%arg7 : memref<!tpu.dma_semaphore, #tpu.memory_space<semaphore_mem>>) src(%dma_wait3A_365 : memref<1000000x64xf32, #tpu.memory_space<hbm>>) dst(%dma_wait3A_359 : memref<50x64xf32, #tpu.memory_space<vmem>>)
      %dma_wait3A_366 = arith.constant 0 : i32
      %dma_wait3A_367 = arith.constant 6 : i32
      %dma_wait3A_368 = arith.constant 0 : i32
      %dma_wait3A_369 = arith.constant 6 : i32
      %dma_wait3A_370 = arith.constant 0 : i32
      %dma_wait3A_371 = arith.constant 0 : i32
      %dma_wait3A_372 = tpu.memref_slice %arg6[%dma_wait3A_368, %dma_wait3A_369, %dma_wait3A_370, %dma_wait3A_371] : memref<2x8x50x64xf32, #tpu.memory_space<vmem>> -> memref<1x1x50x64xf32, #tpu.memory_space<vmem>>
      %dma_wait3A_373 = tpu.memref_squeeze %dma_wait3A_372 : memref<1x1x50x64xf32, #tpu.memory_space<vmem>> -> memref<50x64xf32, #tpu.memory_space<vmem>>
      %dma_wait3A_374 = arith.constant 0 : i32
      %dma_wait3A_375 = tpu.memref_slice %arg5[%dma_wait3A_366, %dma_wait3A_367, %dma_wait3A_374] : memref<2x8x50xi32, #tpu.memory_space<vmem>> -> memref<1x1x50xi32, #tpu.memory_space<vmem>>
      %dma_wait3A_376 = tpu.memref_squeeze %dma_wait3A_375 : memref<1x1x50xi32, #tpu.memory_space<vmem>> -> memref<50xi32, #tpu.memory_space<vmem>>
      %dma_wait3A_377 = arith.constant 0 : i32
      %dma_wait3A_378 = arith.constant 0 : i32
      %dma_wait3A_379 = tpu.memref_slice %arg3[%dma_wait3A_377, %dma_wait3A_378] : memref<1000000x64xf32, #tpu.memory_space<hbm>> -> memref<1000000x64xf32, #tpu.memory_space<hbm>>
      tpu.wait_indirect_dma semaphore(%arg7 : memref<!tpu.dma_semaphore, #tpu.memory_space<semaphore_mem>>) src(%dma_wait3A_379 : memref<1000000x64xf32, #tpu.memory_space<hbm>>) dst(%dma_wait3A_373 : memref<50x64xf32, #tpu.memory_space<vmem>>)
      %dma_wait3A_380 = arith.constant 0 : i32
      %dma_wait3A_381 = arith.constant 7 : i32
      %dma_wait3A_382 = arith.constant 0 : i32
      %dma_wait3A_383 = arith.constant 7 : i32
      %dma_wait3A_384 = arith.constant 0 : i32
      %dma_wait3A_385 = arith.constant 0 : i32
      %dma_wait3A_386 = tpu.memref_slice %arg6[%dma_wait3A_382, %dma_wait3A_383, %dma_wait3A_384, %dma_wait3A_385] : memref<2x8x50x64xf32, #tpu.memory_space<vmem>> -> memref<1x1x50x64xf32, #tpu.memory_space<vmem>>
      %dma_wait3A_387 = tpu.memref_squeeze %dma_wait3A_386 : memref<1x1x50x64xf32, #tpu.memory_space<vmem>> -> memref<50x64xf32, #tpu.memory_space<vmem>>
      %dma_wait3A_388 = arith.constant 0 : i32
      %dma_wait3A_389 = tpu.memref_slice %arg5[%dma_wait3A_380, %dma_wait3A_381, %dma_wait3A_388] : memref<2x8x50xi32, #tpu.memory_space<vmem>> -> memref<1x1x50xi32, #tpu.memory_space<vmem>>
      %dma_wait3A_390 = tpu.memref_squeeze %dma_wait3A_389 : memref<1x1x50xi32, #tpu.memory_space<vmem>> -> memref<50xi32, #tpu.memory_space<vmem>>
      %dma_wait3A_391 = arith.constant 0 : i32
      %dma_wait3A_392 = arith.constant 0 : i32
      %dma_wait3A_393 = tpu.memref_slice %arg3[%dma_wait3A_391, %dma_wait3A_392] : memref<1000000x64xf32, #tpu.memory_space<hbm>> -> memref<1000000x64xf32, #tpu.memory_space<hbm>>
      tpu.wait_indirect_dma semaphore(%arg7 : memref<!tpu.dma_semaphore, #tpu.memory_space<semaphore_mem>>) src(%dma_wait3A_393 : memref<1000000x64xf32, #tpu.memory_space<hbm>>) dst(%dma_wait3A_387 : memref<50x64xf32, #tpu.memory_space<vmem>>)
      %mul3A_394 = arith.constant 8 : i32
      %mul3A_395 = arith.muli %mul3A_160, %mul3A_394 : i32
      %add3A_396 = arith.addi %mul3A_2, %mul3A_395 : i32
      %multiple_of3A_397 = tpu.assume_multiple %add3A_396, 8 : i32
      %dma_start3A_398 = arith.constant 0 : i32
      %dma_start3A_399 = arith.constant 0 : i32
      %dma_start3A_400 = arith.constant 0 : i32
      %dma_start3A_401 = arith.constant 0 : i32
      %dma_start3A_402 = tpu.memref_slice %arg6[%dma_start3A_398, %dma_start3A_399, %dma_start3A_400, %dma_start3A_401] : memref<2x8x50x64xf32, #tpu.memory_space<vmem>> -> memref<1x8x50x64xf32, #tpu.memory_space<vmem>>
      %dma_start3A_403 = tpu.memref_squeeze %dma_start3A_402 : memref<1x8x50x64xf32, #tpu.memory_space<vmem>> -> memref<8x50x64xf32, #tpu.memory_space<vmem>>
      %dma_start3A_404 = arith.constant 0 : i32
      %dma_start3A_405 = arith.constant 0 : i32
      %dma_start3A_406 = tpu.memref_slice %arg4[%multiple_of3A_397, %dma_start3A_404, %dma_start3A_405] : memref<8192x50x64xf32, #tpu.memory_space<hbm>> -> memref<8x50x64xf32, #tpu.memory_space<hbm>>
      %dma_start3A_407 = arith.constant 0 : i32
      %dma_start3A_408 = arith.constant 0 : i32
      %dma_start3A_409 = tpu.memref_slice %arg4[%multiple_of3A_397, %dma_start3A_407, %dma_start3A_408] : memref<8192x50x64xf32, #tpu.memory_space<hbm>> -> memref<8x50x64xf32, #tpu.memory_space<hbm>>
      %dma_start3A_410 = arith.constant 0 : i32
      %dma_start3A_411 = arith.constant 0 : i32
      %dma_start3A_412 = arith.constant 0 : i32
      %dma_start3A_413 = tpu.memref_slice %arg6[%dma_start3A_398, %dma_start3A_410, %dma_start3A_411, %dma_start3A_412] : memref<2x8x50x64xf32, #tpu.memory_space<vmem>> -> memref<1x8x50x64xf32, #tpu.memory_space<vmem>>
      %dma_start3A_414 = tpu.memref_squeeze %dma_start3A_413 : memref<1x8x50x64xf32, #tpu.memory_space<vmem>> -> memref<8x50x64xf32, #tpu.memory_space<vmem>>
      tpu.enqueue_dma source(%dma_start3A_414 : memref<8x50x64xf32, #tpu.memory_space<vmem>>) target(%dma_start3A_409 : memref<8x50x64xf32, #tpu.memory_space<hbm>>) target_semaphore(%arg9 : memref<!tpu.dma_semaphore, #tpu.memory_space<semaphore_mem>>)
      %lt3A = arith.constant 15 : i32
      %lt3A_415 = arith.cmpi slt, %scan3A_158, %lt3A : i32
      %convert_element_type3A_416 = arith.extui %lt3A_415 : i1 to i32
      %cond3A_417 = arith.constant 0 : i32
      %cond3A_418 = arith.cmpi ne, %convert_element_type3A_416, %cond3A_417 : i32
      scf.if %cond3A_418 {
        %add3A_552 = arith.constant 2 : i32
        %add3A_553 = arith.addi %mul3A_160, %add3A_552 : i32
        %mul3A_554 = arith.constant 8 : i32
        %mul3A_555 = arith.muli %add3A_553, %mul3A_554 : i32
        %add3A_556 = arith.addi %mul3A_2, %mul3A_555 : i32
        %multiple_of3A_557 = tpu.assume_multiple %add3A_556, 8 : i32
        %run_scoped3A_558 = arith.constant 0 : i32
        "tpu.region"() ({
          %run_scoped3A_690 = tpu.sem_alloc : memref<!tpu.dma_semaphore, #tpu.memory_space<semaphore_mem>>
          %dma_start3A_691 = arith.constant 0 : i32
          %dma_start3A_692 = arith.constant 0 : i32
          %dma_start3A_693 = tpu.memref_slice %arg5[%run_scoped3A_558, %dma_start3A_691, %dma_start3A_692] : memref<2x8x50xi32, #tpu.memory_space<vmem>> -> memref<1x8x50xi32, #tpu.memory_space<vmem>>
          %dma_start3A_694 = tpu.memref_squeeze %dma_start3A_693 : memref<1x8x50xi32, #tpu.memory_space<vmem>> -> memref<8x50xi32, #tpu.memory_space<vmem>>
          %dma_start3A_695 = arith.constant 0 : i32
          %dma_start3A_696 = tpu.memref_slice %arg2[%multiple_of3A_557, %dma_start3A_695] : memref<8192x50xi32, #tpu.memory_space<hbm>> -> memref<8x50xi32, #tpu.memory_space<hbm>>
          %dma_start3A_697 = arith.constant 0 : i32
          %dma_start3A_698 = arith.constant 0 : i32
          %dma_start3A_699 = tpu.memref_slice %arg5[%run_scoped3A_558, %dma_start3A_697, %dma_start3A_698] : memref<2x8x50xi32, #tpu.memory_space<vmem>> -> memref<1x8x50xi32, #tpu.memory_space<vmem>>
          %dma_start3A_700 = tpu.memref_squeeze %dma_start3A_699 : memref<1x8x50xi32, #tpu.memory_space<vmem>> -> memref<8x50xi32, #tpu.memory_space<vmem>>
          %dma_start3A_701 = arith.constant 0 : i32
          %dma_start3A_702 = tpu.memref_slice %arg2[%multiple_of3A_557, %dma_start3A_701] : memref<8192x50xi32, #tpu.memory_space<hbm>> -> memref<8x50xi32, #tpu.memory_space<hbm>>
          tpu.enqueue_dma source(%dma_start3A_702 : memref<8x50xi32, #tpu.memory_space<hbm>>) target(%dma_start3A_700 : memref<8x50xi32, #tpu.memory_space<vmem>>) target_semaphore(%run_scoped3A_690 : memref<!tpu.dma_semaphore, #tpu.memory_space<semaphore_mem>>)
          %dma_wait3A_703 = arith.constant 0 : i32
          %dma_wait3A_704 = arith.constant 0 : i32
          %dma_wait3A_705 = tpu.memref_slice %arg5[%run_scoped3A_558, %dma_wait3A_703, %dma_wait3A_704] : memref<2x8x50xi32, #tpu.memory_space<vmem>> -> memref<1x8x50xi32, #tpu.memory_space<vmem>>
          %dma_wait3A_706 = tpu.memref_squeeze %dma_wait3A_705 : memref<1x8x50xi32, #tpu.memory_space<vmem>> -> memref<8x50xi32, #tpu.memory_space<vmem>>
          %dma_wait3A_707 = arith.constant 0 : i32
          %dma_wait3A_708 = tpu.memref_slice %arg2[%multiple_of3A_557, %dma_wait3A_707] : memref<8192x50xi32, #tpu.memory_space<hbm>> -> memref<8x50xi32, #tpu.memory_space<hbm>>
          %dma_wait3A_709 = arith.constant 0 : i32
          %dma_wait3A_710 = arith.constant 0 : i32
          %dma_wait3A_711 = tpu.memref_slice %arg5[%run_scoped3A_558, %dma_wait3A_709, %dma_wait3A_710] : memref<2x8x50xi32, #tpu.memory_space<vmem>> -> memref<1x8x50xi32, #tpu.memory_space<vmem>>
          %dma_wait3A_712 = tpu.memref_squeeze %dma_wait3A_711 : memref<1x8x50xi32, #tpu.memory_space<vmem>> -> memref<8x50xi32, #tpu.memory_space<vmem>>
          %dma_wait3A_713 = arith.constant 0 : i32
          %dma_wait3A_714 = tpu.memref_slice %arg2[%multiple_of3A_557, %dma_wait3A_713] : memref<8192x50xi32, #tpu.memory_space<hbm>> -> memref<8x50xi32, #tpu.memory_space<hbm>>
          tpu.wait_dma2 semaphore(%run_scoped3A_690 : memref<!tpu.dma_semaphore, #tpu.memory_space<semaphore_mem>>) src(%dma_wait3A_714 : memref<8x50xi32, #tpu.memory_space<hbm>>) dst(%dma_wait3A_712 : memref<8x50xi32, #tpu.memory_space<vmem>>)
          tpu.yield
        }) : () -> ()
        %dma_wait3A_559 = arith.constant 0 : i32
        %dma_wait3A_560 = arith.constant 0 : i32
        %dma_wait3A_561 = arith.constant 0 : i32
        %dma_wait3A_562 = arith.constant 0 : i32
        %dma_wait3A_563 = tpu.memref_slice %arg6[%dma_wait3A_559, %dma_wait3A_560, %dma_wait3A_561, %dma_wait3A_562] : memref<2x8x50x64xf32, #tpu.memory_space<vmem>> -> memref<1x8x50x64xf32, #tpu.memory_space<vmem>>
        %dma_wait3A_564 = tpu.memref_squeeze %dma_wait3A_563 : memref<1x8x50x64xf32, #tpu.memory_space<vmem>> -> memref<8x50x64xf32, #tpu.memory_space<vmem>>
        %dma_wait3A_565 = arith.constant 0 : i32
        %dma_wait3A_566 = arith.constant 0 : i32
        %dma_wait3A_567 = arith.constant 0 : i32
        %dma_wait3A_568 = tpu.memref_slice %arg4[%dma_wait3A_565, %dma_wait3A_566, %dma_wait3A_567] : memref<8192x50x64xf32, #tpu.memory_space<hbm>> -> memref<8x50x64xf32, #tpu.memory_space<hbm>>
        %dma_wait3A_569 = arith.constant 0 : i32
        %dma_wait3A_570 = arith.constant 0 : i32
        %dma_wait3A_571 = arith.constant 0 : i32
        %dma_wait3A_572 = tpu.memref_slice %arg4[%dma_wait3A_569, %dma_wait3A_570, %dma_wait3A_571] : memref<8192x50x64xf32, #tpu.memory_space<hbm>> -> memref<8x50x64xf32, #tpu.memory_space<hbm>>
        %dma_wait3A_573 = arith.constant 0 : i32
        %dma_wait3A_574 = arith.constant 0 : i32
        %dma_wait3A_575 = arith.constant 0 : i32
        %dma_wait3A_576 = tpu.memref_slice %arg6[%dma_wait3A_559, %dma_wait3A_573, %dma_wait3A_574, %dma_wait3A_575] : memref<2x8x50x64xf32, #tpu.memory_space<vmem>> -> memref<1x8x50x64xf32, #tpu.memory_space<vmem>>
        %dma_wait3A_577 = tpu.memref_squeeze %dma_wait3A_576 : memref<1x8x50x64xf32, #tpu.memory_space<vmem>> -> memref<8x50x64xf32, #tpu.memory_space<vmem>>
        tpu.wait_dma2 semaphore(%arg9 : memref<!tpu.dma_semaphore, #tpu.memory_space<semaphore_mem>>) src(%dma_wait3A_577 : memref<8x50x64xf32, #tpu.memory_space<vmem>>) dst(%dma_wait3A_572 : memref<8x50x64xf32, #tpu.memory_space<hbm>>)
        %dma_start3A_578 = arith.constant 0 : i32
        %dma_start3A_579 = arith.constant 0 : i32
        %dma_start3A_580 = arith.constant 0 : i32
        %dma_start3A_581 = arith.constant 0 : i32
        %dma_start3A_582 = arith.constant 0 : i32
        %dma_start3A_583 = arith.constant 0 : i32
        %dma_start3A_584 = tpu.memref_slice %arg6[%dma_start3A_580, %dma_start3A_581, %dma_start3A_582, %dma_start3A_583] : memref<2x8x50x64xf32, #tpu.memory_space<vmem>> -> memref<1x1x50x64xf32, #tpu.memory_space<vmem>>
        %dma_start3A_585 = tpu.memref_squeeze %dma_start3A_584 : memref<1x1x50x64xf32, #tpu.memory_space<vmem>> -> memref<50x64xf32, #tpu.memory_space<vmem>>
        %dma_start3A_586 = arith.constant 0 : i32
        %dma_start3A_587 = tpu.memref_slice %arg5[%dma_start3A_578, %dma_start3A_579, %dma_start3A_586] : memref<2x8x50xi32, #tpu.memory_space<vmem>> -> memref<1x1x50xi32, #tpu.memory_space<vmem>>
        %dma_start3A_588 = tpu.memref_squeeze %dma_start3A_587 : memref<1x1x50xi32, #tpu.memory_space<vmem>> -> memref<50xi32, #tpu.memory_space<vmem>>
        %dma_start3A_589 = arith.constant 0 : i32
        %dma_start3A_590 = arith.constant 0 : i32
        %dma_start3A_591 = tpu.memref_slice %arg3[%dma_start3A_589, %dma_start3A_590] : memref<1000000x64xf32, #tpu.memory_space<hbm>> -> memref<1000000x64xf32, #tpu.memory_space<hbm>>
        tpu.enqueue_indirect_dma source(%dma_start3A_591 : memref<1000000x64xf32, #tpu.memory_space<hbm>>) target(%dma_start3A_585 : memref<50x64xf32, #tpu.memory_space<vmem>>) offsets(%dma_start3A_588 : memref<50xi32, #tpu.memory_space<vmem>>) semaphore(%arg7 : memref<!tpu.dma_semaphore, #tpu.memory_space<semaphore_mem>>)
        %dma_start3A_592 = arith.constant 0 : i32
        %dma_start3A_593 = arith.constant 1 : i32
        %dma_start3A_594 = arith.constant 0 : i32
        %dma_start3A_595 = arith.constant 1 : i32
        %dma_start3A_596 = arith.constant 0 : i32
        %dma_start3A_597 = arith.constant 0 : i32
        %dma_start3A_598 = tpu.memref_slice %arg6[%dma_start3A_594, %dma_start3A_595, %dma_start3A_596, %dma_start3A_597] : memref<2x8x50x64xf32, #tpu.memory_space<vmem>> -> memref<1x1x50x64xf32, #tpu.memory_space<vmem>>
        %dma_start3A_599 = tpu.memref_squeeze %dma_start3A_598 : memref<1x1x50x64xf32, #tpu.memory_space<vmem>> -> memref<50x64xf32, #tpu.memory_space<vmem>>
        %dma_start3A_600 = arith.constant 0 : i32
        %dma_start3A_601 = tpu.memref_slice %arg5[%dma_start3A_592, %dma_start3A_593, %dma_start3A_600] : memref<2x8x50xi32, #tpu.memory_space<vmem>> -> memref<1x1x50xi32, #tpu.memory_space<vmem>>
        %dma_start3A_602 = tpu.memref_squeeze %dma_start3A_601 : memref<1x1x50xi32, #tpu.memory_space<vmem>> -> memref<50xi32, #tpu.memory_space<vmem>>
        %dma_start3A_603 = arith.constant 0 : i32
        %dma_start3A_604 = arith.constant 0 : i32
        %dma_start3A_605 = tpu.memref_slice %arg3[%dma_start3A_603, %dma_start3A_604] : memref<1000000x64xf32, #tpu.memory_space<hbm>> -> memref<1000000x64xf32, #tpu.memory_space<hbm>>
        tpu.enqueue_indirect_dma source(%dma_start3A_605 : memref<1000000x64xf32, #tpu.memory_space<hbm>>) target(%dma_start3A_599 : memref<50x64xf32, #tpu.memory_space<vmem>>) offsets(%dma_start3A_602 : memref<50xi32, #tpu.memory_space<vmem>>) semaphore(%arg7 : memref<!tpu.dma_semaphore, #tpu.memory_space<semaphore_mem>>)
        %dma_start3A_606 = arith.constant 0 : i32
        %dma_start3A_607 = arith.constant 2 : i32
        %dma_start3A_608 = arith.constant 0 : i32
        %dma_start3A_609 = arith.constant 2 : i32
        %dma_start3A_610 = arith.constant 0 : i32
        %dma_start3A_611 = arith.constant 0 : i32
        %dma_start3A_612 = tpu.memref_slice %arg6[%dma_start3A_608, %dma_start3A_609, %dma_start3A_610, %dma_start3A_611] : memref<2x8x50x64xf32, #tpu.memory_space<vmem>> -> memref<1x1x50x64xf32, #tpu.memory_space<vmem>>
        %dma_start3A_613 = tpu.memref_squeeze %dma_start3A_612 : memref<1x1x50x64xf32, #tpu.memory_space<vmem>> -> memref<50x64xf32, #tpu.memory_space<vmem>>
        %dma_start3A_614 = arith.constant 0 : i32
        %dma_start3A_615 = tpu.memref_slice %arg5[%dma_start3A_606, %dma_start3A_607, %dma_start3A_614] : memref<2x8x50xi32, #tpu.memory_space<vmem>> -> memref<1x1x50xi32, #tpu.memory_space<vmem>>
        %dma_start3A_616 = tpu.memref_squeeze %dma_start3A_615 : memref<1x1x50xi32, #tpu.memory_space<vmem>> -> memref<50xi32, #tpu.memory_space<vmem>>
        %dma_start3A_617 = arith.constant 0 : i32
        %dma_start3A_618 = arith.constant 0 : i32
        %dma_start3A_619 = tpu.memref_slice %arg3[%dma_start3A_617, %dma_start3A_618] : memref<1000000x64xf32, #tpu.memory_space<hbm>> -> memref<1000000x64xf32, #tpu.memory_space<hbm>>
        tpu.enqueue_indirect_dma source(%dma_start3A_619 : memref<1000000x64xf32, #tpu.memory_space<hbm>>) target(%dma_start3A_613 : memref<50x64xf32, #tpu.memory_space<vmem>>) offsets(%dma_start3A_616 : memref<50xi32, #tpu.memory_space<vmem>>) semaphore(%arg7 : memref<!tpu.dma_semaphore, #tpu.memory_space<semaphore_mem>>)
        %dma_start3A_620 = arith.constant 0 : i32
        %dma_start3A_621 = arith.constant 3 : i32
        %dma_start3A_622 = arith.constant 0 : i32
        %dma_start3A_623 = arith.constant 3 : i32
        %dma_start3A_624 = arith.constant 0 : i32
        %dma_start3A_625 = arith.constant 0 : i32
        %dma_start3A_626 = tpu.memref_slice %arg6[%dma_start3A_622, %dma_start3A_623, %dma_start3A_624, %dma_start3A_625] : memref<2x8x50x64xf32, #tpu.memory_space<vmem>> -> memref<1x1x50x64xf32, #tpu.memory_space<vmem>>
        %dma_start3A_627 = tpu.memref_squeeze %dma_start3A_626 : memref<1x1x50x64xf32, #tpu.memory_space<vmem>> -> memref<50x64xf32, #tpu.memory_space<vmem>>
        %dma_start3A_628 = arith.constant 0 : i32
        %dma_start3A_629 = tpu.memref_slice %arg5[%dma_start3A_620, %dma_start3A_621, %dma_start3A_628] : memref<2x8x50xi32, #tpu.memory_space<vmem>> -> memref<1x1x50xi32, #tpu.memory_space<vmem>>
        %dma_start3A_630 = tpu.memref_squeeze %dma_start3A_629 : memref<1x1x50xi32, #tpu.memory_space<vmem>> -> memref<50xi32, #tpu.memory_space<vmem>>
        %dma_start3A_631 = arith.constant 0 : i32
        %dma_start3A_632 = arith.constant 0 : i32
        %dma_start3A_633 = tpu.memref_slice %arg3[%dma_start3A_631, %dma_start3A_632] : memref<1000000x64xf32, #tpu.memory_space<hbm>> -> memref<1000000x64xf32, #tpu.memory_space<hbm>>
        tpu.enqueue_indirect_dma source(%dma_start3A_633 : memref<1000000x64xf32, #tpu.memory_space<hbm>>) target(%dma_start3A_627 : memref<50x64xf32, #tpu.memory_space<vmem>>) offsets(%dma_start3A_630 : memref<50xi32, #tpu.memory_space<vmem>>) semaphore(%arg7 : memref<!tpu.dma_semaphore, #tpu.memory_space<semaphore_mem>>)
        %dma_start3A_634 = arith.constant 0 : i32
        %dma_start3A_635 = arith.constant 4 : i32
        %dma_start3A_636 = arith.constant 0 : i32
        %dma_start3A_637 = arith.constant 4 : i32
        %dma_start3A_638 = arith.constant 0 : i32
        %dma_start3A_639 = arith.constant 0 : i32
        %dma_start3A_640 = tpu.memref_slice %arg6[%dma_start3A_636, %dma_start3A_637, %dma_start3A_638, %dma_start3A_639] : memref<2x8x50x64xf32, #tpu.memory_space<vmem>> -> memref<1x1x50x64xf32, #tpu.memory_space<vmem>>
        %dma_start3A_641 = tpu.memref_squeeze %dma_start3A_640 : memref<1x1x50x64xf32, #tpu.memory_space<vmem>> -> memref<50x64xf32, #tpu.memory_space<vmem>>
        %dma_start3A_642 = arith.constant 0 : i32
        %dma_start3A_643 = tpu.memref_slice %arg5[%dma_start3A_634, %dma_start3A_635, %dma_start3A_642] : memref<2x8x50xi32, #tpu.memory_space<vmem>> -> memref<1x1x50xi32, #tpu.memory_space<vmem>>
        %dma_start3A_644 = tpu.memref_squeeze %dma_start3A_643 : memref<1x1x50xi32, #tpu.memory_space<vmem>> -> memref<50xi32, #tpu.memory_space<vmem>>
        %dma_start3A_645 = arith.constant 0 : i32
        %dma_start3A_646 = arith.constant 0 : i32
        %dma_start3A_647 = tpu.memref_slice %arg3[%dma_start3A_645, %dma_start3A_646] : memref<1000000x64xf32, #tpu.memory_space<hbm>> -> memref<1000000x64xf32, #tpu.memory_space<hbm>>
        tpu.enqueue_indirect_dma source(%dma_start3A_647 : memref<1000000x64xf32, #tpu.memory_space<hbm>>) target(%dma_start3A_641 : memref<50x64xf32, #tpu.memory_space<vmem>>) offsets(%dma_start3A_644 : memref<50xi32, #tpu.memory_space<vmem>>) semaphore(%arg7 : memref<!tpu.dma_semaphore, #tpu.memory_space<semaphore_mem>>)
        %dma_start3A_648 = arith.constant 0 : i32
        %dma_start3A_649 = arith.constant 5 : i32
        %dma_start3A_650 = arith.constant 0 : i32
        %dma_start3A_651 = arith.constant 5 : i32
        %dma_start3A_652 = arith.constant 0 : i32
        %dma_start3A_653 = arith.constant 0 : i32
        %dma_start3A_654 = tpu.memref_slice %arg6[%dma_start3A_650, %dma_start3A_651, %dma_start3A_652, %dma_start3A_653] : memref<2x8x50x64xf32, #tpu.memory_space<vmem>> -> memref<1x1x50x64xf32, #tpu.memory_space<vmem>>
        %dma_start3A_655 = tpu.memref_squeeze %dma_start3A_654 : memref<1x1x50x64xf32, #tpu.memory_space<vmem>> -> memref<50x64xf32, #tpu.memory_space<vmem>>
        %dma_start3A_656 = arith.constant 0 : i32
        %dma_start3A_657 = tpu.memref_slice %arg5[%dma_start3A_648, %dma_start3A_649, %dma_start3A_656] : memref<2x8x50xi32, #tpu.memory_space<vmem>> -> memref<1x1x50xi32, #tpu.memory_space<vmem>>
        %dma_start3A_658 = tpu.memref_squeeze %dma_start3A_657 : memref<1x1x50xi32, #tpu.memory_space<vmem>> -> memref<50xi32, #tpu.memory_space<vmem>>
        %dma_start3A_659 = arith.constant 0 : i32
        %dma_start3A_660 = arith.constant 0 : i32
        %dma_start3A_661 = tpu.memref_slice %arg3[%dma_start3A_659, %dma_start3A_660] : memref<1000000x64xf32, #tpu.memory_space<hbm>> -> memref<1000000x64xf32, #tpu.memory_space<hbm>>
        tpu.enqueue_indirect_dma source(%dma_start3A_661 : memref<1000000x64xf32, #tpu.memory_space<hbm>>) target(%dma_start3A_655 : memref<50x64xf32, #tpu.memory_space<vmem>>) offsets(%dma_start3A_658 : memref<50xi32, #tpu.memory_space<vmem>>) semaphore(%arg7 : memref<!tpu.dma_semaphore, #tpu.memory_space<semaphore_mem>>)
        %dma_start3A_662 = arith.constant 0 : i32
        %dma_start3A_663 = arith.constant 6 : i32
        %dma_start3A_664 = arith.constant 0 : i32
        %dma_start3A_665 = arith.constant 6 : i32
        %dma_start3A_666 = arith.constant 0 : i32
        %dma_start3A_667 = arith.constant 0 : i32
        %dma_start3A_668 = tpu.memref_slice %arg6[%dma_start3A_664, %dma_start3A_665, %dma_start3A_666, %dma_start3A_667] : memref<2x8x50x64xf32, #tpu.memory_space<vmem>> -> memref<1x1x50x64xf32, #tpu.memory_space<vmem>>
        %dma_start3A_669 = tpu.memref_squeeze %dma_start3A_668 : memref<1x1x50x64xf32, #tpu.memory_space<vmem>> -> memref<50x64xf32, #tpu.memory_space<vmem>>
        %dma_start3A_670 = arith.constant 0 : i32
        %dma_start3A_671 = tpu.memref_slice %arg5[%dma_start3A_662, %dma_start3A_663, %dma_start3A_670] : memref<2x8x50xi32, #tpu.memory_space<vmem>> -> memref<1x1x50xi32, #tpu.memory_space<vmem>>
        %dma_start3A_672 = tpu.memref_squeeze %dma_start3A_671 : memref<1x1x50xi32, #tpu.memory_space<vmem>> -> memref<50xi32, #tpu.memory_space<vmem>>
        %dma_start3A_673 = arith.constant 0 : i32
        %dma_start3A_674 = arith.constant 0 : i32
        %dma_start3A_675 = tpu.memref_slice %arg3[%dma_start3A_673, %dma_start3A_674] : memref<1000000x64xf32, #tpu.memory_space<hbm>> -> memref<1000000x64xf32, #tpu.memory_space<hbm>>
        tpu.enqueue_indirect_dma source(%dma_start3A_675 : memref<1000000x64xf32, #tpu.memory_space<hbm>>) target(%dma_start3A_669 : memref<50x64xf32, #tpu.memory_space<vmem>>) offsets(%dma_start3A_672 : memref<50xi32, #tpu.memory_space<vmem>>) semaphore(%arg7 : memref<!tpu.dma_semaphore, #tpu.memory_space<semaphore_mem>>)
        %dma_start3A_676 = arith.constant 0 : i32
        %dma_start3A_677 = arith.constant 7 : i32
        %dma_start3A_678 = arith.constant 0 : i32
        %dma_start3A_679 = arith.constant 7 : i32
        %dma_start3A_680 = arith.constant 0 : i32
        %dma_start3A_681 = arith.constant 0 : i32
        %dma_start3A_682 = tpu.memref_slice %arg6[%dma_start3A_678, %dma_start3A_679, %dma_start3A_680, %dma_start3A_681] : memref<2x8x50x64xf32, #tpu.memory_space<vmem>> -> memref<1x1x50x64xf32, #tpu.memory_space<vmem>>
        %dma_start3A_683 = tpu.memref_squeeze %dma_start3A_682 : memref<1x1x50x64xf32, #tpu.memory_space<vmem>> -> memref<50x64xf32, #tpu.memory_space<vmem>>
        %dma_start3A_684 = arith.constant 0 : i32
        %dma_start3A_685 = tpu.memref_slice %arg5[%dma_start3A_676, %dma_start3A_677, %dma_start3A_684] : memref<2x8x50xi32, #tpu.memory_space<vmem>> -> memref<1x1x50xi32, #tpu.memory_space<vmem>>
        %dma_start3A_686 = tpu.memref_squeeze %dma_start3A_685 : memref<1x1x50xi32, #tpu.memory_space<vmem>> -> memref<50xi32, #tpu.memory_space<vmem>>
        %dma_start3A_687 = arith.constant 0 : i32
        %dma_start3A_688 = arith.constant 0 : i32
        %dma_start3A_689 = tpu.memref_slice %arg3[%dma_start3A_687, %dma_start3A_688] : memref<1000000x64xf32, #tpu.memory_space<hbm>> -> memref<1000000x64xf32, #tpu.memory_space<hbm>>
        tpu.enqueue_indirect_dma source(%dma_start3A_689 : memref<1000000x64xf32, #tpu.memory_space<hbm>>) target(%dma_start3A_683 : memref<50x64xf32, #tpu.memory_space<vmem>>) offsets(%dma_start3A_686 : memref<50xi32, #tpu.memory_space<vmem>>) semaphore(%arg7 : memref<!tpu.dma_semaphore, #tpu.memory_space<semaphore_mem>>)
      } else {
      }
      %dma_wait3A_419 = arith.constant 1 : i32
      %dma_wait3A_420 = arith.constant 0 : i32
      %dma_wait3A_421 = arith.constant 1 : i32
      %dma_wait3A_422 = arith.constant 0 : i32
      %dma_wait3A_423 = arith.constant 0 : i32
      %dma_wait3A_424 = arith.constant 0 : i32
      %dma_wait3A_425 = tpu.memref_slice %arg6[%dma_wait3A_421, %dma_wait3A_422, %dma_wait3A_423, %dma_wait3A_424] : memref<2x8x50x64xf32, #tpu.memory_space<vmem>> -> memref<1x1x50x64xf32, #tpu.memory_space<vmem>>
      %dma_wait3A_426 = tpu.memref_squeeze %dma_wait3A_425 : memref<1x1x50x64xf32, #tpu.memory_space<vmem>> -> memref<50x64xf32, #tpu.memory_space<vmem>>
      %dma_wait3A_427 = arith.constant 0 : i32
      %dma_wait3A_428 = tpu.memref_slice %arg5[%dma_wait3A_419, %dma_wait3A_420, %dma_wait3A_427] : memref<2x8x50xi32, #tpu.memory_space<vmem>> -> memref<1x1x50xi32, #tpu.memory_space<vmem>>
      %dma_wait3A_429 = tpu.memref_squeeze %dma_wait3A_428 : memref<1x1x50xi32, #tpu.memory_space<vmem>> -> memref<50xi32, #tpu.memory_space<vmem>>
      %dma_wait3A_430 = arith.constant 0 : i32
      %dma_wait3A_431 = arith.constant 0 : i32
      %dma_wait3A_432 = tpu.memref_slice %arg3[%dma_wait3A_430, %dma_wait3A_431] : memref<1000000x64xf32, #tpu.memory_space<hbm>> -> memref<1000000x64xf32, #tpu.memory_space<hbm>>
      tpu.wait_indirect_dma semaphore(%arg8 : memref<!tpu.dma_semaphore, #tpu.memory_space<semaphore_mem>>) src(%dma_wait3A_432 : memref<1000000x64xf32, #tpu.memory_space<hbm>>) dst(%dma_wait3A_426 : memref<50x64xf32, #tpu.memory_space<vmem>>)
      %dma_wait3A_433 = arith.constant 1 : i32
      %dma_wait3A_434 = arith.constant 1 : i32
      %dma_wait3A_435 = arith.constant 1 : i32
      %dma_wait3A_436 = arith.constant 1 : i32
      %dma_wait3A_437 = arith.constant 0 : i32
      %dma_wait3A_438 = arith.constant 0 : i32
      %dma_wait3A_439 = tpu.memref_slice %arg6[%dma_wait3A_435, %dma_wait3A_436, %dma_wait3A_437, %dma_wait3A_438] : memref<2x8x50x64xf32, #tpu.memory_space<vmem>> -> memref<1x1x50x64xf32, #tpu.memory_space<vmem>>
      %dma_wait3A_440 = tpu.memref_squeeze %dma_wait3A_439 : memref<1x1x50x64xf32, #tpu.memory_space<vmem>> -> memref<50x64xf32, #tpu.memory_space<vmem>>
      %dma_wait3A_441 = arith.constant 0 : i32
      %dma_wait3A_442 = tpu.memref_slice %arg5[%dma_wait3A_433, %dma_wait3A_434, %dma_wait3A_441] : memref<2x8x50xi32, #tpu.memory_space<vmem>> -> memref<1x1x50xi32, #tpu.memory_space<vmem>>
      %dma_wait3A_443 = tpu.memref_squeeze %dma_wait3A_442 : memref<1x1x50xi32, #tpu.memory_space<vmem>> -> memref<50xi32, #tpu.memory_space<vmem>>
      %dma_wait3A_444 = arith.constant 0 : i32
      %dma_wait3A_445 = arith.constant 0 : i32
      %dma_wait3A_446 = tpu.memref_slice %arg3[%dma_wait3A_444, %dma_wait3A_445] : memref<1000000x64xf32, #tpu.memory_space<hbm>> -> memref<1000000x64xf32, #tpu.memory_space<hbm>>
      tpu.wait_indirect_dma semaphore(%arg8 : memref<!tpu.dma_semaphore, #tpu.memory_space<semaphore_mem>>) src(%dma_wait3A_446 : memref<1000000x64xf32, #tpu.memory_space<hbm>>) dst(%dma_wait3A_440 : memref<50x64xf32, #tpu.memory_space<vmem>>)
      %dma_wait3A_447 = arith.constant 1 : i32
      %dma_wait3A_448 = arith.constant 2 : i32
      %dma_wait3A_449 = arith.constant 1 : i32
      %dma_wait3A_450 = arith.constant 2 : i32
      %dma_wait3A_451 = arith.constant 0 : i32
      %dma_wait3A_452 = arith.constant 0 : i32
      %dma_wait3A_453 = tpu.memref_slice %arg6[%dma_wait3A_449, %dma_wait3A_450, %dma_wait3A_451, %dma_wait3A_452] : memref<2x8x50x64xf32, #tpu.memory_space<vmem>> -> memref<1x1x50x64xf32, #tpu.memory_space<vmem>>
      %dma_wait3A_454 = tpu.memref_squeeze %dma_wait3A_453 : memref<1x1x50x64xf32, #tpu.memory_space<vmem>> -> memref<50x64xf32, #tpu.memory_space<vmem>>
      %dma_wait3A_455 = arith.constant 0 : i32
      %dma_wait3A_456 = tpu.memref_slice %arg5[%dma_wait3A_447, %dma_wait3A_448, %dma_wait3A_455] : memref<2x8x50xi32, #tpu.memory_space<vmem>> -> memref<1x1x50xi32, #tpu.memory_space<vmem>>
      %dma_wait3A_457 = tpu.memref_squeeze %dma_wait3A_456 : memref<1x1x50xi32, #tpu.memory_space<vmem>> -> memref<50xi32, #tpu.memory_space<vmem>>
      %dma_wait3A_458 = arith.constant 0 : i32
      %dma_wait3A_459 = arith.constant 0 : i32
      %dma_wait3A_460 = tpu.memref_slice %arg3[%dma_wait3A_458, %dma_wait3A_459] : memref<1000000x64xf32, #tpu.memory_space<hbm>> -> memref<1000000x64xf32, #tpu.memory_space<hbm>>
      tpu.wait_indirect_dma semaphore(%arg8 : memref<!tpu.dma_semaphore, #tpu.memory_space<semaphore_mem>>) src(%dma_wait3A_460 : memref<1000000x64xf32, #tpu.memory_space<hbm>>) dst(%dma_wait3A_454 : memref<50x64xf32, #tpu.memory_space<vmem>>)
      %dma_wait3A_461 = arith.constant 1 : i32
      %dma_wait3A_462 = arith.constant 3 : i32
      %dma_wait3A_463 = arith.constant 1 : i32
      %dma_wait3A_464 = arith.constant 3 : i32
      %dma_wait3A_465 = arith.constant 0 : i32
      %dma_wait3A_466 = arith.constant 0 : i32
      %dma_wait3A_467 = tpu.memref_slice %arg6[%dma_wait3A_463, %dma_wait3A_464, %dma_wait3A_465, %dma_wait3A_466] : memref<2x8x50x64xf32, #tpu.memory_space<vmem>> -> memref<1x1x50x64xf32, #tpu.memory_space<vmem>>
      %dma_wait3A_468 = tpu.memref_squeeze %dma_wait3A_467 : memref<1x1x50x64xf32, #tpu.memory_space<vmem>> -> memref<50x64xf32, #tpu.memory_space<vmem>>
      %dma_wait3A_469 = arith.constant 0 : i32
      %dma_wait3A_470 = tpu.memref_slice %arg5[%dma_wait3A_461, %dma_wait3A_462, %dma_wait3A_469] : memref<2x8x50xi32, #tpu.memory_space<vmem>> -> memref<1x1x50xi32, #tpu.memory_space<vmem>>
      %dma_wait3A_471 = tpu.memref_squeeze %dma_wait3A_470 : memref<1x1x50xi32, #tpu.memory_space<vmem>> -> memref<50xi32, #tpu.memory_space<vmem>>
      %dma_wait3A_472 = arith.constant 0 : i32
      %dma_wait3A_473 = arith.constant 0 : i32
      %dma_wait3A_474 = tpu.memref_slice %arg3[%dma_wait3A_472, %dma_wait3A_473] : memref<1000000x64xf32, #tpu.memory_space<hbm>> -> memref<1000000x64xf32, #tpu.memory_space<hbm>>
      tpu.wait_indirect_dma semaphore(%arg8 : memref<!tpu.dma_semaphore, #tpu.memory_space<semaphore_mem>>) src(%dma_wait3A_474 : memref<1000000x64xf32, #tpu.memory_space<hbm>>) dst(%dma_wait3A_468 : memref<50x64xf32, #tpu.memory_space<vmem>>)
      %dma_wait3A_475 = arith.constant 1 : i32
      %dma_wait3A_476 = arith.constant 4 : i32
      %dma_wait3A_477 = arith.constant 1 : i32
      %dma_wait3A_478 = arith.constant 4 : i32
      %dma_wait3A_479 = arith.constant 0 : i32
      %dma_wait3A_480 = arith.constant 0 : i32
      %dma_wait3A_481 = tpu.memref_slice %arg6[%dma_wait3A_477, %dma_wait3A_478, %dma_wait3A_479, %dma_wait3A_480] : memref<2x8x50x64xf32, #tpu.memory_space<vmem>> -> memref<1x1x50x64xf32, #tpu.memory_space<vmem>>
      %dma_wait3A_482 = tpu.memref_squeeze %dma_wait3A_481 : memref<1x1x50x64xf32, #tpu.memory_space<vmem>> -> memref<50x64xf32, #tpu.memory_space<vmem>>
      %dma_wait3A_483 = arith.constant 0 : i32
      %dma_wait3A_484 = tpu.memref_slice %arg5[%dma_wait3A_475, %dma_wait3A_476, %dma_wait3A_483] : memref<2x8x50xi32, #tpu.memory_space<vmem>> -> memref<1x1x50xi32, #tpu.memory_space<vmem>>
      %dma_wait3A_485 = tpu.memref_squeeze %dma_wait3A_484 : memref<1x1x50xi32, #tpu.memory_space<vmem>> -> memref<50xi32, #tpu.memory_space<vmem>>
      %dma_wait3A_486 = arith.constant 0 : i32
      %dma_wait3A_487 = arith.constant 0 : i32
      %dma_wait3A_488 = tpu.memref_slice %arg3[%dma_wait3A_486, %dma_wait3A_487] : memref<1000000x64xf32, #tpu.memory_space<hbm>> -> memref<1000000x64xf32, #tpu.memory_space<hbm>>
      tpu.wait_indirect_dma semaphore(%arg8 : memref<!tpu.dma_semaphore, #tpu.memory_space<semaphore_mem>>) src(%dma_wait3A_488 : memref<1000000x64xf32, #tpu.memory_space<hbm>>) dst(%dma_wait3A_482 : memref<50x64xf32, #tpu.memory_space<vmem>>)
      %dma_wait3A_489 = arith.constant 1 : i32
      %dma_wait3A_490 = arith.constant 5 : i32
      %dma_wait3A_491 = arith.constant 1 : i32
      %dma_wait3A_492 = arith.constant 5 : i32
      %dma_wait3A_493 = arith.constant 0 : i32
      %dma_wait3A_494 = arith.constant 0 : i32
      %dma_wait3A_495 = tpu.memref_slice %arg6[%dma_wait3A_491, %dma_wait3A_492, %dma_wait3A_493, %dma_wait3A_494] : memref<2x8x50x64xf32, #tpu.memory_space<vmem>> -> memref<1x1x50x64xf32, #tpu.memory_space<vmem>>
      %dma_wait3A_496 = tpu.memref_squeeze %dma_wait3A_495 : memref<1x1x50x64xf32, #tpu.memory_space<vmem>> -> memref<50x64xf32, #tpu.memory_space<vmem>>
      %dma_wait3A_497 = arith.constant 0 : i32
      %dma_wait3A_498 = tpu.memref_slice %arg5[%dma_wait3A_489, %dma_wait3A_490, %dma_wait3A_497] : memref<2x8x50xi32, #tpu.memory_space<vmem>> -> memref<1x1x50xi32, #tpu.memory_space<vmem>>
      %dma_wait3A_499 = tpu.memref_squeeze %dma_wait3A_498 : memref<1x1x50xi32, #tpu.memory_space<vmem>> -> memref<50xi32, #tpu.memory_space<vmem>>
      %dma_wait3A_500 = arith.constant 0 : i32
      %dma_wait3A_501 = arith.constant 0 : i32
      %dma_wait3A_502 = tpu.memref_slice %arg3[%dma_wait3A_500, %dma_wait3A_501] : memref<1000000x64xf32, #tpu.memory_space<hbm>> -> memref<1000000x64xf32, #tpu.memory_space<hbm>>
      tpu.wait_indirect_dma semaphore(%arg8 : memref<!tpu.dma_semaphore, #tpu.memory_space<semaphore_mem>>) src(%dma_wait3A_502 : memref<1000000x64xf32, #tpu.memory_space<hbm>>) dst(%dma_wait3A_496 : memref<50x64xf32, #tpu.memory_space<vmem>>)
      %dma_wait3A_503 = arith.constant 1 : i32
      %dma_wait3A_504 = arith.constant 6 : i32
      %dma_wait3A_505 = arith.constant 1 : i32
      %dma_wait3A_506 = arith.constant 6 : i32
      %dma_wait3A_507 = arith.constant 0 : i32
      %dma_wait3A_508 = arith.constant 0 : i32
      %dma_wait3A_509 = tpu.memref_slice %arg6[%dma_wait3A_505, %dma_wait3A_506, %dma_wait3A_507, %dma_wait3A_508] : memref<2x8x50x64xf32, #tpu.memory_space<vmem>> -> memref<1x1x50x64xf32, #tpu.memory_space<vmem>>
      %dma_wait3A_510 = tpu.memref_squeeze %dma_wait3A_509 : memref<1x1x50x64xf32, #tpu.memory_space<vmem>> -> memref<50x64xf32, #tpu.memory_space<vmem>>
      %dma_wait3A_511 = arith.constant 0 : i32
      %dma_wait3A_512 = tpu.memref_slice %arg5[%dma_wait3A_503, %dma_wait3A_504, %dma_wait3A_511] : memref<2x8x50xi32, #tpu.memory_space<vmem>> -> memref<1x1x50xi32, #tpu.memory_space<vmem>>
      %dma_wait3A_513 = tpu.memref_squeeze %dma_wait3A_512 : memref<1x1x50xi32, #tpu.memory_space<vmem>> -> memref<50xi32, #tpu.memory_space<vmem>>
      %dma_wait3A_514 = arith.constant 0 : i32
      %dma_wait3A_515 = arith.constant 0 : i32
      %dma_wait3A_516 = tpu.memref_slice %arg3[%dma_wait3A_514, %dma_wait3A_515] : memref<1000000x64xf32, #tpu.memory_space<hbm>> -> memref<1000000x64xf32, #tpu.memory_space<hbm>>
      tpu.wait_indirect_dma semaphore(%arg8 : memref<!tpu.dma_semaphore, #tpu.memory_space<semaphore_mem>>) src(%dma_wait3A_516 : memref<1000000x64xf32, #tpu.memory_space<hbm>>) dst(%dma_wait3A_510 : memref<50x64xf32, #tpu.memory_space<vmem>>)
      %dma_wait3A_517 = arith.constant 1 : i32
      %dma_wait3A_518 = arith.constant 7 : i32
      %dma_wait3A_519 = arith.constant 1 : i32
      %dma_wait3A_520 = arith.constant 7 : i32
      %dma_wait3A_521 = arith.constant 0 : i32
      %dma_wait3A_522 = arith.constant 0 : i32
      %dma_wait3A_523 = tpu.memref_slice %arg6[%dma_wait3A_519, %dma_wait3A_520, %dma_wait3A_521, %dma_wait3A_522] : memref<2x8x50x64xf32, #tpu.memory_space<vmem>> -> memref<1x1x50x64xf32, #tpu.memory_space<vmem>>
      %dma_wait3A_524 = tpu.memref_squeeze %dma_wait3A_523 : memref<1x1x50x64xf32, #tpu.memory_space<vmem>> -> memref<50x64xf32, #tpu.memory_space<vmem>>
      %dma_wait3A_525 = arith.constant 0 : i32
      %dma_wait3A_526 = tpu.memref_slice %arg5[%dma_wait3A_517, %dma_wait3A_518, %dma_wait3A_525] : memref<2x8x50xi32, #tpu.memory_space<vmem>> -> memref<1x1x50xi32, #tpu.memory_space<vmem>>
      %dma_wait3A_527 = tpu.memref_squeeze %dma_wait3A_526 : memref<1x1x50xi32, #tpu.memory_space<vmem>> -> memref<50xi32, #tpu.memory_space<vmem>>
      %dma_wait3A_528 = arith.constant 0 : i32
      %dma_wait3A_529 = arith.constant 0 : i32
      %dma_wait3A_530 = tpu.memref_slice %arg3[%dma_wait3A_528, %dma_wait3A_529] : memref<1000000x64xf32, #tpu.memory_space<hbm>> -> memref<1000000x64xf32, #tpu.memory_space<hbm>>
      tpu.wait_indirect_dma semaphore(%arg8 : memref<!tpu.dma_semaphore, #tpu.memory_space<semaphore_mem>>) src(%dma_wait3A_530 : memref<1000000x64xf32, #tpu.memory_space<hbm>>) dst(%dma_wait3A_524 : memref<50x64xf32, #tpu.memory_space<vmem>>)
      %mul3A_531 = arith.constant 8 : i32
      %mul3A_532 = arith.muli %add3A_162, %mul3A_531 : i32
      %add3A_533 = arith.addi %mul3A_2, %mul3A_532 : i32
      %multiple_of3A_534 = tpu.assume_multiple %add3A_533, 8 : i32
      %dma_start3A_535 = arith.constant 1 : i32
      %dma_start3A_536 = arith.constant 0 : i32
      %dma_start3A_537 = arith.constant 0 : i32
      %dma_start3A_538 = arith.constant 0 : i32
      %dma_start3A_539 = tpu.memref_slice %arg6[%dma_start3A_535, %dma_start3A_536, %dma_start3A_537, %dma_start3A_538] : memref<2x8x50x64xf32, #tpu.memory_space<vmem>> -> memref<1x8x50x64xf32, #tpu.memory_space<vmem>>
      %dma_start3A_540 = tpu.memref_squeeze %dma_start3A_539 : memref<1x8x50x64xf32, #tpu.memory_space<vmem>> -> memref<8x50x64xf32, #tpu.memory_space<vmem>>
      %dma_start3A_541 = arith.constant 0 : i32
      %dma_start3A_542 = arith.constant 0 : i32
      %dma_start3A_543 = tpu.memref_slice %arg4[%multiple_of3A_534, %dma_start3A_541, %dma_start3A_542] : memref<8192x50x64xf32, #tpu.memory_space<hbm>> -> memref<8x50x64xf32, #tpu.memory_space<hbm>>
      %dma_start3A_544 = arith.constant 0 : i32
      %dma_start3A_545 = arith.constant 0 : i32
      %dma_start3A_546 = tpu.memref_slice %arg4[%multiple_of3A_534, %dma_start3A_544, %dma_start3A_545] : memref<8192x50x64xf32, #tpu.memory_space<hbm>> -> memref<8x50x64xf32, #tpu.memory_space<hbm>>
      %dma_start3A_547 = arith.constant 0 : i32
      %dma_start3A_548 = arith.constant 0 : i32
      %dma_start3A_549 = arith.constant 0 : i32
      %dma_start3A_550 = tpu.memref_slice %arg6[%dma_start3A_535, %dma_start3A_547, %dma_start3A_548, %dma_start3A_549] : memref<2x8x50x64xf32, #tpu.memory_space<vmem>> -> memref<1x8x50x64xf32, #tpu.memory_space<vmem>>
      %dma_start3A_551 = tpu.memref_squeeze %dma_start3A_550 : memref<1x8x50x64xf32, #tpu.memory_space<vmem>> -> memref<8x50x64xf32, #tpu.memory_space<vmem>>
      tpu.enqueue_dma source(%dma_start3A_551 : memref<8x50x64xf32, #tpu.memory_space<vmem>>) target(%dma_start3A_546 : memref<8x50x64xf32, #tpu.memory_space<hbm>>) target_semaphore(%arg10 : memref<!tpu.dma_semaphore, #tpu.memory_space<semaphore_mem>>)
    }
    %scan3A_120 = arith.constant 16 : i32
    %dma_wait3A = arith.constant 0 : i32
    %dma_wait3A_121 = arith.constant 0 : i32
    %dma_wait3A_122 = arith.constant 0 : i32
    %dma_wait3A_123 = arith.constant 0 : i32
    %dma_wait3A_124 = tpu.memref_slice %arg6[%dma_wait3A, %dma_wait3A_121, %dma_wait3A_122, %dma_wait3A_123] : memref<2x8x50x64xf32, #tpu.memory_space<vmem>> -> memref<1x8x50x64xf32, #tpu.memory_space<vmem>>
    %dma_wait3A_125 = tpu.memref_squeeze %dma_wait3A_124 : memref<1x8x50x64xf32, #tpu.memory_space<vmem>> -> memref<8x50x64xf32, #tpu.memory_space<vmem>>
    %dma_wait3A_126 = arith.constant 0 : i32
    %dma_wait3A_127 = arith.constant 0 : i32
    %dma_wait3A_128 = arith.constant 0 : i32
    %dma_wait3A_129 = tpu.memref_slice %arg4[%dma_wait3A_126, %dma_wait3A_127, %dma_wait3A_128] : memref<8192x50x64xf32, #tpu.memory_space<hbm>> -> memref<8x50x64xf32, #tpu.memory_space<hbm>>
    %dma_wait3A_130 = arith.constant 0 : i32
    %dma_wait3A_131 = arith.constant 0 : i32
    %dma_wait3A_132 = arith.constant 0 : i32
    %dma_wait3A_133 = tpu.memref_slice %arg4[%dma_wait3A_130, %dma_wait3A_131, %dma_wait3A_132] : memref<8192x50x64xf32, #tpu.memory_space<hbm>> -> memref<8x50x64xf32, #tpu.memory_space<hbm>>
    %dma_wait3A_134 = arith.constant 0 : i32
    %dma_wait3A_135 = arith.constant 0 : i32
    %dma_wait3A_136 = arith.constant 0 : i32
    %dma_wait3A_137 = tpu.memref_slice %arg6[%dma_wait3A, %dma_wait3A_134, %dma_wait3A_135, %dma_wait3A_136] : memref<2x8x50x64xf32, #tpu.memory_space<vmem>> -> memref<1x8x50x64xf32, #tpu.memory_space<vmem>>
    %dma_wait3A_138 = tpu.memref_squeeze %dma_wait3A_137 : memref<1x8x50x64xf32, #tpu.memory_space<vmem>> -> memref<8x50x64xf32, #tpu.memory_space<vmem>>
    tpu.wait_dma2 semaphore(%arg9 : memref<!tpu.dma_semaphore, #tpu.memory_space<semaphore_mem>>) src(%dma_wait3A_138 : memref<8x50x64xf32, #tpu.memory_space<vmem>>) dst(%dma_wait3A_133 : memref<8x50x64xf32, #tpu.memory_space<hbm>>)
    %dma_wait3A_139 = arith.constant 1 : i32
    %dma_wait3A_140 = arith.constant 0 : i32
    %dma_wait3A_141 = arith.constant 0 : i32
    %dma_wait3A_142 = arith.constant 0 : i32
    %dma_wait3A_143 = tpu.memref_slice %arg6[%dma_wait3A_139, %dma_wait3A_140, %dma_wait3A_141, %dma_wait3A_142] : memref<2x8x50x64xf32, #tpu.memory_space<vmem>> -> memref<1x8x50x64xf32, #tpu.memory_space<vmem>>
    %dma_wait3A_144 = tpu.memref_squeeze %dma_wait3A_143 : memref<1x8x50x64xf32, #tpu.memory_space<vmem>> -> memref<8x50x64xf32, #tpu.memory_space<vmem>>
    %dma_wait3A_145 = arith.constant 0 : i32
    %dma_wait3A_146 = arith.constant 0 : i32
    %dma_wait3A_147 = arith.constant 0 : i32
    %dma_wait3A_148 = tpu.memref_slice %arg4[%dma_wait3A_145, %dma_wait3A_146, %dma_wait3A_147] : memref<8192x50x64xf32, #tpu.memory_space<hbm>> -> memref<8x50x64xf32, #tpu.memory_space<hbm>>
    %dma_wait3A_149 = arith.constant 0 : i32
    %dma_wait3A_150 = arith.constant 0 : i32
    %dma_wait3A_151 = arith.constant 0 : i32
    %dma_wait3A_152 = tpu.memref_slice %arg4[%dma_wait3A_149, %dma_wait3A_150, %dma_wait3A_151] : memref<8192x50x64xf32, #tpu.memory_space<hbm>> -> memref<8x50x64xf32, #tpu.memory_space<hbm>>
    %dma_wait3A_153 = arith.constant 0 : i32
    %dma_wait3A_154 = arith.constant 0 : i32
    %dma_wait3A_155 = arith.constant 0 : i32
    %dma_wait3A_156 = tpu.memref_slice %arg6[%dma_wait3A_139, %dma_wait3A_153, %dma_wait3A_154, %dma_wait3A_155] : memref<2x8x50x64xf32, #tpu.memory_space<vmem>> -> memref<1x8x50x64xf32, #tpu.memory_space<vmem>>
    %dma_wait3A_157 = tpu.memref_squeeze %dma_wait3A_156 : memref<1x8x50x64xf32, #tpu.memory_space<vmem>> -> memref<8x50x64xf32, #tpu.memory_space<vmem>>
    tpu.wait_dma2 semaphore(%arg10 : memref<!tpu.dma_semaphore, #tpu.memory_space<semaphore_mem>>) src(%dma_wait3A_157 : memref<8x50x64xf32, #tpu.memory_space<vmem>>) dst(%dma_wait3A_152 : memref<8x50x64xf32, #tpu.memory_space<hbm>>)
    return
  }
}

</mosaic_0001>

<sc_bundles>
// kernel: kernel.4.cloned.1.call-start
scs
__scs_entry_jumppad:
0x0: {  	(pc) =	sbr.rel $0x88, $3  }
0x1: {  	(tag) =	ssettag $0x0;
	lr =	simm.s32 $0x1  }
0x2: {  	[smem:$0x3F9F] =	sst lr;
	_ =	strace $0xD0000000  }
0x3: {  	_ = 	snop  }
0x4: {  	_ = 	snop  }
0x5: {  	_ = 	snop  }
0x6: {  	_ = 	snop  }
0x7: {  	_ = 	snop  }
__scs_overlays_trampoline_lowered:
0x8: {  	[smem:$0x3FAE] =	sst s0  }
0x9: {  	[smem:$0x3FAF] =	sst s1  }
0xa: {  	[smem:$0x3FB0] =	sst s2  }
0xb: {  	[smem:$0x3FB1] =	sst s3  }
0xc: {  	[smem:$0x3FB2] =	sst s4  }
0xd: {  	[smem:$0x3FB3] =	sst s5  }
0xe: {  	[smem:$0x3FB4] =	sst s6  }
0xf: {  	[smem:$0x3FB5] =	sst s7  }
0x10: {  	[smem:$0x3FB6] =	sst s8  }
0x11: {  	[smem:$0x3FB7] =	sst s9;
	s0 =	simm.s32 @!p0 $0x0  }
0x12: {  	s1 =	sld [smem:$0x3F9D];
	s0 =	simm.s32 @p0 $0x1  }
0x13: {  	[smem:$0x3FB8] =	sst s0;
	s0 =	simm.s32 @!p1 $0x0  }
0x14: {  	s2 =	sld [smem:$0x3F9C];
	s0 =	simm.s32 @p1 $0x1  }
0x15: {  	[smem:$0x3FB9] =	sst s0;
	s0 =	simm.s32 @!p2 $0x0  }
0x16: {  	s3 =	sld [smem:$0x3FDB];
	s0 =	simm.s32 @p2 $0x1  }
0x17: {  	s4 =	simm.s32 $0x1BF5;
	[smem:$0x3FBB] =	sst s0  }
0x18: {  	s0 =	sld [smem:$0x3F9E];
	_ =	swait.ge [sflag:s4], $0x0  }
0x19: {  	s7 =	sld [smem:$0x3F9F]  }
0x1a: {  	s8 =	sadd.s32 $0xFFFFE003, lr  }
0x1b: {  	s9 =	sadd.s32 $0xFFFFFEF7, lr;
	s5 =	simm.s32 $0xFFFFFFFF;
	p2 =	slt.u32 s8, $0xFFFFF086  }
0x1c: {  	p1 =	slt.u32 s9, $0xF7A;
	s5 =	simm.s32 @!p2 $0x0  }
0x1d: {  	s5 =	simm.s32 @p1 $0x1;
	p0 =	seq.s32 s7, s2  }
0x1e: {  	s7 =	smul.u32 @!p0 $0xF7A, s2;
	p2 =	seq.s32 @!p0 s5, $0x0  }
0x1f: {  	s9 =	smul.u32 $0xF7A, s1;
	s8 =	simm.s32 @!p0 $0x1BF5;
	p2 =	por !p2, p0  }
0x20: {  	[sflag:s8] =	ssyncset.s32 @!p0 $0xFFFFF086;
	s6 =	sadd.s32 @!p0 s3, s7;
	s7 =	simm.s32 @!p0 $0x108  }
0x21: {  	s3 =	sadd.s32 s3, s9;
	s6 =	sadd.s32 @!p0 $0x88, s6;
	s7 =	simm.s32 @p2 $0x1082  }
0x22: {  	[simem:s7], [sflag:s8] =	dma.local @!p0 [hbm:s6], $0xF7A  }
0x23: {  	s9 =	sor.u32 $0xD0000000, s2;
	s6 =	simm.s32 $0x108;
	_ =	swait.ge @!p0 [sflag:s8], $0x0  }
0x24: {  	s3 =	sadd.s32 $0x88, s3;
	s6 =	simm.s32 @!p1 $0x1082;
	[sflag:s4] =	ssyncset.s32 $0xFFFFF086  }
0x25: {  	[simem:s6], [sflag:s4] =	dma.local [hbm:s3], $0xF7A  }
0x26: {  	[smem:$0x3F9F] =	sst s1;
	(tag) =	ssettag s2;
	_ =	strace s9  }
0x27: {  	s1 =	sld [smem:$0x3FAF]  }
0x28: {  	s2 =	sld [smem:$0x3FB0]  }
0x29: {  	s4 =	sld [smem:$0x3FB2]  }
0x2a: {  	p0 =	seq.s32 s5, $0x0;
	s5 =	sld [smem:$0x3FB3]  }
0x2b: {  	s6 =	sld [smem:$0x3FB4]  }
0x2c: {  	s7 =	sld [smem:$0x3FB5]  }
0x2d: {  	s3 =	simm.s32 $0x108;
	s8 =	sld [smem:$0x3FB6]  }
0x2e: {  	s3 =	simm.s32 @!p0 $0x1082;
	s9 =	sld [smem:$0x3FB7]  }
0x2f: {  	lr =	sadd.s32 s0, s3;
	s0 =	sld [smem:$0x3FAE]  }
0x30: {  	s3 =	sld [smem:$0x3FB1]  }
0x31: {  	[smem:$0x3FBA] =	sst s10  }
0x32: {  	s10 =	sld [smem:$0x3FB8];
	_ =	sdelay $0x3  }
0x33: {  	p0 =	seq.s32 s10, $0x1;
	s10 =	sld [smem:$0x3FBA];
	_ =	sdelay $0x3  }
0x34: {  	[smem:$0x3FBA] =	sst s10  }
0x35: {  	s10 =	sld [smem:$0x3FB9];
	_ =	sdelay $0x3  }
0x36: {  	p1 =	seq.s32 s10, $0x1;
	s10 =	sld [smem:$0x3FBA];
	_ =	sdelay $0x3  }
0x37: {  	[smem:$0x3FBA] =	sst s10  }
0x38: {  	s10 =	sld [smem:$0x3FBB]  }
0x39: {  	_ = 	snop;
	(pc) =	sbr.ind lr, $3  }
0x3a: {  	_ = 	snop  }
0x3b: {  	_ = 	snop  }
0x3c: {  	p2 =	seq.s32 s10, $0x1;
	s10 =	sld [smem:$0x3FBA]  }
0x3d: {  	_ =	shalt  }
0x3e: {  	_ =	shalt  }
0x3f: {  	_ =	shalt  }
0x40: {  	_ =	shalt  }
0x41: {  	_ =	shalt  }
0x42: {  	_ =	shalt  }
0x43: {  	_ =	shalt  }
0x44: {  	_ =	shalt  }
0x45: {  	_ =	shalt  }
0x46: {  	_ =	shalt  }
0x47: {  	_ =	shalt  }
0x48: {  	_ =	shalt  }
0x49: {  	_ =	shalt  }
0x4a: {  	_ =	shalt  }
0x4b: {  	_ =	shalt  }
0x4c: {  	_ =	shalt  }
0x4d: {  	_ =	shalt  }
0x4e: {  	_ =	shalt  }
0x4f: {  	_ =	shalt  }
0x50: {  	_ =	shalt  }
0x51: {  	_ =	shalt  }
0x52: {  	_ =	shalt  }
0x53: {  	_ =	shalt  }
0x54: {  	_ =	shalt  }
0x55: {  	_ =	shalt  }
0x56: {  	_ =	shalt  }
0x57: {  	_ =	shalt  }
0x58: {  	_ =	shalt  }
0x59: {  	_ =	shalt  }
0x5a: {  	_ =	shalt  }
0x5b: {  	_ =	shalt  }
0x5c: {  	_ =	shalt  }
0x5d: {  	_ =	shalt  }
0x5e: {  	_ =	shalt  }
0x5f: {  	_ =	shalt  }
0x60: {  	_ =	shalt  }
0x61: {  	_ =	shalt  }
0x62: {  	_ =	shalt  }
0x63: {  	_ =	shalt  }
0x64: {  	_ =	shalt  }
0x65: {  	_ =	shalt  }
0x66: {  	_ =	shalt  }
0x67: {  	_ =	shalt  }
0x68: {  	_ =	shalt  }
0x69: {  	_ =	shalt  }
0x6a: {  	_ =	shalt  }
0x6b: {  	_ =	shalt  }
0x6c: {  	_ =	shalt  }
0x6d: {  	_ =	shalt  }
0x6e: {  	_ =	shalt  }
0x6f: {  	_ =	shalt  }
0x70: {  	_ =	shalt  }
0x71: {  	_ =	shalt  }
0x72: {  	_ =	shalt  }
0x73: {  	_ =	shalt  }
0x74: {  	_ =	shalt  }
0x75: {  	_ =	shalt  }
0x76: {  	_ =	shalt  }
0x77: {  	_ =	shalt  }
0x78: {  	_ =	shalt  }
0x79: {  	_ =	shalt  }
0x7a: {  	_ =	shalt  }
0x7b: {  	_ =	shalt  }
0x7c: {  	_ =	shalt  }
0x7d: {  	_ =	shalt  }
0x7e: {  	_ =	shalt  }
0x7f: {  	_ =	shalt  }
0x80: {  	_ =	shalt  }
0x81: {  	_ =	shalt  }
0x82: {  	_ =	shalt  }
0x83: {  	_ =	shalt  }
0x84: {  	_ =	shalt  }
0x85: {  	_ =	shalt  }
0x86: {  	_ =	shalt  }
0x87: {  	_ =	shalt  }
.Lfunc_end0:
.L_simem_size_0:
called_computation.2_lowered:
.L_overlay_start_0:
0x88: {  	s2 =	sld [smem:$0x3FD9]  }
0x89: {  	s3 =	sld [smem:$0x3FFE];
	_ =	sdelay $0x1  }
0x8a: {  	s1 =	srdreg.scid  }
0x8b: {  	s0 =	sand.u32 $0x1, s1  }
0x8c: {  	s17 =	sshll.u32 s0, $0xA;
	s2 =	sadd.s32 s3, s2  }
0x8d: {  	s2 =	sadd.s32 s2, s17  }
0x8e: {  	[smem:$0x3FC6] =	sst s2  }
0x8f: {  	_ = 	snop  }
0x90: {  	s18 =	sld [smem:$0x3FD0];
	(tm) =	ssettm $0x1  }
0x91: {  	s19 =	sld [smem:$0x3FFB];
	_ =	sdelay $0x3  }
0x92: {  	_ =	strace s19  }
0x93: {  	s2 =	sld [smem:$0x3FFC];
	_ =	sdelay $0x3  }
0x94: {  	_ =	strace s2  }
0x95: {  	s2 =	sld [smem:$0x3FFD];
	_ =	sdelay $0x3  }
0x96: {  	_ =	strace s2  }
0x97: {  	_ =	strace $0x8FFFFFFF  }
0x98: {  	s20 =	sld [smem:$0x3FDB];
	_ =	sdelay $0x1  }
0x99: {  	s4 =	simm.s32 $_scs_section_size  }
0x9a: {  	s5 =	simm.s32 $_size__tile_overlayer_lowered;
	s6 =	simm.s32 $_tile_overlayer_lowered  }
0x9b: {  	s7 =	simm.s32 $0x1BFF;
	s21 =	sshll.u32 s6, $0x1;
	s4 =	sadd.s32 s4, s20  }
0x9c: {  	s22 =	simm.s32 $0x0;
	s5 =	sshll.u32 s5, $0x1;
	s6 =	sadd.s32 s21, s4  }
0x9d: {  	[timem:s22], [sflag:s7] =	dma.local [hbm:s6], s5  }
0x9e: {  	_ =	swait.ge [sflag:s7], s5  }
0x9f: {  	s5 =	ssub.s32 $0x0, s5;
	[sflag:s7] =	ssyncset.done $0x0  }
0xa0: {  	[sflag:s7] =	ssyncadd.s32 s5;
	_ =	sdelay $0x1  }
0xa1: {  	s23 =	simm.s32 $0x1B8B  }
0xa2: {  	_ =	swait.ge [sflag:s23], $0x1  }
0xa3: {  	[sflag:s23] =	ssyncset.done $0x0  }
0xa4: {  	[sflag:s23] =	ssyncadd.s32 $0xFFFFFFFF  }
0xa5: {  	s5 =	sld [smem:$0x0]  }
0xa6: {  	s6 =	sand.u32 $0xFFFFFFFE, s1  }
0xa7: {  	p0 =	sne.s32 s1, s6  }
0xa8: {  	s6 =	sshll.u32 @p0 s6, $0xE  }
0xa9: {  	s6 =	sadd.s32 @p0 $0x11B8D, s6;
	s7 =	sshll.u32 @p0 s5, $0x11  }
0xaa: {  	s6 =	sor.u32 @p0 s7, s6  }
0xab: {  	[sflag:s6] =	ssyncadd.remote.s32 @p0 $0x1;
	_ =	sdelay $0x1  }
0xac: {  	s6 =	simm.s32 @p0 $0x1B8D  }
0xad: {  	_ =	swait.eq @p0 [sflag:s6], $0x1  }
0xae: {  	[sflag:s6] =	ssyncadd.s32 @p0 $0xFFFFFFFF  }
0xaf: {  	s7 =	sshll.u32 @!p0 s1, $0xE  }
0xb0: {  	s7 =	sor.u32 @!p0 $0x4000, s7;
	s6 =	simm.s32 @!p0 $0x1B8D  }
0xb1: {  	s5 =	sshll.u32 @!p0 s5, $0x11;
	s7 =	sadd.s32 @!p0 $0x11B8D, s7;
	_ =	swait.eq @!p0 [sflag:s6], $0x1  }
0xb2: {  	s5 =	sor.u32 @!p0 s5, s7;
	[sflag:s6] =	ssyncadd.s32 @!p0 $0xFFFFFFFF  }
0xb3: {  	s25 =	simm.s32 $0x1B8E;
	s24 =	sld [smem:$0x3FFE];
	[sflag:s5] =	ssyncadd.remote.s32 @!p0 $0x1  }
0xb4: {  	s26 =	simm.s32 $execute0_lowered;
	[smem:$0x3FD2] =	sst s25  }
0xb5: {  	s6 =	sshll.u32 s26, $0x1;
	_ =	strace $0x80000049;
	[dreg:$0x1] =	wrdreg $0xFFFFFFFF  }
0xb6: {  	s28 =	simm.s32 $_size_execute0_lowered;
	s4 =	sadd.s32 s4, s6;
	[dreg:$0x0] =	wrdreg $0x0  }
0xb7: {  	s6 =	sshll.u32 s28, $0x1;
	[dreg:$0x2] =	wrdreg s4  }
0xb8: {  	[dreg:$0x3] =	wrdreg s6  }
0xb9: {  	[dreg:$0x4] =	wrdreg $0xC0  }
0xba: {  	_ =	task [dreg:s22], $0x5FFFF  }
0xbb: {  	[dreg:$0x1] =	wrdreg $0xFFFFFFFF  }
0xbc: {  	[dreg:$0x0] =	wrdreg $0x60  }
0xbd: {  	[dreg:$0x2] =	wrdreg s24  }
0xbe: {  	[dreg:$0x3] =	wrdreg s18  }
0xbf: {  	[dreg:$0x4] =	wrdreg $0xA  }
0xc0: {  	_ =	task.clear_ibuf [dreg:s22], $0x5FFFF;
	_ =	strace $0x90000049  }
0xc1: {  	s29 =	simm.s32 $0xA;
	_ =	strace $0x8000004B  }
0xc2: {  	_ =	swait.ge [sflag:s29], $0x1  }
0xc3: {  	[sflag:s29] =	ssyncadd.s32 $0xFFFFFFFF  }
0xc4: {  	_ =	strace $0x9000004B  }
0xc5: {  	_ =	sfence  }
0xc6: {  	s30 =	sld [smem:$0x0];
	_ =	sdelay $0x2  }
0xc7: {  	s31 =	sshll.u32 s1, $0xD;
	s1 =	sshrl.u32 s1, $0x2  }
0xc8: {  	s4 =	sand.u32 $0x4000, s31;
	s1 =	sadd.s32 s1, s30  }
0xc9: {  	s0 =	sor.u32 s4, s0;
	s1 =	sshll.u32 s1, $0x11  }
0xca: {  	s0 =	sor.u32 s1, s0  }
0xcb: {  	s0 =	sadd.s32 $0x8F2B, s0  }
0xcc: {  	[sflag:s0] =	ssyncadd.remote.s32 $0x1  }
0xcd: {  	_ =	sfence.sel $0xFFFF  }
0xce: {  	[dreg:$0x0] =	wrdreg $0xFFFFFFFF;
	(pc) =	sbr.abs _section_cstart, $3  }
0xcf: {  	[dreg:$0x1] =	wrdreg $0xFFFFFFFF  }
0xd0: {  	_ =	task.clear_ibuf [dreg:s22], $0x2FFFF;
	_ =	strace $0x9FFFFFFF  }
0xd1: {  	(tm) =	ssettm $0x7FFFFFFF  }
tec
execute0_lowered:
.L_overlay_start_1:
0x0: {  	(tag) =	ssettag $0x1  }
0x1: {  	s0 =	srdreg.scid;
	s1 =	rddreg [dreg:$0x0]  }
0x2: {  	s11 =	stileid.u32;
	s5 =	rddreg [dreg:$0x1];
	s13 =	simm.s32 $0x1F8  }
0x3: {  	s14 =	simm.s32 $0x7400;
	s15 =	simm.s32 $0x230;
	s16 =	simm.s32 $0x8080  }
0x4: {  	s17 =	simm.s32 $0x268;
	s18 =	simm.s32 $0x8D00;
	s19 =	simm.s32 $0x2A0  }
0x5: {  	s20 =	simm.s32 $0x9980;
	s0 =	sand.u32 $0x1, s0;
	s6 =	smul.u32 $0x32000, s11  }
0x6: {  	s2 =	sshll.u32 s11, $0x9;
	s3 =	sshll.u32 s0, $0x8;
	s8 =	smul.u32 $0x19000, s0  }
0x7: {  	s3 =	sor.u32 s3, s2;
	s2 =	simm.s32 $0x0;
	s6 =	sadd.s32 s6, s5  }
0x8: {  	s21 =	simm.s32 $0x2D8;
	[smem:$0x7FF] =	sst s2;
	s12 =	sadd.s32 s8, s6  }
0x9: {  	s22 =	simm.s32 $0xA600;
	_ =	strace $0x8000004A;
	[dreg:$0x3] =	wrdreg s12  }
0xa: {  	s23 =	simm.s32 $0x310;
	s24 =	simm.s32 $0xB280;
	[dreg:$0x4] =	wrdreg s13  }
0xb: {  	s25 =	simm.s32 $0x348;
	s26 =	simm.s32 $0xBF00;
	[dreg:$0x5] =	wrdreg s14  }
0xc: {  	s28 =	simm.s32 $0x2;
	s29 =	simm.s32 $0x3;
	[dreg:$0x6] =	wrdreg s15  }
0xd: {  	s30 =	simm.s32 $0x4;
	s31 =	simm.s32 $0x0;
	[dreg:$0x7] =	wrdreg s16  }
0xe: {  	s9 =	sadd.s32 $0x32F600, s1;
	s11 =	smul.u32 $0xE00, s11;
	[dreg:$0x8] =	wrdreg s17  }
0xf: {  	s7 =	ssub.s32 $0x2, s0;
	s0 =	smul.u32 $0x700, s0;
	[dreg:$0x9] =	wrdreg s18  }
0x10: {  	s10 =	sshrl.u32 s7, $0x1;
	s11 =	sadd.s32 s11, s9;
	[dreg:$0xa] =	wrdreg s19  }
0x11: {  	s4 =	smul.u32 $0x7, s3;
	s3 =	sadd.s32 $0xF43A00, s1;
	[dreg:$0xb] =	wrdreg s20  }
0x12: {  	s10 =	ssub.s32 s7, s10;
	s0 =	sadd.s32 s0, s11;
	[dreg:$0xc] =	wrdreg s21  }
0x13: {  	s7 =	simm.s32 $0x5;
	s8 =	simm.s32 $0x32;
	[dreg:$0xd] =	wrdreg s22  }
0x14: {  	s5 =	smax.u32 s10, $0x1;
	s0 =	sadd.s32 $0x38, s0;
	[dreg:$0xe] =	wrdreg s23  }
0x15: {  	s20 =	simm.s32 $0x150;
	s21 =	simm.s32 $0x4E80;
	[dreg:$0xf] =	wrdreg s24  }
0x16: {  	s22 =	simm.s32 $0x188;
	[dreg:$0x10] =	wrdreg s25;
	s23 =	simm.s32 $0x5B00  }
0x17: {  	s24 =	simm.s32 $0x1C0;
	[dreg:$0x11] =	wrdreg s26;
	s25 =	simm.s32 $0x6780  }
0x18: {  	s26 =	simm.s32 $0x1;
	s4 =	sadd.s32 s9, s4;
	s9 =	simm.s32 $0x380  }
.LBB2_1:
0x19: {  	[tilespmem:s2], [sflag:$0x5] =	stream.linear.gather [hbm4b:s4+s2], $0x1C0, $0x38;
	[tilespmem:$0xCB80] =	vst v63  }
0x1a: {  	_ =	swait.ge [sflag:s7], $0x1C0  }
0x1b: {  	[sflag:s7] =	ssyncset.done $0x0  }
0x1c: {  	[sflag:s7] =	ssyncadd.s32 $0xFFFFFE40  }
0x1d: {  	[tilespmem:s9], [sflag:$0x1] =	stream.indirect.gather [hbm4b:s3+s8], $0x40, s2, s8, $0xb8;
	[tilespmem:$0xCB80] =	vst v63  }
0x1e: {  	s1 =	simm.s32 $0x38;
	s6 =	simm.s32 $0x1000  }
0x1f: {  	[tilespmem:s6], [sflag:$0x1] =	stream.indirect.gather [hbm4b:s3+s8], $0x40, s1, s8, $0xb8;
	[tilespmem:$0xCB80] =	vst v63  }
0x20: {  	s18 =	simm.s32 $0x70;
	s19 =	simm.s32 $0x1C80  }
0x21: {  	[tilespmem:s19], [sflag:$0x1] =	stream.indirect.gather [hbm4b:s3+s8], $0x40, s18, s8, $0xb8;
	[tilespmem:$0xCB80] =	vst v63  }
0x22: {  	s10 =	simm.s32 $0xA8;
	s11 =	simm.s32 $0x2900  }
0x23: {  	[tilespmem:s11], [sflag:$0x1] =	stream.indirect.gather [hbm4b:s3+s8], $0x40, s10, s8, $0xb8;
	[tilespmem:$0xCB80] =	vst v63  }
0x24: {  	s12 =	simm.s32 $0xE0;
	s13 =	simm.s32 $0x3580  }
0x25: {  	[tilespmem:s13], [sflag:$0x1] =	stream.indirect.gather [hbm4b:s3+s8], $0x40, s12, s8, $0xb8;
	[tilespmem:$0xCB80] =	vst v63  }
0x26: {  	s14 =	simm.s32 $0x118;
	s15 =	simm.s32 $0x4200  }
0x27: {  	[tilespmem:s15], [sflag:$0x1] =	stream.indirect.gather [hbm4b:s3+s8], $0x40, s14, s8, $0xb8;
	[tilespmem:$0xCB80] =	vst v63  }
0x28: {  	_ = 	snop  }
0x29: {  	[tilespmem:s21], [sflag:$0x1] =	stream.indirect.gather [hbm4b:s3+s8], $0x40, s20, s8, $0xb8;
	[tilespmem:$0xCB80] =	vst v63  }
0x2a: {  	_ = 	snop  }
0x2b: {  	[tilespmem:s23], [sflag:$0x1] =	stream.indirect.gather [hbm4b:s3+s8], $0x40, s22, s8, $0xb8;
	[tilespmem:$0xCB80] =	vst v63  }
0x2c: {  	_ = 	snop  }
0x2d: {  	[tilespmem:s24], [sflag:$0x5] =	stream.linear.gather [hbm4b:s0+s2], $0x1C0, $0x38;
	[tilespmem:$0xCB80] =	vst v63  }
0x2e: {  	_ =	swait.ge [sflag:s7], $0x1C0  }
0x2f: {  	p0 =	por $0x1, $0x1;
	[sflag:s7] =	ssyncset.done $0x0  }
0x30: {  	s1 =	simm.s32 @!p0 $0x4;
	[sflag:s7] =	ssyncadd.s32 $0xFFFFFE40  }
0x31: {  	_ =	swait.ge @!p0 [sflag:s1], $0x6400  }
0x32: {  	s16 =	rddreg [dreg:$0x6]  }
0x33: {  	s10 =	rddreg [dreg:$0x4]  }
0x34: {  	s17 =	rddreg [dreg:$0x5]  }
0x35: {  	s11 =	rddreg [dreg:$0x7]  }
0x36: {  	s18 =	rddreg [dreg:$0x8]  }
0x37: {  	[sflag:s1] =	ssyncset.done @!p0 $0x0;
	s19 =	rddreg [dreg:$0x9]  }
0x38: {  	s12 =	rddreg [dreg:$0xa];
	[sflag:s1] =	ssyncadd.s32 @!p0 $0xFFFF9C00  }
0x39: {  	[tilespmem:s25], [sflag:$0x2] =	stream.indirect.gather [hbm4b:s3+s8], $0x40, s24, s8, $0xb8;
	[tilespmem:$0xCB80] =	vst v63  }
0x3a: {  	s13 =	rddreg [dreg:$0xd]  }
0x3b: {  	[tilespmem:s17], [sflag:$0x2] =	stream.indirect.gather [hbm4b:s3+s8], $0x40, s10, s8, $0xb8;
	[tilespmem:$0xCB80] =	vst v63  }
0x3c: {  	s14 =	rddreg [dreg:$0xc]  }
0x3d: {  	[tilespmem:s11], [sflag:$0x2] =	stream.indirect.gather [hbm4b:s3+s8], $0x40, s16, s8, $0xb8;
	[tilespmem:$0xCB80] =	vst v63  }
0x3e: {  	s15 =	rddreg [dreg:$0xf]  }
0x3f: {  	[tilespmem:s19], [sflag:$0x2] =	stream.indirect.gather [hbm4b:s3+s8], $0x40, s18, s8, $0xb8;
	[tilespmem:$0xCB80] =	vst v63  }
0x40: {  	s11 =	rddreg [dreg:$0xb]  }
0x41: {  	[tilespmem:s11], [sflag:$0x2] =	stream.indirect.gather [hbm4b:s3+s8], $0x40, s12, s8, $0xb8;
	[tilespmem:$0xCB80] =	vst v63  }
0x42: {  	s17 =	rddreg [dreg:$0x11]  }
0x43: {  	[tilespmem:s13], [sflag:$0x2] =	stream.indirect.gather [hbm4b:s3+s8], $0x40, s14, s8, $0xb8;
	[tilespmem:$0xCB80] =	vst v63  }
0x44: {  	s16 =	rddreg [dreg:$0xe]  }
0x45: {  	[tilespmem:s15], [sflag:$0x2] =	stream.indirect.gather [hbm4b:s3+s8], $0x40, s16, s8, $0xb8;
	[tilespmem:$0xCB80] =	vst v63  }
0x46: {  	s18 =	rddreg [dreg:$0x10]  }
0x47: {  	[tilespmem:s17], [sflag:$0x2] =	stream.indirect.gather [hbm4b:s3+s8], $0x40, s18, s8, $0xb8;
	[tilespmem:$0xCB80] =	vst v63  }
0x48: {  	_ =	swait.ge [sflag:s26], $0xC80  }
0x49: {  	[sflag:s26] =	ssyncset.done $0x0  }
0x4a: {  	[sflag:s26] =	ssyncadd.s32 $0xFFFFF380  }
0x4b: {  	_ =	swait.ge [sflag:s26], $0xC80  }
0x4c: {  	[sflag:s26] =	ssyncset.done $0x0  }
0x4d: {  	[sflag:s26] =	ssyncadd.s32 $0xFFFFF380  }
0x4e: {  	_ =	swait.ge [sflag:s26], $0xC80  }
0x4f: {  	[sflag:s26] =	ssyncset.done $0x0  }
0x50: {  	[sflag:s26] =	ssyncadd.s32 $0xFFFFF380  }
0x51: {  	_ =	swait.ge [sflag:s26], $0xC80  }
0x52: {  	[sflag:s26] =	ssyncset.done $0x0  }
0x53: {  	[sflag:s26] =	ssyncadd.s32 $0xFFFFF380  }
0x54: {  	_ =	swait.ge [sflag:s26], $0xC80  }
0x55: {  	[sflag:s26] =	ssyncset.done $0x0  }
0x56: {  	[sflag:s26] =	ssyncadd.s32 $0xFFFFF380  }
0x57: {  	_ =	swait.ge [sflag:s26], $0xC80  }
0x58: {  	[sflag:s26] =	ssyncset.done $0x0  }
0x59: {  	[sflag:s26] =	ssyncadd.s32 $0xFFFFF380  }
0x5a: {  	_ =	swait.ge [sflag:s26], $0xC80  }
0x5b: {  	[sflag:s26] =	ssyncset.done $0x0  }
0x5c: {  	[sflag:s26] =	ssyncadd.s32 $0xFFFFF380  }
0x5d: {  	_ =	swait.ge [sflag:s26], $0xC80  }
0x5e: {  	s19 =	rddreg [dreg:$0x3];
	[sflag:s26] =	ssyncset.done $0x0  }
0x5f: {  	p0 =	por $0x0, $0x0;
	[sflag:s26] =	ssyncadd.s32 $0xFFFFF380;
	s10 =	sadd.s32 $0x0, s19  }
0x60: {  	[hbm4b:s10+s2] =	stream.linear.scatter [tilespmem:s9], [sflag:$0x3], $0x6400, $0x38;
	[tilespmem:$0xCB80] =	vst v63  }
0x61: {  	s1 =	sadd.s32 @!p0 $0x38, s0;
	s6 =	simm.s32 @!p0 $0x0;
	s11 =	simm.s32 @!p0 $0x5  }
0x62: {  	[tilespmem:s6], [sflag:$0x5] =	stream.linear.gather @!p0 [hbm4b:s1+s6], $0x1C0, $0x38;
	[tilespmem:$0xCB80] =	vst v63  }
0x63: {  	_ =	swait.ge @!p0 [sflag:s11], $0x1C0  }
0x64: {  	[sflag:s11] =	ssyncset.done @!p0 $0x0  }
0x65: {  	s1 =	simm.s32 @!p0 $0x3;
	[sflag:s11] =	ssyncadd.s32 @!p0 $0xFFFFFE40  }
0x66: {  	_ =	swait.ge @!p0 [sflag:s1], $0x6400  }
0x67: {  	[sflag:s1] =	ssyncset.done @!p0 $0x0  }
0x68: {  	s11 =	simm.s32 @!p0 $0x380;
	[sflag:s1] =	ssyncadd.s32 @!p0 $0xFFFF9C00;
	s1 =	simm.s32 @!p0 $0x32  }
0x69: {  	[tilespmem:s11], [sflag:$0x1] =	stream.indirect.gather @!p0 [hbm4b:s3+s1], $0x40, s6, s1, $0xb8;
	[tilespmem:$0xCB80] =	vst v63  }
0x6a: {  	s6 =	simm.s32 @!p0 $0x38;
	s11 =	simm.s32 @!p0 $0x1000  }
0x6b: {  	[tilespmem:s11], [sflag:$0x1] =	stream.indirect.gather @!p0 [hbm4b:s3+s1], $0x40, s6, s1, $0xb8;
	[tilespmem:$0xCB80] =	vst v63  }
0x6c: {  	s6 =	simm.s32 @!p0 $0x70;
	s11 =	simm.s32 @!p0 $0x1C80  }
0x6d: {  	[tilespmem:s11], [sflag:$0x1] =	stream.indirect.gather @!p0 [hbm4b:s3+s1], $0x40, s6, s1, $0xb8;
	[tilespmem:$0xCB80] =	vst v63  }
0x6e: {  	s6 =	simm.s32 @!p0 $0xA8;
	s11 =	simm.s32 @!p0 $0x2900  }
0x6f: {  	[tilespmem:s11], [sflag:$0x1] =	stream.indirect.gather @!p0 [hbm4b:s3+s1], $0x40, s6, s1, $0xb8;
	[tilespmem:$0xCB80] =	vst v63  }
0x70: {  	s6 =	simm.s32 @!p0 $0xE0;
	s11 =	simm.s32 @!p0 $0x3580  }
0x71: {  	[tilespmem:s11], [sflag:$0x1] =	stream.indirect.gather @!p0 [hbm4b:s3+s1], $0x40, s6, s1, $0xb8;
	[tilespmem:$0xCB80] =	vst v63  }
0x72: {  	s6 =	simm.s32 @!p0 $0x118;
	s11 =	simm.s32 @!p0 $0x4200  }
0x73: {  	[tilespmem:s11], [sflag:$0x1] =	stream.indirect.gather @!p0 [hbm4b:s3+s1], $0x40, s6, s1, $0xb8;
	[tilespmem:$0xCB80] =	vst v63  }
0x74: {  	s6 =	simm.s32 @!p0 $0x150;
	s11 =	simm.s32 @!p0 $0x4E80  }
0x75: {  	[tilespmem:s11], [sflag:$0x1] =	stream.indirect.gather @!p0 [hbm4b:s3+s1], $0x40, s6, s1, $0xb8;
	[tilespmem:$0xCB80] =	vst v63  }
0x76: {  	s6 =	simm.s32 @!p0 $0x188;
	s11 =	simm.s32 @!p0 $0x5B00  }
0x77: {  	[tilespmem:s11], [sflag:$0x1] =	stream.indirect.gather @!p0 [hbm4b:s3+s1], $0x40, s6, s1, $0xb8;
	[tilespmem:$0xCB80] =	vst v63  }
0x78: {  	_ =	swait.ge [sflag:s28], $0xC80  }
0x79: {  	[sflag:s28] =	ssyncset.done $0x0  }
0x7a: {  	[sflag:s28] =	ssyncadd.s32 $0xFFFFF380  }
0x7b: {  	_ =	swait.ge [sflag:s28], $0xC80  }
0x7c: {  	[sflag:s28] =	ssyncset.done $0x0  }
0x7d: {  	[sflag:s28] =	ssyncadd.s32 $0xFFFFF380  }
0x7e: {  	_ =	swait.ge [sflag:s28], $0xC80  }
0x7f: {  	[sflag:s28] =	ssyncset.done $0x0  }
0x80: {  	[sflag:s28] =	ssyncadd.s32 $0xFFFFF380  }
0x81: {  	_ =	swait.ge [sflag:s28], $0xC80  }
0x82: {  	[sflag:s28] =	ssyncset.done $0x0  }
0x83: {  	[sflag:s28] =	ssyncadd.s32 $0xFFFFF380  }
0x84: {  	_ =	swait.ge [sflag:s28], $0xC80  }
0x85: {  	[sflag:s28] =	ssyncset.done $0x0  }
0x86: {  	[sflag:s28] =	ssyncadd.s32 $0xFFFFF380  }
0x87: {  	_ =	swait.ge [sflag:s28], $0xC80  }
0x88: {  	[sflag:s28] =	ssyncset.done $0x0  }
0x89: {  	s1 =	simm.s32 $0x1900;
	s6 =	smov.u32 s0;
	[sflag:s28] =	ssyncadd.s32 $0xFFFFF380  }
.LBB2_2:
0x8a: {  	_ =	swait.ge [sflag:s28], $0xC80  }
0x8b: {  	[sflag:s28] =	ssyncset.done $0x0  }
0x8c: {  	[sflag:s28] =	ssyncadd.s32 $0xFFFFF380  }
0x8d: {  	_ =	swait.ge [sflag:s28], $0xC80  }
0x8e: {  	[sflag:s28] =	ssyncset.done $0x0  }
0x8f: {  	s10 =	sadd.s32 $0xC80, s10;
	[sflag:s28] =	ssyncadd.s32 $0xFFFFF380  }
0x90: {  	[hbm4b:s10+s2] =	stream.linear.scatter [tilespmem:s25], [sflag:$0x4], $0x6400, $0x38;
	[tilespmem:$0xCB80] =	vst v63  }
0x91: {  	s6 =	sadd.s32 $0x70, s6  }
0x92: {  	[tilespmem:s24], [sflag:$0x5] =	stream.linear.gather [hbm4b:s6+s2], $0x1C0, $0x38;
	[tilespmem:$0xCB80] =	vst v63  }
0x93: {  	s11 =	smov.u32 s1;
	_ =	swait.ge [sflag:s7], $0x1C0  }
0x94: {  	p1 =	seq.s32 s11, $0x0;
	[sflag:s7] =	ssyncset.done $0x0  }
0x95: {  	s10 =	simm.s32 @!p1 $0x4;
	[sflag:s7] =	ssyncadd.s32 $0xFFFFFE40  }
0x96: {  	_ =	swait.ge @!p1 [sflag:s10], $0x6400  }
0x97: {  	s12 =	rddreg [dreg:$0x11]  }
0x98: {  	s13 =	rddreg [dreg:$0xd]  }
0x99: {  	s14 =	rddreg [dreg:$0xb]  }
0x9a: {  	s15 =	rddreg [dreg:$0x8]  }
0x9b: {  	s16 =	rddreg [dreg:$0x6]  }
0x9c: {  	[sflag:s10] =	ssyncset.done @!p1 $0x0;
	s17 =	rddreg [dreg:$0x4]  }
0x9d: {  	s18 =	rddreg [dreg:$0x5];
	[sflag:s10] =	ssyncadd.s32 @!p1 $0xFFFF9C00  }
0x9e: {  	[tilespmem:s25], [sflag:$0x2] =	stream.indirect.gather [hbm4b:s3+s8], $0x40, s24, s8, $0xb8;
	[tilespmem:$0xCB80] =	vst v63  }
0x9f: {  	s19 =	rddreg [dreg:$0x7]  }
0xa0: {  	[tilespmem:s18], [sflag:$0x2] =	stream.indirect.gather [hbm4b:s3+s8], $0x40, s17, s8, $0xb8;
	[tilespmem:$0xCB80] =	vst v63  }
0xa1: {  	s10 =	rddreg [dreg:$0xf]  }
0xa2: {  	[tilespmem:s19], [sflag:$0x2] =	stream.indirect.gather [hbm4b:s3+s8], $0x40, s16, s8, $0xb8;
	[tilespmem:$0xCB80] =	vst v63  }
0xa3: {  	s17 =	rddreg [dreg:$0x9]  }
0xa4: {  	[tilespmem:s17], [sflag:$0x2] =	stream.indirect.gather [hbm4b:s3+s8], $0x40, s15, s8, $0xb8;
	[tilespmem:$0xCB80] =	vst v63  }
0xa5: {  	s18 =	rddreg [dreg:$0xa]  }
0xa6: {  	[tilespmem:s14], [sflag:$0x2] =	stream.indirect.gather [hbm4b:s3+s8], $0x40, s18, s8, $0xb8;
	[tilespmem:$0xCB80] =	vst v63  }
0xa7: {  	s19 =	rddreg [dreg:$0xc]  }
0xa8: {  	[tilespmem:s13], [sflag:$0x2] =	stream.indirect.gather [hbm4b:s3+s8], $0x40, s19, s8, $0xb8;
	[tilespmem:$0xCB80] =	vst v63  }
0xa9: {  	s17 =	rddreg [dreg:$0xe]  }
0xaa: {  	[tilespmem:s10], [sflag:$0x2] =	stream.indirect.gather [hbm4b:s3+s8], $0x40, s17, s8, $0xb8;
	[tilespmem:$0xCB80] =	vst v63  }
0xab: {  	s18 =	rddreg [dreg:$0x10]  }
0xac: {  	[tilespmem:s12], [sflag:$0x2] =	stream.indirect.gather [hbm4b:s3+s8], $0x40, s18, s8, $0xb8;
	[tilespmem:$0xCB80] =	vst v63  }
0xad: {  	_ =	swait.ge [sflag:s26], $0xC80  }
0xae: {  	[sflag:s26] =	ssyncset.done $0x0  }
0xaf: {  	[sflag:s26] =	ssyncadd.s32 $0xFFFFF380  }
0xb0: {  	_ =	swait.ge [sflag:s26], $0xC80  }
0xb1: {  	[sflag:s26] =	ssyncset.done $0x0  }
0xb2: {  	[sflag:s26] =	ssyncadd.s32 $0xFFFFF380  }
0xb3: {  	_ =	swait.ge [sflag:s26], $0xC80  }
0xb4: {  	[sflag:s26] =	ssyncset.done $0x0  }
0xb5: {  	[sflag:s26] =	ssyncadd.s32 $0xFFFFF380  }
0xb6: {  	_ =	swait.ge [sflag:s26], $0xC80  }
0xb7: {  	[sflag:s26] =	ssyncset.done $0x0  }
0xb8: {  	[sflag:s26] =	ssyncadd.s32 $0xFFFFF380  }
0xb9: {  	_ =	swait.ge [sflag:s26], $0xC80  }
0xba: {  	[sflag:s26] =	ssyncset.done $0x0  }
0xbb: {  	[sflag:s26] =	ssyncadd.s32 $0xFFFFF380  }
0xbc: {  	_ =	swait.ge [sflag:s26], $0xC80  }
0xbd: {  	[sflag:s26] =	ssyncset.done $0x0  }
0xbe: {  	[sflag:s26] =	ssyncadd.s32 $0xFFFFF380  }
0xbf: {  	_ =	swait.ge [sflag:s26], $0xC80  }
0xc0: {  	[sflag:s26] =	ssyncset.done $0x0  }
0xc1: {  	[sflag:s26] =	ssyncadd.s32 $0xFFFFF380  }
0xc2: {  	_ =	swait.ge [sflag:s26], $0xC80  }
0xc3: {  	s19 =	rddreg [dreg:$0x3];
	[sflag:s26] =	ssyncset.done $0x0  }
0xc4: {  	p1 =	seq.s32 s11, $0x17700;
	[sflag:s26] =	ssyncadd.s32 $0xFFFFF380;
	s10 =	sadd.s32 s11, s19  }
0xc5: {  	[hbm4b:s10+s2] =	stream.linear.scatter [tilespmem:s9], [sflag:$0x3], $0x6400, $0x38;
	[tilespmem:$0xCB80] =	vst v63  }
0xc6: {  	s13 =	simm.s32 @!p1 $0x5;
	s12 =	simm.s32 @!p1 $0x0;
	s11 =	sadd.s32 @!p1 $0x38, s6  }
0xc7: {  	[tilespmem:s12], [sflag:$0x5] =	stream.linear.gather @!p1 [hbm4b:s11+s12], $0x1C0, $0x38;
	[tilespmem:$0xCB80] =	vst v63  }
0xc8: {  	_ =	swait.ge @!p1 [sflag:s13], $0x1C0  }
0xc9: {  	[sflag:s13] =	ssyncset.done @!p1 $0x0  }
0xca: {  	s11 =	simm.s32 @!p1 $0x3;
	[sflag:s13] =	ssyncadd.s32 @!p1 $0xFFFFFE40  }
0xcb: {  	_ =	swait.ge @!p1 [sflag:s11], $0x6400  }
0xcc: {  	[sflag:s11] =	ssyncset.done @!p1 $0x0  }
0xcd: {  	s13 =	simm.s32 @!p1 $0x380;
	[sflag:s11] =	ssyncadd.s32 @!p1 $0xFFFF9C00;
	s11 =	simm.s32 @!p1 $0x32  }
0xce: {  	[tilespmem:s13], [sflag:$0x1] =	stream.indirect.gather @!p1 [hbm4b:s3+s11], $0x40, s12, s11, $0xb8;
	[tilespmem:$0xCB80] =	vst v63  }
0xcf: {  	s12 =	simm.s32 @!p1 $0x38;
	s13 =	simm.s32 @!p1 $0x1000  }
0xd0: {  	[tilespmem:s13], [sflag:$0x1] =	stream.indirect.gather @!p1 [hbm4b:s3+s11], $0x40, s12, s11, $0xb8;
	[tilespmem:$0xCB80] =	vst v63  }
0xd1: {  	s12 =	simm.s32 @!p1 $0x70;
	s13 =	simm.s32 @!p1 $0x1C80  }
0xd2: {  	[tilespmem:s13], [sflag:$0x1] =	stream.indirect.gather @!p1 [hbm4b:s3+s11], $0x40, s12, s11, $0xb8;
	[tilespmem:$0xCB80] =	vst v63  }
0xd3: {  	s12 =	simm.s32 @!p1 $0xA8;
	s13 =	simm.s32 @!p1 $0x2900  }
0xd4: {  	[tilespmem:s13], [sflag:$0x1] =	stream.indirect.gather @!p1 [hbm4b:s3+s11], $0x40, s12, s11, $0xb8;
	[tilespmem:$0xCB80] =	vst v63  }
0xd5: {  	s12 =	simm.s32 @!p1 $0xE0;
	s13 =	simm.s32 @!p1 $0x3580  }
0xd6: {  	[tilespmem:s13], [sflag:$0x1] =	stream.indirect.gather @!p1 [hbm4b:s3+s11], $0x40, s12, s11, $0xb8;
	[tilespmem:$0xCB80] =	vst v63  }
0xd7: {  	s12 =	simm.s32 @!p1 $0x118;
	s13 =	simm.s32 @!p1 $0x4200  }
0xd8: {  	[tilespmem:s13], [sflag:$0x1] =	stream.indirect.gather @!p1 [hbm4b:s3+s11], $0x40, s12, s11, $0xb8;
	[tilespmem:$0xCB80] =	vst v63  }
0xd9: {  	s12 =	simm.s32 @!p1 $0x150;
	s13 =	simm.s32 @!p1 $0x4E80  }
0xda: {  	[tilespmem:s13], [sflag:$0x1] =	stream.indirect.gather @!p1 [hbm4b:s3+s11], $0x40, s12, s11, $0xb8;
	[tilespmem:$0xCB80] =	vst v63  }
0xdb: {  	s12 =	simm.s32 @!p1 $0x188;
	s13 =	simm.s32 @!p1 $0x5B00  }
0xdc: {  	[tilespmem:s13], [sflag:$0x1] =	stream.indirect.gather @!p1 [hbm4b:s3+s11], $0x40, s12, s11, $0xb8;
	[tilespmem:$0xCB80] =	vst v63  }
0xdd: {  	_ =	swait.ge [sflag:s28], $0xC80  }
0xde: {  	[sflag:s28] =	ssyncset.done $0x0  }
0xdf: {  	[sflag:s28] =	ssyncadd.s32 $0xFFFFF380  }
0xe0: {  	_ =	swait.ge [sflag:s28], $0xC80  }
0xe1: {  	[sflag:s28] =	ssyncset.done $0x0  }
0xe2: {  	[sflag:s28] =	ssyncadd.s32 $0xFFFFF380  }
0xe3: {  	_ =	swait.ge [sflag:s28], $0xC80  }
0xe4: {  	[sflag:s28] =	ssyncset.done $0x0  }
0xe5: {  	[sflag:s28] =	ssyncadd.s32 $0xFFFFF380  }
0xe6: {  	_ =	swait.ge [sflag:s28], $0xC80  }
0xe7: {  	[sflag:s28] =	ssyncset.done $0x0  }
0xe8: {  	s1 =	sadd.s32 $0x1900, s1;
	[sflag:s28] =	ssyncadd.s32 $0xFFFFF380  }
0xe9: {  	p0 =	sne.s32 s1, $0x19000;
	_ =	swait.ge [sflag:s28], $0xC80  }
.Ltmp0:
0xea: {  	[sflag:s28] =	ssyncset.done $0x0;
	(pc) =	sbr.rel @p0 .LBB2_2-.Ltmp0, $4  }
0xeb: {  	[sflag:s28] =	ssyncadd.s32 $0xFFFFF380  }
0xec: {  	_ =	swait.ge [sflag:s28], $0xC80  }
0xed: {  	[sflag:s28] =	ssyncset.done $0x0  }
0xee: {  	[sflag:s28] =	ssyncadd.s32 $0xFFFFF380  }
0xef: {  	_ =	swait.ge [sflag:s28], $0xC80  }
0xf0: {  	[sflag:s28] =	ssyncset.done $0x0  }
0xf1: {  	[sflag:s28] =	ssyncadd.s32 $0xFFFFF380  }
0xf2: {  	_ =	swait.ge [sflag:s28], $0xC80  }
0xf3: {  	[sflag:s28] =	ssyncset.done $0x0  }
0xf4: {  	s1 =	sadd.s32 $0xC80, s10;
	s31 =	sadd.s32 $0x1, s31;
	[sflag:s28] =	ssyncadd.s32 $0xFFFFF380  }
0xf5: {  	[hbm4b:s1+s2] =	stream.linear.scatter [tilespmem:s25], [sflag:$0x4], $0x6400, $0x38;
	[tilespmem:$0xCB80] =	vst v63  }
0xf6: {  	p0 =	sne.s32 s31, s5;
	_ =	swait.ge [sflag:s29], $0x6400  }
.Ltmp1:
0xf7: {  	[sflag:s29] =	ssyncset.done $0x0;
	(pc) =	sbr.rel @p0 .LBB2_1-.Ltmp1, $4  }
0xf8: {  	[sflag:s29] =	ssyncadd.s32 $0xFFFF9C00  }
0xf9: {  	_ =	swait.ge [sflag:s30], $0x6400  }
0xfa: {  	[sflag:s30] =	ssyncset.done $0x0  }
0xfb: {  	[sflag:s30] =	ssyncadd.s32 $0xFFFF9C00  }
0xfc: {  	_ =	sfence.sel $0x180000  }
0xfd: {  	[bflag:$0x0] =	sbarrier.arrive $0xFFFF  }
0xfe: {  	_ =	strace $0x9000004A  }
0xff: {  	s0 =	stileid.u32;
	[bflag:$0x2] =	sbarrier.arrive $0xFFFF  }
0x100: {  	p0 =	sne.s32 s0, $0x0;
	s0 =	rddreg [dreg:$0x2]  }
0x101: {  	s0 =	sadd.s32 @!p0 $0x100000, s0  }
0x102: {  	[sflag:s0] =	ssyncadd.tile.s32 @!p0 $0x1;
	_ =	shalt  }
.Lfunc_end2:
_tile_overlayer_lowered:
.L_overlay_start_2:
0x103: {  	(tag) =	ssettag $0x2  }
0x104: {  	s0 =	rddreg [dreg:$0x0];
	s2 =	stileid.u32  }
0x105: {  	s1 =	rddreg [dreg:$0x1];
	p0 =	sne.s32 s2, $0x0  }
0x106: {  	s3 =	rddreg [dreg:$0x2];
	[bflag:$0x3] =	sbarrier.arrive $0xFFFF;
	s2 =	simm.s32 @!p0 $0x1C05  }
0x107: {  	[timem:s3], [sflag:s2] =	dma.local @!p0 [hbm:s0], s1  }
0x108: {  	s0 =	simm.s32 @!p0 $0x5  }
0x109: {  	_ =	swait.ge @!p0 [sflag:s0], s1  }
0x10a: {  	s1 =	ssub.s32 @!p0 $0x0, s1;
	[sflag:s0] =	ssyncset.done @!p0 $0x0  }
0x10b: {  	[sflag:s0] =	ssyncadd.s32 @!p0 s1  }
0x10c: {  	[bflag:$0x3] =	sbarrier.arrive $0xFFFF  }
0x10d: {  	_ =	shalt  }

// kernel: kernel.7.cloned.1.call-start
scs
__scs_entry_jumppad:
0x0: {  	(pc) =	sbr.rel $0x88, $3  }
0x1: {  	(tag) =	ssettag $0x0;
	lr =	simm.s32 $0x1  }
0x2: {  	[smem:$0x3F9F] =	sst lr;
	_ =	strace $0xD0000000  }
0x3: {  	_ = 	snop  }
0x4: {  	_ = 	snop  }
0x5: {  	_ = 	snop  }
0x6: {  	_ = 	snop  }
0x7: {  	_ = 	snop  }
__scs_overlays_trampoline_lowered:
0x8: {  	[smem:$0x3FAE] =	sst s0  }
0x9: {  	[smem:$0x3FAF] =	sst s1  }
0xa: {  	[smem:$0x3FB0] =	sst s2  }
0xb: {  	[smem:$0x3FB1] =	sst s3  }
0xc: {  	[smem:$0x3FB2] =	sst s4  }
0xd: {  	[smem:$0x3FB3] =	sst s5  }
0xe: {  	[smem:$0x3FB4] =	sst s6  }
0xf: {  	[smem:$0x3FB5] =	sst s7  }
0x10: {  	[smem:$0x3FB6] =	sst s8  }
0x11: {  	[smem:$0x3FB7] =	sst s9;
	s0 =	simm.s32 @!p0 $0x0  }
0x12: {  	s1 =	sld [smem:$0x3F9D];
	s0 =	simm.s32 @p0 $0x1  }
0x13: {  	[smem:$0x3FB8] =	sst s0;
	s0 =	simm.s32 @!p1 $0x0  }
0x14: {  	s2 =	sld [smem:$0x3F9C];
	s0 =	simm.s32 @p1 $0x1  }
0x15: {  	[smem:$0x3FB9] =	sst s0;
	s0 =	simm.s32 @!p2 $0x0  }
0x16: {  	s3 =	sld [smem:$0x3FDB];
	s0 =	simm.s32 @p2 $0x1  }
0x17: {  	s4 =	simm.s32 $0x1BF5;
	[smem:$0x3FBB] =	sst s0  }
0x18: {  	s0 =	sld [smem:$0x3F9E];
	_ =	swait.ge [sflag:s4], $0x0  }
0x19: {  	s7 =	sld [smem:$0x3F9F]  }
0x1a: {  	s8 =	sadd.s32 $0xFFFFE003, lr  }
0x1b: {  	s9 =	sadd.s32 $0xFFFFFEF7, lr;
	s5 =	simm.s32 $0xFFFFFFFF;
	p2 =	slt.u32 s8, $0xFFFFF086  }
0x1c: {  	p1 =	slt.u32 s9, $0xF7A;
	s5 =	simm.s32 @!p2 $0x0  }
0x1d: {  	s5 =	simm.s32 @p1 $0x1;
	p0 =	seq.s32 s7, s2  }
0x1e: {  	s7 =	smul.u32 @!p0 $0xF7A, s2;
	p2 =	seq.s32 @!p0 s5, $0x0  }
0x1f: {  	s9 =	smul.u32 $0xF7A, s1;
	s8 =	simm.s32 @!p0 $0x1BF5;
	p2 =	por !p2, p0  }
0x20: {  	[sflag:s8] =	ssyncset.s32 @!p0 $0xFFFFF086;
	s6 =	sadd.s32 @!p0 s3, s7;
	s7 =	simm.s32 @!p0 $0x108  }
0x21: {  	s3 =	sadd.s32 s3, s9;
	s6 =	sadd.s32 @!p0 $0x88, s6;
	s7 =	simm.s32 @p2 $0x1082  }
0x22: {  	[simem:s7], [sflag:s8] =	dma.local @!p0 [hbm:s6], $0xF7A  }
0x23: {  	s9 =	sor.u32 $0xD0000000, s2;
	s6 =	simm.s32 $0x108;
	_ =	swait.ge @!p0 [sflag:s8], $0x0  }
0x24: {  	s3 =	sadd.s32 $0x88, s3;
	s6 =	simm.s32 @!p1 $0x1082;
	[sflag:s4] =	ssyncset.s32 $0xFFFFF086  }
0x25: {  	[simem:s6], [sflag:s4] =	dma.local [hbm:s3], $0xF7A  }
0x26: {  	[smem:$0x3F9F] =	sst s1;
	(tag) =	ssettag s2;
	_ =	strace s9  }
0x27: {  	s1 =	sld [smem:$0x3FAF]  }
0x28: {  	s2 =	sld [smem:$0x3FB0]  }
0x29: {  	s4 =	sld [smem:$0x3FB2]  }
0x2a: {  	p0 =	seq.s32 s5, $0x0;
	s5 =	sld [smem:$0x3FB3]  }
0x2b: {  	s6 =	sld [smem:$0x3FB4]  }
0x2c: {  	s7 =	sld [smem:$0x3FB5]  }
0x2d: {  	s3 =	simm.s32 $0x108;
	s8 =	sld [smem:$0x3FB6]  }
0x2e: {  	s3 =	simm.s32 @!p0 $0x1082;
	s9 =	sld [smem:$0x3FB7]  }
0x2f: {  	lr =	sadd.s32 s0, s3;
	s0 =	sld [smem:$0x3FAE]  }
0x30: {  	s3 =	sld [smem:$0x3FB1]  }
0x31: {  	[smem:$0x3FBA] =	sst s10  }
0x32: {  	s10 =	sld [smem:$0x3FB8];
	_ =	sdelay $0x3  }
0x33: {  	p0 =	seq.s32 s10, $0x1;
	s10 =	sld [smem:$0x3FBA];
	_ =	sdelay $0x3  }
0x34: {  	[smem:$0x3FBA] =	sst s10  }
0x35: {  	s10 =	sld [smem:$0x3FB9];
	_ =	sdelay $0x3  }
0x36: {  	p1 =	seq.s32 s10, $0x1;
	s10 =	sld [smem:$0x3FBA];
	_ =	sdelay $0x3  }
0x37: {  	[smem:$0x3FBA] =	sst s10  }
0x38: {  	s10 =	sld [smem:$0x3FBB]  }
0x39: {  	_ = 	snop;
	(pc) =	sbr.ind lr, $3  }
0x3a: {  	_ = 	snop  }
0x3b: {  	_ = 	snop  }
0x3c: {  	p2 =	seq.s32 s10, $0x1;
	s10 =	sld [smem:$0x3FBA]  }
0x3d: {  	_ =	shalt  }
0x3e: {  	_ =	shalt  }
0x3f: {  	_ =	shalt  }
0x40: {  	_ =	shalt  }
0x41: {  	_ =	shalt  }
0x42: {  	_ =	shalt  }
0x43: {  	_ =	shalt  }
0x44: {  	_ =	shalt  }
0x45: {  	_ =	shalt  }
0x46: {  	_ =	shalt  }
0x47: {  	_ =	shalt  }
0x48: {  	_ =	shalt  }
0x49: {  	_ =	shalt  }
0x4a: {  	_ =	shalt  }
0x4b: {  	_ =	shalt  }
0x4c: {  	_ =	shalt  }
0x4d: {  	_ =	shalt  }
0x4e: {  	_ =	shalt  }
0x4f: {  	_ =	shalt  }
0x50: {  	_ =	shalt  }
0x51: {  	_ =	shalt  }
0x52: {  	_ =	shalt  }
0x53: {  	_ =	shalt  }
0x54: {  	_ =	shalt  }
0x55: {  	_ =	shalt  }
0x56: {  	_ =	shalt  }
0x57: {  	_ =	shalt  }
0x58: {  	_ =	shalt  }
0x59: {  	_ =	shalt  }
0x5a: {  	_ =	shalt  }
0x5b: {  	_ =	shalt  }
0x5c: {  	_ =	shalt  }
0x5d: {  	_ =	shalt  }
0x5e: {  	_ =	shalt  }
0x5f: {  	_ =	shalt  }
0x60: {  	_ =	shalt  }
0x61: {  	_ =	shalt  }
0x62: {  	_ =	shalt  }
0x63: {  	_ =	shalt  }
0x64: {  	_ =	shalt  }
0x65: {  	_ =	shalt  }
0x66: {  	_ =	shalt  }
0x67: {  	_ =	shalt  }
0x68: {  	_ =	shalt  }
0x69: {  	_ =	shalt  }
0x6a: {  	_ =	shalt  }
0x6b: {  	_ =	shalt  }
0x6c: {  	_ =	shalt  }
0x6d: {  	_ =	shalt  }
0x6e: {  	_ =	shalt  }
0x6f: {  	_ =	shalt  }
0x70: {  	_ =	shalt  }
0x71: {  	_ =	shalt  }
0x72: {  	_ =	shalt  }
0x73: {  	_ =	shalt  }
0x74: {  	_ =	shalt  }
0x75: {  	_ =	shalt  }
0x76: {  	_ =	shalt  }
0x77: {  	_ =	shalt  }
0x78: {  	_ =	shalt  }
0x79: {  	_ =	shalt  }
0x7a: {  	_ =	shalt  }
0x7b: {  	_ =	shalt  }
0x7c: {  	_ =	shalt  }
0x7d: {  	_ =	shalt  }
0x7e: {  	_ =	shalt  }
0x7f: {  	_ =	shalt  }
0x80: {  	_ =	shalt  }
0x81: {  	_ =	shalt  }
0x82: {  	_ =	shalt  }
0x83: {  	_ =	shalt  }
0x84: {  	_ =	shalt  }
0x85: {  	_ =	shalt  }
0x86: {  	_ =	shalt  }
0x87: {  	_ =	shalt  }
.Lfunc_end0:
.L_simem_size_0:
called_computation.3_lowered:
.L_overlay_start_0:
0x88: {  	s2 =	sld [smem:$0x3FD9]  }
0x89: {  	s3 =	sld [smem:$0x3FFE];
	_ =	sdelay $0x1  }
0x8a: {  	s1 =	srdreg.scid  }
0x8b: {  	s0 =	sand.u32 $0x1, s1  }
0x8c: {  	s16 =	sshll.u32 s0, $0xA;
	s2 =	sadd.s32 s3, s2  }
0x8d: {  	s2 =	sadd.s32 s2, s16  }
0x8e: {  	[smem:$0x3FC6] =	sst s2  }
0x8f: {  	_ = 	snop  }
0x90: {  	(tm) =	ssettm $0x1  }
0x91: {  	s17 =	sld [smem:$0x3FFB];
	_ =	sdelay $0x3  }
0x92: {  	_ =	strace s17  }
0x93: {  	s2 =	sld [smem:$0x3FFC];
	_ =	sdelay $0x3  }
0x94: {  	_ =	strace s2  }
0x95: {  	s2 =	sld [smem:$0x3FFD];
	_ =	sdelay $0x3  }
0x96: {  	_ =	strace s2  }
0x97: {  	_ =	strace $0x8FFFFFFF  }
0x98: {  	s18 =	sld [smem:$0x3FDB];
	_ =	sdelay $0x1  }
0x99: {  	s19 =	simm.s32 $_scs_section_size  }
0x9a: {  	s4 =	simm.s32 $_size__tile_overlayer_lowered;
	s5 =	simm.s32 $_tile_overlayer_lowered  }
0x9b: {  	s22 =	simm.s32 $0x1BFF;
	s21 =	sshll.u32 s5, $0x1;
	s2 =	sadd.s32 s19, s18  }
0x9c: {  	s6 =	simm.s32 $0x0;
	s20 =	sshll.u32 s4, $0x1;
	s4 =	sadd.s32 s21, s2  }
0x9d: {  	[timem:s6], [sflag:s22] =	dma.local [hbm:s4], s20  }
0x9e: {  	_ =	swait.ge [sflag:s22], s20  }
0x9f: {  	s3 =	ssub.s32 $0x0, s20;
	[sflag:s22] =	ssyncset.done $0x0  }
0xa0: {  	[sflag:s22] =	ssyncadd.s32 s3;
	_ =	sdelay $0x1  }
0xa1: {  	s23 =	simm.s32 $0x1B8B  }
0xa2: {  	_ =	swait.ge [sflag:s23], $0x1  }
0xa3: {  	[sflag:s23] =	ssyncset.done $0x0  }
0xa4: {  	s25 =	simm.s32 $0x1B8E;
	s24 =	sld [smem:$0x3FFE];
	[sflag:s23] =	ssyncadd.s32 $0xFFFFFFFF  }
0xa5: {  	s26 =	simm.s32 $execute0_lowered;
	[smem:$0x3FD2] =	sst s25  }
0xa6: {  	s4 =	sshll.u32 s26, $0x1;
	_ =	strace $0x80000046;
	[dreg:$0x1] =	wrdreg $0xFFFFFFFF  }
0xa7: {  	s28 =	simm.s32 $_size_execute0_lowered;
	s2 =	sadd.s32 s2, s4;
	[dreg:$0x0] =	wrdreg $0x0  }
0xa8: {  	s4 =	sshll.u32 s28, $0x1;
	[dreg:$0x2] =	wrdreg s2  }
0xa9: {  	[dreg:$0x3] =	wrdreg s4  }
0xaa: {  	[dreg:$0x4] =	wrdreg $0xC0  }
0xab: {  	_ =	task [dreg:s6], $0x5FFFF  }
0xac: {  	[dreg:$0x1] =	wrdreg $0xFFFFFFFF  }
0xad: {  	[dreg:$0x0] =	wrdreg $0x60  }
0xae: {  	[dreg:$0x2] =	wrdreg s24  }
0xaf: {  	[dreg:$0x3] =	wrdreg $0x9  }
0xb0: {  	_ =	task.clear_ibuf [dreg:s6], $0x4FFFF;
	_ =	strace $0x90000046  }
0xb1: {  	s29 =	simm.s32 $0x9;
	_ =	strace $0x80000048  }
0xb2: {  	_ =	swait.ge [sflag:s29], $0x1  }
0xb3: {  	[sflag:s29] =	ssyncadd.s32 $0xFFFFFFFF  }
0xb4: {  	_ =	strace $0x90000048  }
0xb5: {  	_ =	sfence  }
0xb6: {  	s30 =	sld [smem:$0x0];
	_ =	sdelay $0x2  }
0xb7: {  	s31 =	sshll.u32 s1, $0xD;
	s1 =	sshrl.u32 s1, $0x2  }
0xb8: {  	s3 =	sand.u32 $0x4000, s31;
	s1 =	sadd.s32 s1, s30  }
0xb9: {  	s0 =	sor.u32 s3, s0;
	s1 =	sshll.u32 s1, $0x11  }
0xba: {  	s0 =	sor.u32 s1, s0  }
0xbb: {  	s0 =	sadd.s32 $0x8F2B, s0  }
0xbc: {  	[sflag:s0] =	ssyncadd.remote.s32 $0x1  }
0xbd: {  	_ =	sfence.sel $0xFFFF  }
0xbe: {  	[dreg:$0x0] =	wrdreg $0xFFFFFFFF;
	(pc) =	sbr.abs _section_cstart, $3  }
0xbf: {  	[dreg:$0x1] =	wrdreg $0xFFFFFFFF  }
0xc0: {  	_ =	task.clear_ibuf [dreg:s6], $0x2FFFF;
	_ =	strace $0x9FFFFFFF  }
0xc1: {  	(tm) =	ssettm $0x7FFFFFFF  }
tec
execute0_lowered:
.L_overlay_start_1:
0x0: {  	(tag) =	ssettag $0x1  }
0x1: {  	s0 =	rddreg [dreg:$0x0];
	s1 =	srdreg.scid  }
0x2: {  	s10 =	stileid.u32;
	s2 =	simm.s32 $0x0;
	s13 =	simm.s32 $0x1F8  }
0x3: {  	s14 =	simm.s32 $0x7400;
	s15 =	simm.s32 $0x230;
	s16 =	simm.s32 $0x8080  }
0x4: {  	s17 =	simm.s32 $0x268;
	s18 =	simm.s32 $0x8D00;
	[smem:$0x7FF] =	sst s2  }
0x5: {  	s19 =	simm.s32 $0x2A0;
	_ =	strace $0x80000047;
	[dreg:$0x3] =	wrdreg s13  }
0x6: {  	s20 =	simm.s32 $0x9980;
	s21 =	simm.s32 $0x2D8;
	[dreg:$0x4] =	wrdreg s14  }
0x7: {  	s22 =	simm.s32 $0xA600;
	s23 =	simm.s32 $0x310;
	[dreg:$0x5] =	wrdreg s15  }
0x8: {  	s24 =	simm.s32 $0xB280;
	s25 =	simm.s32 $0x348;
	[dreg:$0x6] =	wrdreg s16  }
0x9: {  	s26 =	simm.s32 $0xBF00;
	s28 =	simm.s32 $0x2;
	[dreg:$0x7] =	wrdreg s17  }
0xa: {  	s29 =	simm.s32 $0x3;
	s30 =	simm.s32 $0x4;
	[dreg:$0x8] =	wrdreg s18  }
0xb: {  	s31 =	simm.s32 $0x0;
	s1 =	sand.u32 $0x1, s1;
	[dreg:$0x9] =	wrdreg s19  }
0xc: {  	s3 =	sshll.u32 s10, $0x9;
	s5 =	smul.u32 $0x32000, s10;
	[dreg:$0xa] =	wrdreg s20  }
0xd: {  	s6 =	sadd.s32 $0x1600, s0;
	s10 =	smul.u32 $0xE00, s10;
	[dreg:$0xb] =	wrdreg s21  }
0xe: {  	s4 =	sshll.u32 s1, $0x8;
	s8 =	smul.u32 $0x19000, s1;
	[dreg:$0xc] =	wrdreg s22  }
0xf: {  	s7 =	ssub.s32 $0x2, s1;
	s1 =	smul.u32 $0x700, s1;
	[dreg:$0xd] =	wrdreg s23  }
0x10: {  	s20 =	simm.s32 $0x150;
	s21 =	simm.s32 $0x4E80;
	[dreg:$0xe] =	wrdreg s24  }
0x11: {  	s22 =	simm.s32 $0x188;
	[dreg:$0xf] =	wrdreg s25;
	s23 =	simm.s32 $0x5B00  }
0x12: {  	s24 =	simm.s32 $0x1C0;
	[dreg:$0x10] =	wrdreg s26;
	s25 =	simm.s32 $0x6780  }
0x13: {  	s26 =	simm.s32 $0x1;
	s3 =	sor.u32 s4, s3;
	s9 =	sshrl.u32 s7, $0x1  }
0x14: {  	s4 =	smul.u32 $0x7, s3;
	s3 =	sadd.s32 $0xF43A00, s0;
	s0 =	sadd.s32 s5, s0  }
0x15: {  	s12 =	ssub.s32 s7, s9;
	s7 =	simm.s32 $0x5;
	s9 =	simm.s32 $0x380  }
0x16: {  	s0 =	sadd.s32 s8, s0;
	s4 =	sadd.s32 s6, s4;
	s6 =	sadd.s32 s10, s6  }
0x17: {  	s5 =	smax.u32 s12, $0x1;
	s0 =	sadd.s32 $0xF600, s0;
	s1 =	sadd.s32 s1, s6  }
0x18: {  	s8 =	simm.s32 $0x32;
	[dreg:$0x2] =	wrdreg s0;
	s1 =	sadd.s32 $0x38, s1  }
.LBB2_1:
0x19: {  	[tilespmem:s2], [sflag:$0x5] =	stream.linear.gather [hbm4b:s4+s2], $0x1C0, $0x38;
	[tilespmem:$0xCB80] =	vst v63  }
0x1a: {  	_ =	swait.ge [sflag:s7], $0x1C0  }
0x1b: {  	[sflag:s7] =	ssyncset.done $0x0  }
0x1c: {  	[sflag:s7] =	ssyncadd.s32 $0xFFFFFE40  }
0x1d: {  	[tilespmem:s9], [sflag:$0x1] =	stream.indirect.gather [hbm4b:s3+s8], $0x40, s2, s8, $0xb8;
	[tilespmem:$0xCB80] =	vst v63  }
0x1e: {  	s0 =	simm.s32 $0x38;
	s6 =	simm.s32 $0x1000  }
0x1f: {  	[tilespmem:s6], [sflag:$0x1] =	stream.indirect.gather [hbm4b:s3+s8], $0x40, s0, s8, $0xb8;
	[tilespmem:$0xCB80] =	vst v63  }
0x20: {  	s18 =	simm.s32 $0x70;
	s19 =	simm.s32 $0x1C80  }
0x21: {  	[tilespmem:s19], [sflag:$0x1] =	stream.indirect.gather [hbm4b:s3+s8], $0x40, s18, s8, $0xb8;
	[tilespmem:$0xCB80] =	vst v63  }
0x22: {  	s10 =	simm.s32 $0xA8;
	s11 =	simm.s32 $0x2900  }
0x23: {  	[tilespmem:s11], [sflag:$0x1] =	stream.indirect.gather [hbm4b:s3+s8], $0x40, s10, s8, $0xb8;
	[tilespmem:$0xCB80] =	vst v63  }
0x24: {  	s12 =	simm.s32 $0xE0;
	s13 =	simm.s32 $0x3580  }
0x25: {  	[tilespmem:s13], [sflag:$0x1] =	stream.indirect.gather [hbm4b:s3+s8], $0x40, s12, s8, $0xb8;
	[tilespmem:$0xCB80] =	vst v63  }
0x26: {  	s14 =	simm.s32 $0x118;
	s15 =	simm.s32 $0x4200  }
0x27: {  	[tilespmem:s15], [sflag:$0x1] =	stream.indirect.gather [hbm4b:s3+s8], $0x40, s14, s8, $0xb8;
	[tilespmem:$0xCB80] =	vst v63  }
0x28: {  	_ = 	snop  }
0x29: {  	[tilespmem:s21], [sflag:$0x1] =	stream.indirect.gather [hbm4b:s3+s8], $0x40, s20, s8, $0xb8;
	[tilespmem:$0xCB80] =	vst v63  }
0x2a: {  	_ = 	snop  }
0x2b: {  	[tilespmem:s23], [sflag:$0x1] =	stream.indirect.gather [hbm4b:s3+s8], $0x40, s22, s8, $0xb8;
	[tilespmem:$0xCB80] =	vst v63  }
0x2c: {  	_ = 	snop  }
0x2d: {  	[tilespmem:s24], [sflag:$0x5] =	stream.linear.gather [hbm4b:s1+s2], $0x1C0, $0x38;
	[tilespmem:$0xCB80] =	vst v63  }
0x2e: {  	_ =	swait.ge [sflag:s7], $0x1C0  }
0x2f: {  	p0 =	por $0x1, $0x1;
	[sflag:s7] =	ssyncset.done $0x0  }
0x30: {  	s0 =	simm.s32 @!p0 $0x4;
	[sflag:s7] =	ssyncadd.s32 $0xFFFFFE40  }
0x31: {  	_ =	swait.ge @!p0 [sflag:s0], $0x6400  }
0x32: {  	s16 =	rddreg [dreg:$0x5]  }
0x33: {  	s10 =	rddreg [dreg:$0x3]  }
0x34: {  	s17 =	rddreg [dreg:$0x4]  }
0x35: {  	s11 =	rddreg [dreg:$0x6]  }
0x36: {  	s18 =	rddreg [dreg:$0x7]  }
0x37: {  	[sflag:s0] =	ssyncset.done @!p0 $0x0;
	s19 =	rddreg [dreg:$0x8]  }
0x38: {  	s12 =	rddreg [dreg:$0x9];
	[sflag:s0] =	ssyncadd.s32 @!p0 $0xFFFF9C00  }
0x39: {  	[tilespmem:s25], [sflag:$0x2] =	stream.indirect.gather [hbm4b:s3+s8], $0x40, s24, s8, $0xb8;
	[tilespmem:$0xCB80] =	vst v63  }
0x3a: {  	s13 =	rddreg [dreg:$0xc]  }
0x3b: {  	[tilespmem:s17], [sflag:$0x2] =	stream.indirect.gather [hbm4b:s3+s8], $0x40, s10, s8, $0xb8;
	[tilespmem:$0xCB80] =	vst v63  }
0x3c: {  	s14 =	rddreg [dreg:$0xb]  }
0x3d: {  	[tilespmem:s11], [sflag:$0x2] =	stream.indirect.gather [hbm4b:s3+s8], $0x40, s16, s8, $0xb8;
	[tilespmem:$0xCB80] =	vst v63  }
0x3e: {  	s15 =	rddreg [dreg:$0xe]  }
0x3f: {  	[tilespmem:s19], [sflag:$0x2] =	stream.indirect.gather [hbm4b:s3+s8], $0x40, s18, s8, $0xb8;
	[tilespmem:$0xCB80] =	vst v63  }
0x40: {  	s11 =	rddreg [dreg:$0xa]  }
0x41: {  	[tilespmem:s11], [sflag:$0x2] =	stream.indirect.gather [hbm4b:s3+s8], $0x40, s12, s8, $0xb8;
	[tilespmem:$0xCB80] =	vst v63  }
0x42: {  	s17 =	rddreg [dreg:$0x10]  }
0x43: {  	[tilespmem:s13], [sflag:$0x2] =	stream.indirect.gather [hbm4b:s3+s8], $0x40, s14, s8, $0xb8;
	[tilespmem:$0xCB80] =	vst v63  }
0x44: {  	s16 =	rddreg [dreg:$0xd]  }
0x45: {  	[tilespmem:s15], [sflag:$0x2] =	stream.indirect.gather [hbm4b:s3+s8], $0x40, s16, s8, $0xb8;
	[tilespmem:$0xCB80] =	vst v63  }
0x46: {  	s18 =	rddreg [dreg:$0xf]  }
0x47: {  	[tilespmem:s17], [sflag:$0x2] =	stream.indirect.gather [hbm4b:s3+s8], $0x40, s18, s8, $0xb8;
	[tilespmem:$0xCB80] =	vst v63  }
0x48: {  	_ =	swait.ge [sflag:s26], $0xC80  }
0x49: {  	[sflag:s26] =	ssyncset.done $0x0  }
0x4a: {  	[sflag:s26] =	ssyncadd.s32 $0xFFFFF380  }
0x4b: {  	_ =	swait.ge [sflag:s26], $0xC80  }
0x4c: {  	[sflag:s26] =	ssyncset.done $0x0  }
0x4d: {  	[sflag:s26] =	ssyncadd.s32 $0xFFFFF380  }
0x4e: {  	_ =	swait.ge [sflag:s26], $0xC80  }
0x4f: {  	[sflag:s26] =	ssyncset.done $0x0  }
0x50: {  	[sflag:s26] =	ssyncadd.s32 $0xFFFFF380  }
0x51: {  	_ =	swait.ge [sflag:s26], $0xC80  }
0x52: {  	[sflag:s26] =	ssyncset.done $0x0  }
0x53: {  	[sflag:s26] =	ssyncadd.s32 $0xFFFFF380  }
0x54: {  	_ =	swait.ge [sflag:s26], $0xC80  }
0x55: {  	[sflag:s26] =	ssyncset.done $0x0  }
0x56: {  	[sflag:s26] =	ssyncadd.s32 $0xFFFFF380  }
0x57: {  	_ =	swait.ge [sflag:s26], $0xC80  }
0x58: {  	[sflag:s26] =	ssyncset.done $0x0  }
0x59: {  	[sflag:s26] =	ssyncadd.s32 $0xFFFFF380  }
0x5a: {  	_ =	swait.ge [sflag:s26], $0xC80  }
0x5b: {  	[sflag:s26] =	ssyncset.done $0x0  }
0x5c: {  	[sflag:s26] =	ssyncadd.s32 $0xFFFFF380  }
0x5d: {  	_ =	swait.ge [sflag:s26], $0xC80  }
0x5e: {  	s19 =	rddreg [dreg:$0x2];
	[sflag:s26] =	ssyncset.done $0x0  }
0x5f: {  	p0 =	por $0x0, $0x0;
	[sflag:s26] =	ssyncadd.s32 $0xFFFFF380;
	s10 =	sadd.s32 $0x0, s19  }
0x60: {  	[hbm4b:s10+s2] =	stream.linear.scatter [tilespmem:s9], [sflag:$0x3], $0x6400, $0x38;
	[tilespmem:$0xCB80] =	vst v63  }
0x61: {  	s0 =	sadd.s32 @!p0 $0x38, s1;
	s6 =	simm.s32 @!p0 $0x0;
	s11 =	simm.s32 @!p0 $0x5  }
0x62: {  	[tilespmem:s6], [sflag:$0x5] =	stream.linear.gather @!p0 [hbm4b:s0+s6], $0x1C0, $0x38;
	[tilespmem:$0xCB80] =	vst v63  }
0x63: {  	_ =	swait.ge @!p0 [sflag:s11], $0x1C0  }
0x64: {  	[sflag:s11] =	ssyncset.done @!p0 $0x0  }
0x65: {  	s0 =	simm.s32 @!p0 $0x3;
	[sflag:s11] =	ssyncadd.s32 @!p0 $0xFFFFFE40  }
0x66: {  	_ =	swait.ge @!p0 [sflag:s0], $0x6400  }
0x67: {  	[sflag:s0] =	ssyncset.done @!p0 $0x0  }
0x68: {  	s11 =	simm.s32 @!p0 $0x380;
	[sflag:s0] =	ssyncadd.s32 @!p0 $0xFFFF9C00;
	s0 =	simm.s32 @!p0 $0x32  }
0x69: {  	[tilespmem:s11], [sflag:$0x1] =	stream.indirect.gather @!p0 [hbm4b:s3+s0], $0x40, s6, s0, $0xb8;
	[tilespmem:$0xCB80] =	vst v63  }
0x6a: {  	s6 =	simm.s32 @!p0 $0x38;
	s11 =	simm.s32 @!p0 $0x1000  }
0x6b: {  	[tilespmem:s11], [sflag:$0x1] =	stream.indirect.gather @!p0 [hbm4b:s3+s0], $0x40, s6, s0, $0xb8;
	[tilespmem:$0xCB80] =	vst v63  }
0x6c: {  	s6 =	simm.s32 @!p0 $0x70;
	s11 =	simm.s32 @!p0 $0x1C80  }
0x6d: {  	[tilespmem:s11], [sflag:$0x1] =	stream.indirect.gather @!p0 [hbm4b:s3+s0], $0x40, s6, s0, $0xb8;
	[tilespmem:$0xCB80] =	vst v63  }
0x6e: {  	s6 =	simm.s32 @!p0 $0xA8;
	s11 =	simm.s32 @!p0 $0x2900  }
0x6f: {  	[tilespmem:s11], [sflag:$0x1] =	stream.indirect.gather @!p0 [hbm4b:s3+s0], $0x40, s6, s0, $0xb8;
	[tilespmem:$0xCB80] =	vst v63  }
0x70: {  	s6 =	simm.s32 @!p0 $0xE0;
	s11 =	simm.s32 @!p0 $0x3580  }
0x71: {  	[tilespmem:s11], [sflag:$0x1] =	stream.indirect.gather @!p0 [hbm4b:s3+s0], $0x40, s6, s0, $0xb8;
	[tilespmem:$0xCB80] =	vst v63  }
0x72: {  	s6 =	simm.s32 @!p0 $0x118;
	s11 =	simm.s32 @!p0 $0x4200  }
0x73: {  	[tilespmem:s11], [sflag:$0x1] =	stream.indirect.gather @!p0 [hbm4b:s3+s0], $0x40, s6, s0, $0xb8;
	[tilespmem:$0xCB80] =	vst v63  }
0x74: {  	s6 =	simm.s32 @!p0 $0x150;
	s11 =	simm.s32 @!p0 $0x4E80  }
0x75: {  	[tilespmem:s11], [sflag:$0x1] =	stream.indirect.gather @!p0 [hbm4b:s3+s0], $0x40, s6, s0, $0xb8;
	[tilespmem:$0xCB80] =	vst v63  }
0x76: {  	s6 =	simm.s32 @!p0 $0x188;
	s11 =	simm.s32 @!p0 $0x5B00  }
0x77: {  	[tilespmem:s11], [sflag:$0x1] =	stream.indirect.gather @!p0 [hbm4b:s3+s0], $0x40, s6, s0, $0xb8;
	[tilespmem:$0xCB80] =	vst v63  }
0x78: {  	_ =	swait.ge [sflag:s28], $0xC80  }
0x79: {  	[sflag:s28] =	ssyncset.done $0x0  }
0x7a: {  	[sflag:s28] =	ssyncadd.s32 $0xFFFFF380  }
0x7b: {  	_ =	swait.ge [sflag:s28], $0xC80  }
0x7c: {  	[sflag:s28] =	ssyncset.done $0x0  }
0x7d: {  	[sflag:s28] =	ssyncadd.s32 $0xFFFFF380  }
0x7e: {  	_ =	swait.ge [sflag:s28], $0xC80  }
0x7f: {  	[sflag:s28] =	ssyncset.done $0x0  }
0x80: {  	[sflag:s28] =	ssyncadd.s32 $0xFFFFF380  }
0x81: {  	_ =	swait.ge [sflag:s28], $0xC80  }
0x82: {  	[sflag:s28] =	ssyncset.done $0x0  }
0x83: {  	[sflag:s28] =	ssyncadd.s32 $0xFFFFF380  }
0x84: {  	_ =	swait.ge [sflag:s28], $0xC80  }
0x85: {  	[sflag:s28] =	ssyncset.done $0x0  }
0x86: {  	[sflag:s28] =	ssyncadd.s32 $0xFFFFF380  }
0x87: {  	_ =	swait.ge [sflag:s28], $0xC80  }
0x88: {  	[sflag:s28] =	ssyncset.done $0x0  }
0x89: {  	s0 =	simm.s32 $0x1900;
	s6 =	smov.u32 s1;
	[sflag:s28] =	ssyncadd.s32 $0xFFFFF380  }
.LBB2_2:
0x8a: {  	_ =	swait.ge [sflag:s28], $0xC80  }
0x8b: {  	[sflag:s28] =	ssyncset.done $0x0  }
0x8c: {  	[sflag:s28] =	ssyncadd.s32 $0xFFFFF380  }
0x8d: {  	_ =	swait.ge [sflag:s28], $0xC80  }
0x8e: {  	[sflag:s28] =	ssyncset.done $0x0  }
0x8f: {  	s10 =	sadd.s32 $0xC80, s10;
	[sflag:s28] =	ssyncadd.s32 $0xFFFFF380  }
0x90: {  	[hbm4b:s10+s2] =	stream.linear.scatter [tilespmem:s25], [sflag:$0x4], $0x6400, $0x38;
	[tilespmem:$0xCB80] =	vst v63  }
0x91: {  	s6 =	sadd.s32 $0x70, s6  }
0x92: {  	[tilespmem:s24], [sflag:$0x5] =	stream.linear.gather [hbm4b:s6+s2], $0x1C0, $0x38;
	[tilespmem:$0xCB80] =	vst v63  }
0x93: {  	s11 =	smov.u32 s0;
	_ =	swait.ge [sflag:s7], $0x1C0  }
0x94: {  	p1 =	seq.s32 s11, $0x0;
	[sflag:s7] =	ssyncset.done $0x0  }
0x95: {  	s10 =	simm.s32 @!p1 $0x4;
	[sflag:s7] =	ssyncadd.s32 $0xFFFFFE40  }
0x96: {  	_ =	swait.ge @!p1 [sflag:s10], $0x6400  }
0x97: {  	s12 =	rddreg [dreg:$0x10]  }
0x98: {  	s13 =	rddreg [dreg:$0xc]  }
0x99: {  	s14 =	rddreg [dreg:$0xa]  }
0x9a: {  	s15 =	rddreg [dreg:$0x7]  }
0x9b: {  	s16 =	rddreg [dreg:$0x5]  }
0x9c: {  	[sflag:s10] =	ssyncset.done @!p1 $0x0;
	s17 =	rddreg [dreg:$0x3]  }
0x9d: {  	s18 =	rddreg [dreg:$0x4];
	[sflag:s10] =	ssyncadd.s32 @!p1 $0xFFFF9C00  }
0x9e: {  	[tilespmem:s25], [sflag:$0x2] =	stream.indirect.gather [hbm4b:s3+s8], $0x40, s24, s8, $0xb8;
	[tilespmem:$0xCB80] =	vst v63  }
0x9f: {  	s19 =	rddreg [dreg:$0x6]  }
0xa0: {  	[tilespmem:s18], [sflag:$0x2] =	stream.indirect.gather [hbm4b:s3+s8], $0x40, s17, s8, $0xb8;
	[tilespmem:$0xCB80] =	vst v63  }
0xa1: {  	s10 =	rddreg [dreg:$0xe]  }
0xa2: {  	[tilespmem:s19], [sflag:$0x2] =	stream.indirect.gather [hbm4b:s3+s8], $0x40, s16, s8, $0xb8;
	[tilespmem:$0xCB80] =	vst v63  }
0xa3: {  	s17 =	rddreg [dreg:$0x8]  }
0xa4: {  	[tilespmem:s17], [sflag:$0x2] =	stream.indirect.gather [hbm4b:s3+s8], $0x40, s15, s8, $0xb8;
	[tilespmem:$0xCB80] =	vst v63  }
0xa5: {  	s18 =	rddreg [dreg:$0x9]  }
0xa6: {  	[tilespmem:s14], [sflag:$0x2] =	stream.indirect.gather [hbm4b:s3+s8], $0x40, s18, s8, $0xb8;
	[tilespmem:$0xCB80] =	vst v63  }
0xa7: {  	s19 =	rddreg [dreg:$0xb]  }
0xa8: {  	[tilespmem:s13], [sflag:$0x2] =	stream.indirect.gather [hbm4b:s3+s8], $0x40, s19, s8, $0xb8;
	[tilespmem:$0xCB80] =	vst v63  }
0xa9: {  	s17 =	rddreg [dreg:$0xd]  }
0xaa: {  	[tilespmem:s10], [sflag:$0x2] =	stream.indirect.gather [hbm4b:s3+s8], $0x40, s17, s8, $0xb8;
	[tilespmem:$0xCB80] =	vst v63  }
0xab: {  	s18 =	rddreg [dreg:$0xf]  }
0xac: {  	[tilespmem:s12], [sflag:$0x2] =	stream.indirect.gather [hbm4b:s3+s8], $0x40, s18, s8, $0xb8;
	[tilespmem:$0xCB80] =	vst v63  }
0xad: {  	_ =	swait.ge [sflag:s26], $0xC80  }
0xae: {  	[sflag:s26] =	ssyncset.done $0x0  }
0xaf: {  	[sflag:s26] =	ssyncadd.s32 $0xFFFFF380  }
0xb0: {  	_ =	swait.ge [sflag:s26], $0xC80  }
0xb1: {  	[sflag:s26] =	ssyncset.done $0x0  }
0xb2: {  	[sflag:s26] =	ssyncadd.s32 $0xFFFFF380  }
0xb3: {  	_ =	swait.ge [sflag:s26], $0xC80  }
0xb4: {  	[sflag:s26] =	ssyncset.done $0x0  }
0xb5: {  	[sflag:s26] =	ssyncadd.s32 $0xFFFFF380  }
0xb6: {  	_ =	swait.ge [sflag:s26], $0xC80  }
0xb7: {  	[sflag:s26] =	ssyncset.done $0x0  }
0xb8: {  	[sflag:s26] =	ssyncadd.s32 $0xFFFFF380  }
0xb9: {  	_ =	swait.ge [sflag:s26], $0xC80  }
0xba: {  	[sflag:s26] =	ssyncset.done $0x0  }
0xbb: {  	[sflag:s26] =	ssyncadd.s32 $0xFFFFF380  }
0xbc: {  	_ =	swait.ge [sflag:s26], $0xC80  }
0xbd: {  	[sflag:s26] =	ssyncset.done $0x0  }
0xbe: {  	[sflag:s26] =	ssyncadd.s32 $0xFFFFF380  }
0xbf: {  	_ =	swait.ge [sflag:s26], $0xC80  }
0xc0: {  	[sflag:s26] =	ssyncset.done $0x0  }
0xc1: {  	[sflag:s26] =	ssyncadd.s32 $0xFFFFF380  }
0xc2: {  	_ =	swait.ge [sflag:s26], $0xC80  }
0xc3: {  	s19 =	rddreg [dreg:$0x2];
	[sflag:s26] =	ssyncset.done $0x0  }
0xc4: {  	p1 =	seq.s32 s11, $0x17700;
	[sflag:s26] =	ssyncadd.s32 $0xFFFFF380;
	s10 =	sadd.s32 s11, s19  }
0xc5: {  	[hbm4b:s10+s2] =	stream.linear.scatter [tilespmem:s9], [sflag:$0x3], $0x6400, $0x38;
	[tilespmem:$0xCB80] =	vst v63  }
0xc6: {  	s13 =	simm.s32 @!p1 $0x5;
	s12 =	simm.s32 @!p1 $0x0;
	s11 =	sadd.s32 @!p1 $0x38, s6  }
0xc7: {  	[tilespmem:s12], [sflag:$0x5] =	stream.linear.gather @!p1 [hbm4b:s11+s12], $0x1C0, $0x38;
	[tilespmem:$0xCB80] =	vst v63  }
0xc8: {  	_ =	swait.ge @!p1 [sflag:s13], $0x1C0  }
0xc9: {  	[sflag:s13] =	ssyncset.done @!p1 $0x0  }
0xca: {  	s11 =	simm.s32 @!p1 $0x3;
	[sflag:s13] =	ssyncadd.s32 @!p1 $0xFFFFFE40  }
0xcb: {  	_ =	swait.ge @!p1 [sflag:s11], $0x6400  }
0xcc: {  	[sflag:s11] =	ssyncset.done @!p1 $0x0  }
0xcd: {  	s13 =	simm.s32 @!p1 $0x380;
	[sflag:s11] =	ssyncadd.s32 @!p1 $0xFFFF9C00;
	s11 =	simm.s32 @!p1 $0x32  }
0xce: {  	[tilespmem:s13], [sflag:$0x1] =	stream.indirect.gather @!p1 [hbm4b:s3+s11], $0x40, s12, s11, $0xb8;
	[tilespmem:$0xCB80] =	vst v63  }
0xcf: {  	s12 =	simm.s32 @!p1 $0x38;
	s13 =	simm.s32 @!p1 $0x1000  }
0xd0: {  	[tilespmem:s13], [sflag:$0x1] =	stream.indirect.gather @!p1 [hbm4b:s3+s11], $0x40, s12, s11, $0xb8;
	[tilespmem:$0xCB80] =	vst v63  }
0xd1: {  	s12 =	simm.s32 @!p1 $0x70;
	s13 =	simm.s32 @!p1 $0x1C80  }
0xd2: {  	[tilespmem:s13], [sflag:$0x1] =	stream.indirect.gather @!p1 [hbm4b:s3+s11], $0x40, s12, s11, $0xb8;
	[tilespmem:$0xCB80] =	vst v63  }
0xd3: {  	s12 =	simm.s32 @!p1 $0xA8;
	s13 =	simm.s32 @!p1 $0x2900  }
0xd4: {  	[tilespmem:s13], [sflag:$0x1] =	stream.indirect.gather @!p1 [hbm4b:s3+s11], $0x40, s12, s11, $0xb8;
	[tilespmem:$0xCB80] =	vst v63  }
0xd5: {  	s12 =	simm.s32 @!p1 $0xE0;
	s13 =	simm.s32 @!p1 $0x3580  }
0xd6: {  	[tilespmem:s13], [sflag:$0x1] =	stream.indirect.gather @!p1 [hbm4b:s3+s11], $0x40, s12, s11, $0xb8;
	[tilespmem:$0xCB80] =	vst v63  }
0xd7: {  	s12 =	simm.s32 @!p1 $0x118;
	s13 =	simm.s32 @!p1 $0x4200  }
0xd8: {  	[tilespmem:s13], [sflag:$0x1] =	stream.indirect.gather @!p1 [hbm4b:s3+s11], $0x40, s12, s11, $0xb8;
	[tilespmem:$0xCB80] =	vst v63  }
0xd9: {  	s12 =	simm.s32 @!p1 $0x150;
	s13 =	simm.s32 @!p1 $0x4E80  }
0xda: {  	[tilespmem:s13], [sflag:$0x1] =	stream.indirect.gather @!p1 [hbm4b:s3+s11], $0x40, s12, s11, $0xb8;
	[tilespmem:$0xCB80] =	vst v63  }
0xdb: {  	s12 =	simm.s32 @!p1 $0x188;
	s13 =	simm.s32 @!p1 $0x5B00  }
0xdc: {  	[tilespmem:s13], [sflag:$0x1] =	stream.indirect.gather @!p1 [hbm4b:s3+s11], $0x40, s12, s11, $0xb8;
	[tilespmem:$0xCB80] =	vst v63  }
0xdd: {  	_ =	swait.ge [sflag:s28], $0xC80  }
0xde: {  	[sflag:s28] =	ssyncset.done $0x0  }
0xdf: {  	[sflag:s28] =	ssyncadd.s32 $0xFFFFF380  }
0xe0: {  	_ =	swait.ge [sflag:s28], $0xC80  }
0xe1: {  	[sflag:s28] =	ssyncset.done $0x0  }
0xe2: {  	[sflag:s28] =	ssyncadd.s32 $0xFFFFF380  }
0xe3: {  	_ =	swait.ge [sflag:s28], $0xC80  }
0xe4: {  	[sflag:s28] =	ssyncset.done $0x0  }
0xe5: {  	[sflag:s28] =	ssyncadd.s32 $0xFFFFF380  }
0xe6: {  	_ =	swait.ge [sflag:s28], $0xC80  }
0xe7: {  	[sflag:s28] =	ssyncset.done $0x0  }
0xe8: {  	s0 =	sadd.s32 $0x1900, s0;
	[sflag:s28] =	ssyncadd.s32 $0xFFFFF380  }
0xe9: {  	p0 =	sne.s32 s0, $0x19000;
	_ =	swait.ge [sflag:s28], $0xC80  }
.Ltmp0:
0xea: {  	[sflag:s28] =	ssyncset.done $0x0;
	(pc) =	sbr.rel @p0 .LBB2_2-.Ltmp0, $4  }
0xeb: {  	[sflag:s28] =	ssyncadd.s32 $0xFFFFF380  }
0xec: {  	_ =	swait.ge [sflag:s28], $0xC80  }
0xed: {  	[sflag:s28] =	ssyncset.done $0x0  }
0xee: {  	[sflag:s28] =	ssyncadd.s32 $0xFFFFF380  }
0xef: {  	_ =	swait.ge [sflag:s28], $0xC80  }
0xf0: {  	[sflag:s28] =	ssyncset.done $0x0  }
0xf1: {  	[sflag:s28] =	ssyncadd.s32 $0xFFFFF380  }
0xf2: {  	_ =	swait.ge [sflag:s28], $0xC80  }
0xf3: {  	[sflag:s28] =	ssyncset.done $0x0  }
0xf4: {  	s0 =	sadd.s32 $0xC80, s10;
	s31 =	sadd.s32 $0x1, s31;
	[sflag:s28] =	ssyncadd.s32 $0xFFFFF380  }
0xf5: {  	[hbm4b:s0+s2] =	stream.linear.scatter [tilespmem:s25], [sflag:$0x4], $0x6400, $0x38;
	[tilespmem:$0xCB80] =	vst v63  }
0xf6: {  	p0 =	sne.s32 s31, s5;
	_ =	swait.ge [sflag:s29], $0x6400  }
.Ltmp1:
0xf7: {  	[sflag:s29] =	ssyncset.done $0x0;
	(pc) =	sbr.rel @p0 .LBB2_1-.Ltmp1, $4  }
0xf8: {  	[sflag:s29] =	ssyncadd.s32 $0xFFFF9C00  }
0xf9: {  	_ =	swait.ge [sflag:s30], $0x6400  }
0xfa: {  	[sflag:s30] =	ssyncset.done $0x0  }
0xfb: {  	[sflag:s30] =	ssyncadd.s32 $0xFFFF9C00  }
0xfc: {  	_ =	sfence.sel $0x180000  }
0xfd: {  	[bflag:$0x0] =	sbarrier.arrive $0xFFFF  }
0xfe: {  	_ =	strace $0x90000047  }
0xff: {  	s0 =	stileid.u32;
	[bflag:$0x2] =	sbarrier.arrive $0xFFFF  }
0x100: {  	p0 =	sne.s32 s0, $0x0;
	s0 =	rddreg [dreg:$0x1]  }
0x101: {  	s0 =	sadd.s32 @!p0 $0x100000, s0  }
0x102: {  	[sflag:s0] =	ssyncadd.tile.s32 @!p0 $0x1;
	_ =	shalt  }
.Lfunc_end2:
_tile_overlayer_lowered:
.L_overlay_start_2:
0x103: {  	(tag) =	ssettag $0x2  }
0x104: {  	s0 =	rddreg [dreg:$0x0];
	s2 =	stileid.u32  }
0x105: {  	s1 =	rddreg [dreg:$0x1];
	p0 =	sne.s32 s2, $0x0  }
0x106: {  	s3 =	rddreg [dreg:$0x2];
	[bflag:$0x3] =	sbarrier.arrive $0xFFFF;
	s2 =	simm.s32 @!p0 $0x1C05  }
0x107: {  	[timem:s3], [sflag:s2] =	dma.local @!p0 [hbm:s0], s1  }
0x108: {  	s0 =	simm.s32 @!p0 $0x5  }
0x109: {  	_ =	swait.ge @!p0 [sflag:s0], s1  }
0x10a: {  	s1 =	ssub.s32 @!p0 $0x0, s1;
	[sflag:s0] =	ssyncset.done @!p0 $0x0  }
0x10b: {  	[sflag:s0] =	ssyncadd.s32 @!p0 s1  }
0x10c: {  	[bflag:$0x3] =	sbarrier.arrive $0xFFFF  }
0x10d: {  	_ =	shalt  }

// kernel: sparse-core-data-format-call.1.cloned.1.call-start
scs
called_computation.1_lowered:
.L_overlay_start_0:
0x0: {  	s2 =	sld [smem:$0x3FD9]  }
0x1: {  	s3 =	sld [smem:$0x3FFE];
	_ =	sdelay $0x1  }
0x2: {  	s1 =	srdreg.scid  }
0x3: {  	s0 =	sand.u32 $0x1, s1  }
0x4: {  	s18 =	sshll.u32 s0, $0xA;
	s2 =	sadd.s32 s3, s2  }
0x5: {  	s2 =	sadd.s32 s2, s18  }
0x6: {  	[smem:$0x3FC6] =	sst s2  }
0x7: {  	_ = 	snop  }
0x8: {  	(tm) =	ssettm $0x1  }
0x9: {  	s19 =	sld [smem:$0x3FFB];
	_ =	sdelay $0x3  }
0xa: {  	_ =	strace s19  }
0xb: {  	s2 =	sld [smem:$0x3FFC];
	_ =	sdelay $0x3  }
0xc: {  	_ =	strace s2  }
0xd: {  	s2 =	sld [smem:$0x3FFD];
	_ =	sdelay $0x3  }
0xe: {  	_ =	strace s2  }
0xf: {  	_ =	strace $0x8FFFFFFF  }
0x10: {  	s20 =	sld [smem:$0x3FDB];
	_ =	sdelay $0x1  }
0x11: {  	s21 =	simm.s32 $_scs_section_size  }
0x12: {  	s4 =	simm.s32 $_size__tile_overlayer_lowered;
	s5 =	simm.s32 $_tile_overlayer_lowered  }
0x13: {  	s6 =	simm.s32 $0x1BFF;
	s22 =	sshll.u32 s5, $0x1;
	s3 =	sadd.s32 s21, s20  }
0x14: {  	s23 =	simm.s32 $0x0;
	s4 =	sshll.u32 s4, $0x1;
	s5 =	sadd.s32 s22, s3  }
0x15: {  	[timem:s23], [sflag:s6] =	dma.local [hbm:s5], s4  }
0x16: {  	_ =	swait.ge [sflag:s6], s4  }
0x17: {  	s4 =	ssub.s32 $0x0, s4;
	[sflag:s6] =	ssyncset.done $0x0  }
0x18: {  	[sflag:s6] =	ssyncadd.s32 s4;
	_ =	sdelay $0x1  }
0x19: {  	s24 =	simm.s32 $0x1B8B  }
0x1a: {  	_ =	swait.ge [sflag:s24], $0x1  }
0x1b: {  	[sflag:s24] =	ssyncset.done $0x0  }
0x1c: {  	[sflag:s24] =	ssyncadd.s32 $0xFFFFFFFF  }
0x1d: {  	s4 =	sld [smem:$0x0]  }
0x1e: {  	s5 =	sand.u32 $0xFFFFFFFE, s1  }
0x1f: {  	p0 =	sne.s32 s1, s5  }
0x20: {  	s5 =	sshll.u32 @p0 s5, $0xE  }
0x21: {  	s5 =	sadd.s32 @p0 $0x11B8D, s5;
	s6 =	sshll.u32 @p0 s4, $0x11  }
0x22: {  	s5 =	sor.u32 @p0 s6, s5  }
0x23: {  	[sflag:s5] =	ssyncadd.remote.s32 @p0 $0x1;
	_ =	sdelay $0x1  }
0x24: {  	s5 =	simm.s32 @p0 $0x1B8D  }
0x25: {  	_ =	swait.eq @p0 [sflag:s5], $0x1  }
0x26: {  	[sflag:s5] =	ssyncadd.s32 @p0 $0xFFFFFFFF  }
0x27: {  	s6 =	sshll.u32 @!p0 s1, $0xE  }
0x28: {  	s6 =	sor.u32 @!p0 $0x4000, s6;
	s5 =	simm.s32 @!p0 $0x1B8D  }
0x29: {  	s4 =	sshll.u32 @!p0 s4, $0x11;
	s6 =	sadd.s32 @!p0 $0x11B8D, s6;
	_ =	swait.eq @!p0 [sflag:s5], $0x1  }
0x2a: {  	s4 =	sor.u32 @!p0 s4, s6;
	[sflag:s5] =	ssyncadd.s32 @!p0 $0xFFFFFFFF  }
0x2b: {  	s26 =	simm.s32 $0x1B8E;
	s25 =	sld [smem:$0x3FFE];
	[sflag:s4] =	ssyncadd.remote.s32 @!p0 $0x1  }
0x2c: {  	s27 =	simm.s32 $execute0_lowered;
	[smem:$0x3FD2] =	sst s26  }
0x2d: {  	s5 =	sshll.u32 s27, $0x1;
	_ =	strace $0x8000004C;
	[dreg:$0x1] =	wrdreg $0xFFFFFFFF  }
0x2e: {  	s28 =	simm.s32 $_size_execute0_lowered;
	s3 =	sadd.s32 s3, s5;
	[dreg:$0x0] =	wrdreg $0x0  }
0x2f: {  	s5 =	sshll.u32 s28, $0x1;
	[dreg:$0x2] =	wrdreg s3  }
0x30: {  	[dreg:$0x3] =	wrdreg s5  }
0x31: {  	[dreg:$0x4] =	wrdreg $0xC0  }
0x32: {  	_ =	task [dreg:s23], $0x5FFFF  }
0x33: {  	[dreg:$0x1] =	wrdreg $0xFFFFFFFF  }
0x34: {  	[dreg:$0x0] =	wrdreg $0x60  }
0x35: {  	[dreg:$0x2] =	wrdreg s25  }
0x36: {  	[dreg:$0x3] =	wrdreg $0x9  }
0x37: {  	_ =	task.clear_ibuf [dreg:s23], $0x4FFFF;
	_ =	strace $0x9000004C  }
0x38: {  	s29 =	simm.s32 $0x9;
	_ =	strace $0x8000004E  }
0x39: {  	_ =	swait.ge [sflag:s29], $0x1  }
0x3a: {  	[sflag:s29] =	ssyncadd.s32 $0xFFFFFFFF  }
0x3b: {  	_ =	strace $0x9000004E  }
0x3c: {  	_ =	sfence  }
0x3d: {  	s30 =	sld [smem:$0x0];
	_ =	sdelay $0x2  }
0x3e: {  	s31 =	sshll.u32 s1, $0xD;
	s1 =	sshrl.u32 s1, $0x2  }
0x3f: {  	s4 =	sand.u32 $0x4000, s31;
	s1 =	sadd.s32 s1, s30  }
0x40: {  	s0 =	sor.u32 s4, s0;
	s1 =	sshll.u32 s1, $0x11  }
0x41: {  	s0 =	sor.u32 s1, s0  }
0x42: {  	s0 =	sadd.s32 $0x8F2B, s0  }
0x43: {  	[sflag:s0] =	ssyncadd.remote.s32 $0x1  }
0x44: {  	_ =	sfence.sel $0xFFFF  }
0x45: {  	[dreg:$0x0] =	wrdreg $0xFFFFFFFF;
	(pc) =	sbr.abs _section_cstart, $3  }
0x46: {  	[dreg:$0x1] =	wrdreg $0xFFFFFFFF  }
0x47: {  	_ =	task.clear_ibuf [dreg:s23], $0x2FFFF;
	_ =	strace $0x9FFFFFFF  }
0x48: {  	(tm) =	ssettm $0x7FFFFFFF  }
0x49: {  	_ =	shalt  }
tec
execute0_lowered:
.L_overlay_start_1:
0x0: {  	(tag) =	ssettag $0x1  }
0x1: {  	s0 =	srdreg.scid  }
0x2: {  	s1 =	sshll.u32 s0, $0x4  }
0x3: {  	s0 =	stileid.u32;
	s1 =	sand.u32 $0x10, s1  }
0x4: {  	s1 =	sor.u32 s0, s1  }
0x5: {  	s6 =	rddreg [dreg:$0x0];
	s7 =	simm.s32 $0x2;
	s2 =	sshll.u32 s1, $0x7  }
0x6: {  	s12 =	simm.s32 $0x0;
	s8 =	simm.s32 $0x10000;
	s1 =	ssub.s32 $0x2000, s2  }
0x7: {  	s13 =	simm.s32 $0x0;
	s9 =	simm.s32 $0x0;
	s3 =	sand.u32 $0xF80, s1  }
0x8: {  	s11 =	simm.s32 $0x0;
	p0 =	sne.s32 s3, $0x0;
	s3 =	simm.s32 $0x1  }
.Ltmp0:
0x9: {  	s4 =	sshrl.u32 s1, $0xC;
	s3 =	simm.s32 @!p0 $0x0;
	(pc) =	sbr.rel .LBB1_1-.Ltmp0, $4  }
0xa: {  	s5 =	sadd.s32 $0x33D600, s6;
	s1 =	rddreg [dreg:$0x1];
	s4 =	sadd.s32 s3, s4  }
0xb: {  	_ =	strace $0x8000004D;
	s3 =	simm.s32 $0x1;
	s4 =	smul.u32 $0x32, s4  }
0xc: {  	s6 =	sadd.s32 $0x1600, s6;
	s10 =	smov.u32 s2;
	[sflag:s3] =	ssyncpa.u1 $0x0  }
0xd: {  	p0 =	por $0x0, $0x0;
	[sflag:s7] =	ssyncpa.u1 $0x0;
	s7 =	sor.u32 $0x1, s4  }
.LBB1_4:
0xe: {  	s16 =	sshll.u32 s13, $0x3;
	s17 =	sand.u32 $0x78, s13  }
0xf: {  	s30 =	sand.u32 $0xFC00, s13;
	s12 =	sshll.u32 s12, $0x10;
	s16 =	sand.u32 $0x1C00, s16  }
0x10: {  	[tilespmem:s15+$0x810 ss:$0x81] =	vst.msk $0xffff, v2;
	s31 =	sand.u32 $0x7, s13;
	s16 =	sor.u32 s17, s16;
	s17 =	sadd.s32 s6, s30  }
0x11: {  	[tilespmem:s15+$0x1020 ss:$0x81] =	vst.msk $0xffff, v0;
	s13 =	sshll.u32 s31, $0x12;
	s12 =	sadd.s32 s12, s17;
	s16 =	sshrl.u32 s16, $0x3  }
0x12: {  	[tilespmem:s15+$0x0 ss:$0x81] =	vst.msk $0xffff, v1;
	s13 =	sor.u32 $0x400, s13;
	s12 =	sadd.s32 s16, s12  }
0x13: {  	[hbm4b:s12+s13] =	stream.strided.scatter [tilespmem:s14], [sflag:$0x2], $0x2000, s8, s13, $0x20;
	[tilespmem:$0x8080] =	vst v63  }
.LBB1_5:
0x14: {  	s14 =	sadd.s32 $0x1, s9  }
0x15: {  	s12 =	sadd.s32 $0x1000, s10;
	s16 =	smov.u32 s10;
	p2 =	sgt.s32 s14, $0x31  }
0x16: {  	s16 =	smov.u32 @p2 s12  }
0x17: {  	s14 =	simm.s32 @p2 $0x0;
	p2 =	sgt.s32 s16, $0x1FFF  }
0x18: {  	s16 =	smov.u32 @p2 s2;
	p2 =	sne.s32 s11, s7  }
.Ltmp1:
0x19: {  	p1 =	slt.u32 s11, $0x2;
	(pc) =	sbr.rel @!p2 .LBB1_6-.Ltmp1, $4  }
0x1a: {  	s15 =	simm.s32 @!p1 $0x2  }
0x1b: {  	s13 =	smov.u32 s10;
	p0 =	por !p0, !p0;
	_ =	swait.ge @!p1 [sflag:s15], $0x2000  }
0x1c: {  	s12 =	smov.u32 s9;
	[sflag:s15] =	ssyncset.done @!p1 $0x0;
	s9 =	smov.u32 s14  }
0x1d: {  	s11 =	sadd.s32 $0x1, s11;
	[sflag:s15] =	ssyncadd.s32 @!p1 $0xFFFFE000;
	s10 =	smov.u32 s16  }
.LBB1_1:
0x1e: {  	p1 =	sge.u32 s11, s4  }
0x1f: {  	s14 =	sand.u32 @!p1 $0x1FFFFFF, s9  }
0x20: {  	s15 =	smulhi.u32 @!p1 $0x4924925, s14;
	_ =	sdelay $0x1  }
0x21: {  	s15 =	smul.u32 @!p1 $0x38, s15  }
0x22: {  	s16 =	sxor.u32 @!p1 $0xFFFFFFFF, s11;
	s17 =	smul.u32 @!p1 $0x380, s10  }
0x23: {  	s31 =	sadd.s32 $0xFFFFFFFF, s11;
	s16 =	sshll.u32 @!p1 s16, $0xD;
	s14 =	ssub.s32 @!p1 s14, s15  }
0x24: {  	s15 =	sand.u32 @!p1 $0x2000, s16;
	s16 =	sadd.s32 @!p1 s5, s17;
	s14 =	sshll.u32 @!p1 s14, $0x4  }
0x25: {  	s17 =	simm.s32 @!p1 $0x1C00;
	s14 =	sadd.s32 @!p1 s14, s16;
	s16 =	simm.s32 @!p1 $0x40  }
0x26: {  	[tilespmem:s15], [sflag:$0x1] =	stream.strided.gather @!p1 [hbm4b:s14+s16], $0x2000, s17, s16, $0x38;
	[tilespmem:$0x8080] =	vst v63  }
0x27: {  	p1 =	sge.u32 s31, s4  }
.Ltmp2:
0x28: {  	_ = 	snop;
	(pc) =	sbr.rel @p1 .LBB1_5-.Ltmp2, $1  }
0x29: {  	_ =	sdelay $0x3  }
0x2a: {  	s14 =	simm.s32 $0x1  }
0x2b: {  	_ =	swait.ge [sflag:s3], $0x2000;
	s14 =	simm.s32 @!p0 $0x0  }
0x2c: {  	[sflag:s3] =	ssyncset.done $0x0;
	s15 =	sshll.u32 s14, $0xD  }
0x2d: {  	[sflag:s3] =	ssyncadd.s32 $0xFFFFE000;
	s18 =	sor.u32 $0x20, s15  }
0x2e: {  	s14 =	smul.u32 $0x8100, s14;
	v3 =	vld [tilespmem:s18+$0x10]  }
0x2f: {  	s30 =	sand.u32 $0x1, s11;
	v2 =	vld [tilespmem:s18+$0xFFFFFFF0]  }
0x30: {  	s15 =	smul.u32 $0x8100, s30;
	s14 =	sshrl.u32 s14, $0x2;
	v0 =	vld [tilespmem:s18+$0x0]  }
0x31: {  	v1 =	vld [tilespmem:s18+$0xFFFFFFE0];
	s16 =	sor.u32 $0x4000, s14  }
0x32: {  	s31 =	sshrl.u32 s15, $0x2;
	s15 =	sadd.s32 $0x0, s16  }
0x33: {  	s17 =	simm.s32 $0x4;
	s18 =	sadd.s32 $0x40, s18;
	s14 =	sor.u32 $0x4000, s31;
	[tilespmem:s15+$0x1830 ss:$0x81] =	vst.msk $0xffff, v3  }
.LBB1_3:
0x34: {  	v3 =	vld [tilespmem:s18+$0x10];
	p1 =	sne.s32 s17, $0x1FC;
	[tilespmem:s15+$0x810 ss:$0x81] =	vst.msk $0xffff, v2;
	s19 =	smov.u32 s17;
	s17 =	sadd.s32 $0x4, s17  }
.Ltmp3:
0x35: {  	v2 =	vld [tilespmem:s18+$0xFFFFFFF0];
	[tilespmem:s15+$0x1020 ss:$0x81] =	vst.msk $0xffff, v0;
	(pc) =	sbr.rel @p1 .LBB1_3-.Ltmp3, $4  }
0x36: {  	v0 =	vld [tilespmem:s18+$0x0];
	[tilespmem:s15+$0x0 ss:$0x81] =	vst.msk $0xffff, v1  }
0x37: {  	s15 =	sshra.s32 s19, $0x2;
	v1 =	vld [tilespmem:s18+$0xFFFFFFE0]  }
0x38: {  	s15 =	sadd.s32 s15, s16  }
0x39: {  	s18 =	sadd.s32 $0x40, s18;
	[tilespmem:s15+$0x1830 ss:$0x81] =	vst.msk $0xffff, v3  }
.Ltmp4:
0x3a: {  	_ = 	snop;
	(pc) =	sbr.rel .LBB1_4-.Ltmp4, $1  }
0x3b: {  	_ =	sdelay $0x3  }
.LBB1_6:
0x3c: {  	_ =	sfence.sel $0x180000  }
0x3d: {  	s2 =	simm.s32 $0x1;
	[bflag:$0x0] =	sbarrier.arrive $0xFFFF  }
0x3e: {  	s31 =	simm.s32 $0x2;
	[sflag:s2] =	ssyncpa.u1 $0x1  }
0x3f: {  	[sflag:s31] =	ssyncpa.u1 $0x1  }
0x40: {  	p0 =	sne.s32 s0, $0x0;
	_ =	strace $0x9000004D  }
0x41: {  	s0 =	sadd.s32 @!p0 $0x100000, s1;
	[bflag:$0x2] =	sbarrier.arrive $0xFFFF  }
0x42: {  	[sflag:s0] =	ssyncadd.tile.s32 @!p0 $0x1;
	_ =	shalt  }
.Lfunc_end1:
_tile_overlayer_lowered:
.L_overlay_start_2:
0x43: {  	(tag) =	ssettag $0x2  }
0x44: {  	s0 =	rddreg [dreg:$0x0];
	s2 =	stileid.u32  }
0x45: {  	s1 =	rddreg [dreg:$0x1];
	p0 =	sne.s32 s2, $0x0  }
0x46: {  	s3 =	rddreg [dreg:$0x2];
	[bflag:$0x3] =	sbarrier.arrive $0xFFFF;
	s2 =	simm.s32 @!p0 $0x1C01  }
0x47: {  	[timem:s3], [sflag:s2] =	dma.local @!p0 [hbm:s0], s1  }
0x48: {  	s0 =	simm.s32 @!p0 $0x1  }
0x49: {  	_ =	swait.ge @!p0 [sflag:s0], s1  }
0x4a: {  	s1 =	ssub.s32 @!p0 $0x0, s1;
	[sflag:s0] =	ssyncset.done @!p0 $0x0  }
0x4b: {  	[sflag:s0] =	ssyncadd.s32 @!p0 s1  }
0x4c: {  	[bflag:$0x3] =	sbarrier.arrive $0xFFFF  }
0x4d: {  	_ =	shalt  }

// kernel: sparse-core-data-format-call.cloned.1.call-start
scs
called_computation_lowered:
.L_overlay_start_0:
0x0: {  	s2 =	sld [smem:$0x3FD9]  }
0x1: {  	s3 =	sld [smem:$0x3FFE];
	_ =	sdelay $0x1  }
0x2: {  	s1 =	srdreg.scid  }
0x3: {  	s0 =	sand.u32 $0x1, s1  }
0x4: {  	s18 =	sshll.u32 s0, $0xA;
	s2 =	sadd.s32 s3, s2  }
0x5: {  	s2 =	sadd.s32 s2, s18  }
0x6: {  	[smem:$0x3FC6] =	sst s2  }
0x7: {  	_ = 	snop  }
0x8: {  	(tm) =	ssettm $0x1  }
0x9: {  	s19 =	sld [smem:$0x3FFB];
	_ =	sdelay $0x3  }
0xa: {  	_ =	strace s19  }
0xb: {  	s2 =	sld [smem:$0x3FFC];
	_ =	sdelay $0x3  }
0xc: {  	_ =	strace s2  }
0xd: {  	s2 =	sld [smem:$0x3FFD];
	_ =	sdelay $0x3  }
0xe: {  	_ =	strace s2  }
0xf: {  	_ =	strace $0x8FFFFFFF  }
0x10: {  	s20 =	sld [smem:$0x3FDB];
	_ =	sdelay $0x1  }
0x11: {  	s21 =	simm.s32 $_scs_section_size  }
0x12: {  	s4 =	simm.s32 $_size__tile_overlayer_lowered;
	s5 =	simm.s32 $_tile_overlayer_lowered  }
0x13: {  	s6 =	simm.s32 $0x1BFF;
	s22 =	sshll.u32 s5, $0x1;
	s3 =	sadd.s32 s21, s20  }
0x14: {  	s23 =	simm.s32 $0x0;
	s4 =	sshll.u32 s4, $0x1;
	s5 =	sadd.s32 s22, s3  }
0x15: {  	[timem:s23], [sflag:s6] =	dma.local [hbm:s5], s4  }
0x16: {  	_ =	swait.ge [sflag:s6], s4  }
0x17: {  	s4 =	ssub.s32 $0x0, s4;
	[sflag:s6] =	ssyncset.done $0x0  }
0x18: {  	[sflag:s6] =	ssyncadd.s32 s4;
	_ =	sdelay $0x1  }
0x19: {  	s24 =	simm.s32 $0x1B8B  }
0x1a: {  	_ =	swait.ge [sflag:s24], $0x1  }
0x1b: {  	[sflag:s24] =	ssyncset.done $0x0  }
0x1c: {  	[sflag:s24] =	ssyncadd.s32 $0xFFFFFFFF  }
0x1d: {  	s4 =	sld [smem:$0x0]  }
0x1e: {  	s5 =	sand.u32 $0xFFFFFFFE, s1  }
0x1f: {  	p0 =	sne.s32 s1, s5  }
0x20: {  	s5 =	sshll.u32 @p0 s5, $0xE  }
0x21: {  	s5 =	sadd.s32 @p0 $0x11B8D, s5;
	s6 =	sshll.u32 @p0 s4, $0x11  }
0x22: {  	s5 =	sor.u32 @p0 s6, s5  }
0x23: {  	[sflag:s5] =	ssyncadd.remote.s32 @p0 $0x1;
	_ =	sdelay $0x1  }
0x24: {  	s5 =	simm.s32 @p0 $0x1B8D  }
0x25: {  	_ =	swait.eq @p0 [sflag:s5], $0x1  }
0x26: {  	[sflag:s5] =	ssyncadd.s32 @p0 $0xFFFFFFFF  }
0x27: {  	s6 =	sshll.u32 @!p0 s1, $0xE  }
0x28: {  	s6 =	sor.u32 @!p0 $0x4000, s6;
	s5 =	simm.s32 @!p0 $0x1B8D  }
0x29: {  	s4 =	sshll.u32 @!p0 s4, $0x11;
	s6 =	sadd.s32 @!p0 $0x11B8D, s6;
	_ =	swait.eq @!p0 [sflag:s5], $0x1  }
0x2a: {  	s4 =	sor.u32 @!p0 s4, s6;
	[sflag:s5] =	ssyncadd.s32 @!p0 $0xFFFFFFFF  }
0x2b: {  	s26 =	simm.s32 $0x1B8E;
	s25 =	sld [smem:$0x3FFE];
	[sflag:s4] =	ssyncadd.remote.s32 @!p0 $0x1  }
0x2c: {  	s27 =	simm.s32 $execute0_lowered;
	[smem:$0x3FD2] =	sst s26  }
0x2d: {  	s5 =	sshll.u32 s27, $0x1;
	_ =	strace $0x8000004F;
	[dreg:$0x1] =	wrdreg $0xFFFFFFFF  }
0x2e: {  	s28 =	simm.s32 $_size_execute0_lowered;
	s3 =	sadd.s32 s3, s5;
	[dreg:$0x0] =	wrdreg $0x0  }
0x2f: {  	s5 =	sshll.u32 s28, $0x1;
	[dreg:$0x2] =	wrdreg s3  }
0x30: {  	[dreg:$0x3] =	wrdreg s5  }
0x31: {  	[dreg:$0x4] =	wrdreg $0xC0  }
0x32: {  	_ =	task [dreg:s23], $0x5FFFF  }
0x33: {  	[dreg:$0x1] =	wrdreg $0xFFFFFFFF  }
0x34: {  	[dreg:$0x0] =	wrdreg $0x60  }
0x35: {  	[dreg:$0x2] =	wrdreg s25  }
0x36: {  	[dreg:$0x3] =	wrdreg $0xA  }
0x37: {  	_ =	task.clear_ibuf [dreg:s23], $0x4FFFF;
	_ =	strace $0x9000004F  }
0x38: {  	s29 =	simm.s32 $0xA;
	_ =	strace $0x80000051  }
0x39: {  	_ =	swait.ge [sflag:s29], $0x1  }
0x3a: {  	[sflag:s29] =	ssyncadd.s32 $0xFFFFFFFF  }
0x3b: {  	_ =	strace $0x90000051  }
0x3c: {  	_ =	sfence  }
0x3d: {  	s30 =	sld [smem:$0x0];
	_ =	sdelay $0x2  }
0x3e: {  	s31 =	sshll.u32 s1, $0xD;
	s1 =	sshrl.u32 s1, $0x2  }
0x3f: {  	s4 =	sand.u32 $0x4000, s31;
	s1 =	sadd.s32 s1, s30  }
0x40: {  	s0 =	sor.u32 s4, s0;
	s1 =	sshll.u32 s1, $0x11  }
0x41: {  	s0 =	sor.u32 s1, s0  }
0x42: {  	s0 =	sadd.s32 $0x8F2B, s0  }
0x43: {  	[sflag:s0] =	ssyncadd.remote.s32 $0x1  }
0x44: {  	_ =	sfence.sel $0xFFFF  }
0x45: {  	[dreg:$0x0] =	wrdreg $0xFFFFFFFF;
	(pc) =	sbr.abs _section_cstart, $3  }
0x46: {  	[dreg:$0x1] =	wrdreg $0xFFFFFFFF  }
0x47: {  	_ =	task.clear_ibuf [dreg:s23], $0x2FFFF;
	_ =	strace $0x9FFFFFFF  }
0x48: {  	(tm) =	ssettm $0x7FFFFFFF  }
0x49: {  	_ =	shalt  }
tec
execute0_lowered:
.L_overlay_start_1:
0x0: {  	(tag) =	ssettag $0x1  }
0x1: {  	s0 =	srdreg.scid  }
0x2: {  	s1 =	sshll.u32 s0, $0x4  }
0x3: {  	s0 =	stileid.u32;
	s1 =	sand.u32 $0x10, s1  }
0x4: {  	s1 =	sor.u32 s0, s1  }
0x5: {  	s6 =	rddreg [dreg:$0x0];
	s7 =	simm.s32 $0x2;
	s2 =	sshll.u32 s1, $0x7  }
0x6: {  	s12 =	simm.s32 $0x0;
	s8 =	simm.s32 $0x10000;
	s1 =	ssub.s32 $0x2000, s2  }
0x7: {  	s13 =	simm.s32 $0x0;
	s9 =	simm.s32 $0x0;
	s3 =	sand.u32 $0xF80, s1  }
0x8: {  	s11 =	simm.s32 $0x0;
	p0 =	sne.s32 s3, $0x0;
	s3 =	simm.s32 $0x1  }
.Ltmp0:
0x9: {  	s4 =	sshrl.u32 s1, $0xC;
	s3 =	simm.s32 @!p0 $0x0;
	(pc) =	sbr.rel .LBB1_1-.Ltmp0, $4  }
0xa: {  	s5 =	sadd.s32 $0xA3D600, s6;
	s1 =	rddreg [dreg:$0x1];
	s4 =	sadd.s32 s3, s4  }
0xb: {  	_ =	strace $0x80000050;
	s3 =	simm.s32 $0x1;
	s4 =	smul.u32 $0x32, s4  }
0xc: {  	s6 =	sadd.s32 $0x113D600, s6;
	s10 =	smov.u32 s2;
	[sflag:s3] =	ssyncpa.u1 $0x0  }
0xd: {  	p0 =	por $0x0, $0x0;
	[sflag:s7] =	ssyncpa.u1 $0x0;
	s7 =	sor.u32 $0x1, s4  }
.LBB1_4:
0xe: {  	s16 =	sshll.u32 s13, $0x3;
	s17 =	sand.u32 $0x78, s13  }
0xf: {  	s30 =	sand.u32 $0xFC00, s13;
	s12 =	sshll.u32 s12, $0x10;
	s16 =	sand.u32 $0x1C00, s16  }
0x10: {  	[tilespmem:s15+$0x810 ss:$0x81] =	vst.msk $0xffff, v2;
	s31 =	sand.u32 $0x7, s13;
	s16 =	sor.u32 s17, s16;
	s17 =	sadd.s32 s6, s30  }
0x11: {  	[tilespmem:s15+$0x1020 ss:$0x81] =	vst.msk $0xffff, v0;
	s13 =	sshll.u32 s31, $0x12;
	s12 =	sadd.s32 s12, s17;
	s16 =	sshrl.u32 s16, $0x3  }
0x12: {  	[tilespmem:s15+$0x0 ss:$0x81] =	vst.msk $0xffff, v1;
	s13 =	sor.u32 $0x400, s13;
	s12 =	sadd.s32 s16, s12  }
0x13: {  	[hbm4b:s12+s13] =	stream.strided.scatter [tilespmem:s14], [sflag:$0x2], $0x2000, s8, s13, $0x20;
	[tilespmem:$0x8080] =	vst v63  }
.LBB1_5:
0x14: {  	s14 =	sadd.s32 $0x1, s9  }
0x15: {  	s12 =	sadd.s32 $0x1000, s10;
	s16 =	smov.u32 s10;
	p2 =	sgt.s32 s14, $0x31  }
0x16: {  	s16 =	smov.u32 @p2 s12  }
0x17: {  	s14 =	simm.s32 @p2 $0x0;
	p2 =	sgt.s32 s16, $0x1FFF  }
0x18: {  	s16 =	smov.u32 @p2 s2;
	p2 =	sne.s32 s11, s7  }
.Ltmp1:
0x19: {  	p1 =	slt.u32 s11, $0x2;
	(pc) =	sbr.rel @!p2 .LBB1_6-.Ltmp1, $4  }
0x1a: {  	s15 =	simm.s32 @!p1 $0x2  }
0x1b: {  	s13 =	smov.u32 s10;
	p0 =	por !p0, !p0;
	_ =	swait.ge @!p1 [sflag:s15], $0x2000  }
0x1c: {  	s12 =	smov.u32 s9;
	[sflag:s15] =	ssyncset.done @!p1 $0x0;
	s9 =	smov.u32 s14  }
0x1d: {  	s11 =	sadd.s32 $0x1, s11;
	[sflag:s15] =	ssyncadd.s32 @!p1 $0xFFFFE000;
	s10 =	smov.u32 s16  }
.LBB1_1:
0x1e: {  	p1 =	sge.u32 s11, s4  }
0x1f: {  	s14 =	sand.u32 @!p1 $0x1FFFFFF, s9  }
0x20: {  	s15 =	smulhi.u32 @!p1 $0x4924925, s14;
	_ =	sdelay $0x1  }
0x21: {  	s15 =	smul.u32 @!p1 $0x38, s15  }
0x22: {  	s16 =	sxor.u32 @!p1 $0xFFFFFFFF, s11;
	s17 =	smul.u32 @!p1 $0x380, s10  }
0x23: {  	s31 =	sadd.s32 $0xFFFFFFFF, s11;
	s16 =	sshll.u32 @!p1 s16, $0xD;
	s14 =	ssub.s32 @!p1 s14, s15  }
0x24: {  	s15 =	sand.u32 @!p1 $0x2000, s16;
	s16 =	sadd.s32 @!p1 s5, s17;
	s14 =	sshll.u32 @!p1 s14, $0x4  }
0x25: {  	s17 =	simm.s32 @!p1 $0x1C00;
	s14 =	sadd.s32 @!p1 s14, s16;
	s16 =	simm.s32 @!p1 $0x40  }
0x26: {  	[tilespmem:s15], [sflag:$0x1] =	stream.strided.gather @!p1 [hbm4b:s14+s16], $0x2000, s17, s16, $0x38;
	[tilespmem:$0x8080] =	vst v63  }
0x27: {  	p1 =	sge.u32 s31, s4  }
.Ltmp2:
0x28: {  	_ = 	snop;
	(pc) =	sbr.rel @p1 .LBB1_5-.Ltmp2, $1  }
0x29: {  	_ =	sdelay $0x3  }
0x2a: {  	s14 =	simm.s32 $0x1  }
0x2b: {  	_ =	swait.ge [sflag:s3], $0x2000;
	s14 =	simm.s32 @!p0 $0x0  }
0x2c: {  	[sflag:s3] =	ssyncset.done $0x0;
	s15 =	sshll.u32 s14, $0xD  }
0x2d: {  	[sflag:s3] =	ssyncadd.s32 $0xFFFFE000;
	s18 =	sor.u32 $0x20, s15  }
0x2e: {  	s14 =	smul.u32 $0x8100, s14;
	v3 =	vld [tilespmem:s18+$0x10]  }
0x2f: {  	s30 =	sand.u32 $0x1, s11;
	v2 =	vld [tilespmem:s18+$0xFFFFFFF0]  }
0x30: {  	s15 =	smul.u32 $0x8100, s30;
	s14 =	sshrl.u32 s14, $0x2;
	v0 =	vld [tilespmem:s18+$0x0]  }
0x31: {  	v1 =	vld [tilespmem:s18+$0xFFFFFFE0];
	s16 =	sor.u32 $0x4000, s14  }
0x32: {  	s31 =	sshrl.u32 s15, $0x2;
	s15 =	sadd.s32 $0x0, s16  }
0x33: {  	s17 =	simm.s32 $0x4;
	s18 =	sadd.s32 $0x40, s18;
	s14 =	sor.u32 $0x4000, s31;
	[tilespmem:s15+$0x1830 ss:$0x81] =	vst.msk $0xffff, v3  }
.LBB1_3:
0x34: {  	v3 =	vld [tilespmem:s18+$0x10];
	p1 =	sne.s32 s17, $0x1FC;
	[tilespmem:s15+$0x810 ss:$0x81] =	vst.msk $0xffff, v2;
	s19 =	smov.u32 s17;
	s17 =	sadd.s32 $0x4, s17  }
.Ltmp3:
0x35: {  	v2 =	vld [tilespmem:s18+$0xFFFFFFF0];
	[tilespmem:s15+$0x1020 ss:$0x81] =	vst.msk $0xffff, v0;
	(pc) =	sbr.rel @p1 .LBB1_3-.Ltmp3, $4  }
0x36: {  	v0 =	vld [tilespmem:s18+$0x0];
	[tilespmem:s15+$0x0 ss:$0x81] =	vst.msk $0xffff, v1  }
0x37: {  	s15 =	sshra.s32 s19, $0x2;
	v1 =	vld [tilespmem:s18+$0xFFFFFFE0]  }
0x38: {  	s15 =	sadd.s32 s15, s16  }
0x39: {  	s18 =	sadd.s32 $0x40, s18;
	[tilespmem:s15+$0x1830 ss:$0x81] =	vst.msk $0xffff, v3  }
.Ltmp4:
0x3a: {  	_ = 	snop;
	(pc) =	sbr.rel .LBB1_4-.Ltmp4, $1  }
0x3b: {  	_ =	sdelay $0x3  }
.LBB1_6:
0x3c: {  	_ =	sfence.sel $0x180000  }
0x3d: {  	s2 =	simm.s32 $0x1;
	[bflag:$0x0] =	sbarrier.arrive $0xFFFF  }
0x3e: {  	s31 =	simm.s32 $0x2;
	[sflag:s2] =	ssyncpa.u1 $0x1  }
0x3f: {  	[sflag:s31] =	ssyncpa.u1 $0x1  }
0x40: {  	p0 =	sne.s32 s0, $0x0;
	_ =	strace $0x90000050  }
0x41: {  	s0 =	sadd.s32 @!p0 $0x100000, s1;
	[bflag:$0x2] =	sbarrier.arrive $0xFFFF  }
0x42: {  	[sflag:s0] =	ssyncadd.tile.s32 @!p0 $0x1;
	_ =	shalt  }
.Lfunc_end1:
_tile_overlayer_lowered:
.L_overlay_start_2:
0x43: {  	(tag) =	ssettag $0x2  }
0x44: {  	s0 =	rddreg [dreg:$0x0];
	s2 =	stileid.u32  }
0x45: {  	s1 =	rddreg [dreg:$0x1];
	p0 =	sne.s32 s2, $0x0  }
0x46: {  	s3 =	rddreg [dreg:$0x2];
	[bflag:$0x3] =	sbarrier.arrive $0xFFFF;
	s2 =	simm.s32 @!p0 $0x1C01  }
0x47: {  	[timem:s3], [sflag:s2] =	dma.local @!p0 [hbm:s0], s1  }
0x48: {  	s0 =	simm.s32 @!p0 $0x1  }
0x49: {  	_ =	swait.ge @!p0 [sflag:s0], s1  }
0x4a: {  	s1 =	ssub.s32 @!p0 $0x0, s1;
	[sflag:s0] =	ssyncset.done @!p0 $0x0  }
0x4b: {  	[sflag:s0] =	ssyncadd.s32 @!p0 s1  }
0x4c: {  	[bflag:$0x3] =	sbarrier.arrive $0xFFFF  }
0x4d: {  	_ =	shalt  }

</sc_bundles>
